<compile_context>
chip_gen: v7x
topology: tpu7x:2x2x1
jax: 0.10.2.dev20260603
libtpu: 0.0.44.dev20260713+nightly
codegen_flags: <defaults>
</compile_context>

<pallas_src>
import functools

import jax
import jax.numpy as jnp
from jax import lax
from jax.experimental import pallas as pl
from jax.experimental.pallas import tpu as pltpu
from jax.experimental.pallas import tpu_sc as plsc

NEG_INF = -1e10
EOS_ID = 1
T = 1024
V = 8000
N = 256
GLEN = 9
NC = 2
NS = 16
NW = NC * NS
T_PER = T // NW
ROWS_PER_W = T_PER * N // 128


def _lse_body(x_ref, lse_ref, blank_ref):
    x = x_ref[...]
    m = jnp.max(x, axis=1, keepdims=True)
    s = jnp.sum(jnp.exp(x - m), axis=1, keepdims=True)
    lse_ref[...] = m + jnp.log(s)
    blank_ref[...] = x[:, V - 1:V]


def _combine_body(g_ref, lse_ref, blank_ref, c_ref, o_ref):
    lse = lse_ref[...]
    blank_lp = blank_ref[...] - lse
    bl_b = jnp.broadcast_to(blank_lp, (T, N))
    row = lax.broadcasted_iota(jnp.int32, (T, T), 0)
    col = lax.broadcasted_iota(jnp.int32, (T, T), 1)
    tri = jnp.where(col < row, 1.0, 0.0).astype(jnp.float32)
    gb_prev = jnp.dot(tri, bl_b, preferred_element_type=jnp.float32)
    la = jnp.maximum(gb_prev, NEG_INF) + jnp.log(
        1.0 + jnp.exp(-jnp.abs(gb_prev - NEG_INF)))
    x = la - jnp.broadcast_to(lse, (T, N)) + g_ref[...]
    trow = lax.broadcasted_iota(jnp.int32, (T, N), 0)
    x = jnp.where(trow >= GLEN, x, NEG_INF)
    m = jnp.max(x, axis=0, keepdims=True)
    s = jnp.sum(jnp.exp(x - m), axis=0, keepdims=True)
    score = m + jnp.log(s)
    gb_full = jnp.sum(blank_lp)
    eos_val = jnp.maximum(gb_full, NEG_INF) + jnp.log(
        1.0 + jnp.exp(-jnp.abs(gb_full - NEG_INF)))
    o_ref[...] = jnp.where(c_ref[...] == EOS_ID, eos_val, score)


RB = 4
NB = T_PER // RB


def _sc_gather_body(prob_hbm, c_hbm, out_hbm, c_v, buf0_v, buf1_v,
                    vals_v, sem0, sem1):
    wid = lax.axis_index("s") * NC + lax.axis_index("c")
    t0 = wid * T_PER
    pltpu.sync_copy(c_hbm, c_v)
    bufs = (buf0_v, buf1_v)
    sems = (sem0, sem1)

    pltpu.async_copy(prob_hbm.at[pl.ds(t0, RB)], buf0_v, sem0)
    pltpu.async_copy(prob_hbm.at[pl.ds(t0 + RB, RB)], buf1_v, sem1)

    def step(pair, carry):
        for b in range(2):
            bi = pair * 2 + b
            pltpu.make_async_copy(prob_hbm.at[pl.ds(t0, RB)], bufs[b],
                                  sems[b]).wait()
            for rl in range(RB):
                ridx = jnp.full((16,), rl, jnp.int32)
                for k in range(16):
                    cc = c_v[pl.ds(k * 16, 16)]
                    val = plsc.load_gather(bufs[b], [ridx, cc])
                    vals_v[(bi * RB + rl) * 2 + k // 8,
                           pl.ds((k % 8) * 16, 16)] = val

            @pl.when(bi + 2 < NB)
            def _():
                pltpu.async_copy(
                    prob_hbm.at[pl.ds(t0 + (bi + 2) * RB, RB)],
                    bufs[b], sems[b])
        return carry

    lax.fori_loop(0, NB // 2, step, 0)
    pltpu.sync_copy(vals_v, out_hbm.at[pl.ds(wid * ROWS_PER_W, ROWS_PER_W)])


@functools.lru_cache(maxsize=1)
def _sc_gather():
    return pl.kernel(
        _sc_gather_body,
        mesh=plsc.VectorSubcoreMesh(core_axis_name="c", subcore_axis_name="s"),
        compiler_params=pltpu.CompilerParams(needs_layout_passes=False),
        cost_estimate=pl.CostEstimate(
            flops=2 * T * N, bytes_accessed=4 * T * V, transcendentals=0),
        out_type=jax.ShapeDtypeStruct((NW * ROWS_PER_W, 128), jnp.float32),
        scratch_types=[
            pltpu.VMEM((N,), jnp.int32),
            pltpu.VMEM((RB, V), jnp.float32),
            pltpu.VMEM((RB, V), jnp.float32),
            pltpu.VMEM((ROWS_PER_W, 128), jnp.float32),
            pltpu.SemaphoreType.DMA,
            pltpu.SemaphoreType.DMA,
        ],
    )


def kernel(ctc_prob, g, c):
    del g
    gathered = _sc_gather()(ctc_prob, c)
    lse, blank = pl.pallas_call(
        _lse_body,
        grid=(T // 128,),
        in_specs=[pl.BlockSpec((128, V), lambda i: (i, 0))],
        out_specs=[pl.BlockSpec((128, 1), lambda i: (i, 0)),
                   pl.BlockSpec((128, 1), lambda i: (i, 0))],
        out_shape=[jax.ShapeDtypeStruct((T, 1), jnp.float32),
                   jax.ShapeDtypeStruct((T, 1), jnp.float32)],
    )(ctc_prob)
    out = pl.pallas_call(
        _combine_body,
        out_shape=jax.ShapeDtypeStruct((1, N), jnp.float32),
    )(gathered.reshape(T, N), lse, blank, c.reshape(1, N))
    return out.reshape(N // 16, 16)

# --- scband reference (transcript-rebuilt; emitter-appended) ---
"""Pipeline reference for scband-ctc-scorer-55190329754335 (READ-ONLY COPY).

The authoritative reference and input builder live on the scoring server;
editing this copy changes nothing except your own understanding.
"""

import jax, jax.numpy as jnp
import numpy as np

NEG_INF = -1e10
EOS = 1


def setup_inputs(seed: int = 0) -> dict:
    key = jax.random.key(seed)
    k1, k2, k3 = jax.random.split(key, 3)
    ctc_prob = jax.random.normal(k1, (1024, 8000), dtype=jnp.float32)
    g = jax.random.randint(k2, (16, 10), 0, 8000, dtype=jnp.int32)
    c = jax.random.randint(k3, (256,), 0, 8000, dtype=jnp.int32)
    return {"ctc_prob": ctc_prob, "g": g, "c": c}


def reference(ctc_prob, g, c):
    log_prob = jax.nn.log_softmax(ctc_prob, axis=-1)
    T = log_prob.shape[0]
    batch = g.shape[0]
    ctc_beam = c.shape[0] // batch
    N = c.shape[0]
    dt = log_prob.dtype
    # __init__ state: blank = -1 (last vocab entry)
    gamma_b_init = jnp.cumsum(log_prob[:, -1])
    gamma_b_g = jnp.broadcast_to(gamma_b_init[:, None], (T, batch))
    gamma_n_g = jnp.full((T, batch), NEG_INF, dtype=dt)
    ctc_score = jnp.zeros((1, batch), dtype=dt)
    # forward
    repeat_g = jnp.repeat(g, ctc_beam, axis=0)
    ctc_score = jnp.repeat(ctc_score, ctc_beam, axis=-1)
    gamma_n_g = jnp.repeat(gamma_n_g, ctc_beam, axis=-1)
    gamma_b_g = jnp.repeat(gamma_b_g, ctc_beam, axis=-1)
    glen = g.shape[-1] - 1
    start = max(glen, 1)
    if glen == 0:
        init_n = log_prob[0, c]
    else:
        init_n = jnp.full((N,), NEG_INF, dtype=dt)
    score0 = init_n
    repeat_mask = repeat_g[:, -1] != c
    prob_c = log_prob[:, c]  # T x N gather over vocab
    prob_blank = log_prob[:, -1]  # T

    def step(carry, xs):
        gn_prev, gb_prev, score = carry
        gn_g_tm1, gb_g_tm1, pc_t, pb_t = xs
        term = jnp.where(repeat_mask, gn_g_tm1, NEG_INF)
        phi = jnp.logaddexp(gb_g_tm1, term)
        gn = jnp.logaddexp(gn_prev, phi) + pc_t
        gb = jnp.logaddexp(gb_prev, gn_prev) + pb_t
        score = jnp.logaddexp(score, phi + pc_t)
        return (gn, gb, score), None

    gb0 = jnp.full((N,), NEG_INF, dtype=dt)
    xs = (gamma_n_g[start - 1:T - 1], gamma_b_g[start - 1:T - 1], prob_c[start:T], prob_blank[start:T])
    (gn_last, gb_last, score), _ = jax.lax.scan(step, (init_n, gb0, score0), xs)
    is_eos = c == EOS
    gamma_nb_g = jnp.logaddexp(gamma_b_g[-1], gamma_n_g[-1])
    score = jnp.where(is_eos, gamma_nb_g, score)
    delta_score = (score - ctc_score[0]).reshape(-1, ctc_beam)
    return delta_score

if __name__ == "__main__":
    import jax
    _d = setup_inputs()
    print(jax.jit(kernel)(*tuple(_d.values())))

</pallas_src>

<mosaic_0001>
#map = affine_map<(d0, d1) -> (0, 0)>
#map1 = affine_map<(d0, d1) -> (0)>
module attributes {stable_mosaic.version = 14 : i64} {
  func.func @_sc_gather_body(%arg0: i32, %arg1: i32, %arg2: memref<1024x8000xf32, #tpu.memory_space<hbm>>, %arg3: memref<256xi32, #tpu.memory_space<hbm>>, %arg4: memref<2048x128xf32, #tpu.memory_space<hbm>>, %arg5: memref<256xi32, #tpu.memory_space<vmem>>, %arg6: memref<4x8000xf32, #tpu.memory_space<vmem>>, %arg7: memref<4x8000xf32, #tpu.memory_space<vmem>>, %arg8: memref<64x128xf32, #tpu.memory_space<vmem>>, %arg9: memref<!tpu.dma_semaphore, #tpu.memory_space<semaphore_mem>>, %arg10: memref<!tpu.dma_semaphore, #tpu.memory_space<semaphore_mem>>) attributes {dimension_semantics = [#tpu.dimension_semantics<core_parallel>, #tpu.dimension_semantics<subcore_parallel>], iteration_bounds = array<i64: 2, 16>, scalar_prefetch = 0 : i64, scratch_operands = 6 : i64, tpu.core_type = #tpu.core_type<sc_vector_subcore>, window_params = [{transform_indices = #map}, {transform_indices = #map1}, {transform_indices = #map}]} {
    %mul3A = arith.constant 2 : i32
    %mul3A_0 = arith.muli %arg1, %mul3A : i32
    %add3A = arith.addi %mul3A_0, %arg0 : i32
    %mul3A_1 = arith.constant 32 : i32
    %mul3A_2 = arith.muli %add3A, %mul3A_1 : i32
    "tpu.region"() ({
      %run_scoped3A = tpu.sem_alloc : memref<!tpu.dma_semaphore, #tpu.memory_space<semaphore_mem>>
      tpu.enqueue_dma source(%arg3 : memref<256xi32, #tpu.memory_space<hbm>>) target(%arg5 : memref<256xi32, #tpu.memory_space<vmem>>) target_semaphore(%run_scoped3A : memref<!tpu.dma_semaphore, #tpu.memory_space<semaphore_mem>>)
      tpu.wait_dma2 semaphore(%run_scoped3A : memref<!tpu.dma_semaphore, #tpu.memory_space<semaphore_mem>>) src(%arg3 : memref<256xi32, #tpu.memory_space<hbm>>) dst(%arg5 : memref<256xi32, #tpu.memory_space<vmem>>)
      tpu.yield
    }) : () -> ()
    %dma_start3A = arith.constant 0 : i32
    %dma_start3A_3 = tpu.memref_slice %arg2[%mul3A_2, %dma_start3A] : memref<1024x8000xf32, #tpu.memory_space<hbm>> -> memref<4x8000xf32, #tpu.memory_space<hbm>>
    %dma_start3A_4 = arith.constant 0 : i32
    %dma_start3A_5 = tpu.memref_slice %arg2[%mul3A_2, %dma_start3A_4] : memref<1024x8000xf32, #tpu.memory_space<hbm>> -> memref<4x8000xf32, #tpu.memory_space<hbm>>
    tpu.enqueue_dma source(%dma_start3A_5 : memref<4x8000xf32, #tpu.memory_space<hbm>>) target(%arg6 : memref<4x8000xf32, #tpu.memory_space<vmem>>) target_semaphore(%arg9 : memref<!tpu.dma_semaphore, #tpu.memory_space<semaphore_mem>>)
    %add3A_6 = arith.constant 4 : i32
    %add3A_7 = arith.addi %mul3A_2, %add3A_6 : i32
    %dma_start3A_8 = arith.constant 0 : i32
    %dma_start3A_9 = tpu.memref_slice %arg2[%add3A_7, %dma_start3A_8] : memref<1024x8000xf32, #tpu.memory_space<hbm>> -> memref<4x8000xf32, #tpu.memory_space<hbm>>
    %dma_start3A_10 = arith.constant 0 : i32
    %dma_start3A_11 = tpu.memref_slice %arg2[%add3A_7, %dma_start3A_10] : memref<1024x8000xf32, #tpu.memory_space<hbm>> -> memref<4x8000xf32, #tpu.memory_space<hbm>>
    tpu.enqueue_dma source(%dma_start3A_11 : memref<4x8000xf32, #tpu.memory_space<hbm>>) target(%arg7 : memref<4x8000xf32, #tpu.memory_space<vmem>>) target_semaphore(%arg10 : memref<!tpu.dma_semaphore, #tpu.memory_space<semaphore_mem>>)
    %scan3A = arith.constant 0 : i32
    %scan3A_12 = arith.constant 0 : i32
    %scan3A_13 = arith.constant 4 : i32
    %scan3A_14 = arith.addi %scan3A_12, %scan3A_13 : i32
    %scan3A_15 = arith.constant 1 : i32
    scf.for %scan3A_19 = %scan3A_12 to %scan3A_14 step %scan3A_15  : i32 {
      %mul3A_20 = arith.constant 2 : i32
      %mul3A_21 = arith.muli %scan3A_19, %mul3A_20 : i32
      %add3A_22 = arith.constant 0 : i32
      %add3A_23 = arith.addi %mul3A_21, %add3A_22 : i32
      %dma_wait3A = arith.constant 0 : i32
      %dma_wait3A_24 = tpu.memref_slice %arg2[%mul3A_2, %dma_wait3A] : memref<1024x8000xf32, #tpu.memory_space<hbm>> -> memref<4x8000xf32, #tpu.memory_space<hbm>>
      %dma_wait3A_25 = arith.constant 0 : i32
      %dma_wait3A_26 = tpu.memref_slice %arg2[%mul3A_2, %dma_wait3A_25] : memref<1024x8000xf32, #tpu.memory_space<hbm>> -> memref<4x8000xf32, #tpu.memory_space<hbm>>
      tpu.wait_dma2 semaphore(%arg9 : memref<!tpu.dma_semaphore, #tpu.memory_space<semaphore_mem>>) src(%dma_wait3A_26 : memref<4x8000xf32, #tpu.memory_space<hbm>>) dst(%arg6 : memref<4x8000xf32, #tpu.memory_space<vmem>>)
      %broadcast_in_dim3A = arith.constant 0 : i32
      %broadcast_in_dim3A_27 = vector.broadcast %broadcast_in_dim3A : i32 to vector<16xi32>
      %get3A = arith.constant 0 : index
      %get3A_28 = tpu.vector_load %arg5[%get3A] {strides = array<i32>} : memref<256xi32, #tpu.memory_space<vmem>>, vector<16xi32>,
      %gather3A = tpu.vector_load_idx %arg6[%broadcast_in_dim3A_27, %get3A_28] : memref<4x8000xf32, #tpu.memory_space<vmem>>[vector<16xi32>, vector<16xi32>], vector<16xf32>,
      %mul3A_29 = arith.constant 4 : i32
      %mul3A_30 = arith.muli %add3A_23, %mul3A_29 : i32
      %add3A_31 = arith.constant 0 : i32
      %add3A_32 = arith.addi %mul3A_30, %add3A_31 : i32
      %mul3A_33 = arith.constant 2 : i32
      %mul3A_34 = arith.muli %add3A_32, %mul3A_33 : i32
      %add3A_35 = arith.constant 0 : i32
      %add3A_36 = arith.addi %mul3A_34, %add3A_35 : i32
      %swap3A = arith.index_cast %add3A_36 : i32 to index
      %swap3A_37 = arith.constant 0 : index
      %swap3A_38 = tpu.vector_load %arg8[%swap3A, %swap3A_37] {strides = array<i32>} : memref<64x128xf32, #tpu.memory_space<vmem>>, vector<16xf32>,
      tpu.vector_store %arg8[%swap3A, %swap3A_37], %gather3A {strides = array<i32>} : memref<64x128xf32, #tpu.memory_space<vmem>>, vector<16xf32>,
      %get3A_39 = arith.constant 16 : index
      %get3A_40 = tpu.vector_load %arg5[%get3A_39] {strides = array<i32>} : memref<256xi32, #tpu.memory_space<vmem>>, vector<16xi32>,
      %gather3A_41 = tpu.vector_load_idx %arg6[%broadcast_in_dim3A_27, %get3A_40] : memref<4x8000xf32, #tpu.memory_space<vmem>>[vector<16xi32>, vector<16xi32>], vector<16xf32>,
      %mul3A_42 = arith.constant 4 : i32
      %mul3A_43 = arith.muli %add3A_23, %mul3A_42 : i32
      %add3A_44 = arith.constant 0 : i32
      %add3A_45 = arith.addi %mul3A_43, %add3A_44 : i32
      %mul3A_46 = arith.constant 2 : i32
      %mul3A_47 = arith.muli %add3A_45, %mul3A_46 : i32
      %add3A_48 = arith.constant 0 : i32
      %add3A_49 = arith.addi %mul3A_47, %add3A_48 : i32
      %swap3A_50 = arith.index_cast %add3A_49 : i32 to index
      %swap3A_51 = arith.constant 16 : index
      %swap3A_52 = tpu.vector_load %arg8[%swap3A_50, %swap3A_51] {strides = array<i32>} : memref<64x128xf32, #tpu.memory_space<vmem>>, vector<16xf32>,
      tpu.vector_store %arg8[%swap3A_50, %swap3A_51], %gather3A_41 {strides = array<i32>} : memref<64x128xf32, #tpu.memory_space<vmem>>, vector<16xf32>,
      %get3A_53 = arith.constant 32 : index
      %get3A_54 = tpu.vector_load %arg5[%get3A_53] {strides = array<i32>} : memref<256xi32, #tpu.memory_space<vmem>>, vector<16xi32>,
      %gather3A_55 = tpu.vector_load_idx %arg6[%broadcast_in_dim3A_27, %get3A_54] : memref<4x8000xf32, #tpu.memory_space<vmem>>[vector<16xi32>, vector<16xi32>], vector<16xf32>,
      %mul3A_56 = arith.constant 4 : i32
      %mul3A_57 = arith.muli %add3A_23, %mul3A_56 : i32
      %add3A_58 = arith.constant 0 : i32
      %add3A_59 = arith.addi %mul3A_57, %add3A_58 : i32
      %mul3A_60 = arith.constant 2 : i32
      %mul3A_61 = arith.muli %add3A_59, %mul3A_60 : i32
      %add3A_62 = arith.constant 0 : i32
      %add3A_63 = arith.addi %mul3A_61, %add3A_62 : i32
      %swap3A_64 = arith.index_cast %add3A_63 : i32 to index
      %swap3A_65 = arith.constant 32 : index
      %swap3A_66 = tpu.vector_load %arg8[%swap3A_64, %swap3A_65] {strides = array<i32>} : memref<64x128xf32, #tpu.memory_space<vmem>>, vector<16xf32>,
      tpu.vector_store %arg8[%swap3A_64, %swap3A_65], %gather3A_55 {strides = array<i32>} : memref<64x128xf32, #tpu.memory_space<vmem>>, vector<16xf32>,
      %get3A_67 = arith.constant 48 : index
      %get3A_68 = tpu.vector_load %arg5[%get3A_67] {strides = array<i32>} : memref<256xi32, #tpu.memory_space<vmem>>, vector<16xi32>,
      %gather3A_69 = tpu.vector_load_idx %arg6[%broadcast_in_dim3A_27, %get3A_68] : memref<4x8000xf32, #tpu.memory_space<vmem>>[vector<16xi32>, vector<16xi32>], vector<16xf32>,
      %mul3A_70 = arith.constant 4 : i32
      %mul3A_71 = arith.muli %add3A_23, %mul3A_70 : i32
      %add3A_72 = arith.constant 0 : i32
      %add3A_73 = arith.addi %mul3A_71, %add3A_72 : i32
      %mul3A_74 = arith.constant 2 : i32
      %mul3A_75 = arith.muli %add3A_73, %mul3A_74 : i32
      %add3A_76 = arith.constant 0 : i32
      %add3A_77 = arith.addi %mul3A_75, %add3A_76 : i32
      %swap3A_78 = arith.index_cast %add3A_77 : i32 to index
      %swap3A_79 = arith.constant 48 : index
      %swap3A_80 = tpu.vector_load %arg8[%swap3A_78, %swap3A_79] {strides = array<i32>} : memref<64x128xf32, #tpu.memory_space<vmem>>, vector<16xf32>,
      tpu.vector_store %arg8[%swap3A_78, %swap3A_79], %gather3A_69 {strides = array<i32>} : memref<64x128xf32, #tpu.memory_space<vmem>>, vector<16xf32>,
      %get3A_81 = arith.constant 64 : index
      %get3A_82 = tpu.vector_load %arg5[%get3A_81] {strides = array<i32>} : memref<256xi32, #tpu.memory_space<vmem>>, vector<16xi32>,
      %gather3A_83 = tpu.vector_load_idx %arg6[%broadcast_in_dim3A_27, %get3A_82] : memref<4x8000xf32, #tpu.memory_space<vmem>>[vector<16xi32>, vector<16xi32>], vector<16xf32>,
      %mul3A_84 = arith.constant 4 : i32
      %mul3A_85 = arith.muli %add3A_23, %mul3A_84 : i32
      %add3A_86 = arith.constant 0 : i32
      %add3A_87 = arith.addi %mul3A_85, %add3A_86 : i32
      %mul3A_88 = arith.constant 2 : i32
      %mul3A_89 = arith.muli %add3A_87, %mul3A_88 : i32
      %add3A_90 = arith.constant 0 : i32
      %add3A_91 = arith.addi %mul3A_89, %add3A_90 : i32
      %swap3A_92 = arith.index_cast %add3A_91 : i32 to index
      %swap3A_93 = arith.constant 64 : index
      %swap3A_94 = tpu.vector_load %arg8[%swap3A_92, %swap3A_93] {strides = array<i32>} : memref<64x128xf32, #tpu.memory_space<vmem>>, vector<16xf32>,
      tpu.vector_store %arg8[%swap3A_92, %swap3A_93], %gather3A_83 {strides = array<i32>} : memref<64x128xf32, #tpu.memory_space<vmem>>, vector<16xf32>,
      %get3A_95 = arith.constant 80 : index
      %get3A_96 = tpu.vector_load %arg5[%get3A_95] {strides = array<i32>} : memref<256xi32, #tpu.memory_space<vmem>>, vector<16xi32>,
      %gather3A_97 = tpu.vector_load_idx %arg6[%broadcast_in_dim3A_27, %get3A_96] : memref<4x8000xf32, #tpu.memory_space<vmem>>[vector<16xi32>, vector<16xi32>], vector<16xf32>,
      %mul3A_98 = arith.constant 4 : i32
      %mul3A_99 = arith.muli %add3A_23, %mul3A_98 : i32
      %add3A_100 = arith.constant 0 : i32
      %add3A_101 = arith.addi %mul3A_99, %add3A_100 : i32
      %mul3A_102 = arith.constant 2 : i32
      %mul3A_103 = arith.muli %add3A_101, %mul3A_102 : i32
      %add3A_104 = arith.constant 0 : i32
      %add3A_105 = arith.addi %mul3A_103, %add3A_104 : i32
      %swap3A_106 = arith.index_cast %add3A_105 : i32 to index
      %swap3A_107 = arith.constant 80 : index
      %swap3A_108 = tpu.vector_load %arg8[%swap3A_106, %swap3A_107] {strides = array<i32>} : memref<64x128xf32, #tpu.memory_space<vmem>>, vector<16xf32>,
      tpu.vector_store %arg8[%swap3A_106, %swap3A_107], %gather3A_97 {strides = array<i32>} : memref<64x128xf32, #tpu.memory_space<vmem>>, vector<16xf32>,
      %get3A_109 = arith.constant 96 : index
      %get3A_110 = tpu.vector_load %arg5[%get3A_109] {strides = array<i32>} : memref<256xi32, #tpu.memory_space<vmem>>, vector<16xi32>,
      %gather3A_111 = tpu.vector_load_idx %arg6[%broadcast_in_dim3A_27, %get3A_110] : memref<4x8000xf32, #tpu.memory_space<vmem>>[vector<16xi32>, vector<16xi32>], vector<16xf32>,
      %mul3A_112 = arith.constant 4 : i32
      %mul3A_113 = arith.muli %add3A_23, %mul3A_112 : i32
      %add3A_114 = arith.constant 0 : i32
      %add3A_115 = arith.addi %mul3A_113, %add3A_114 : i32
      %mul3A_116 = arith.constant 2 : i32
      %mul3A_117 = arith.muli %add3A_115, %mul3A_116 : i32
      %add3A_118 = arith.constant 0 : i32
      %add3A_119 = arith.addi %mul3A_117, %add3A_118 : i32
      %swap3A_120 = arith.index_cast %add3A_119 : i32 to index
      %swap3A_121 = arith.constant 96 : index
      %swap3A_122 = tpu.vector_load %arg8[%swap3A_120, %swap3A_121] {strides = array<i32>} : memref<64x128xf32, #tpu.memory_space<vmem>>, vector<16xf32>,
      tpu.vector_store %arg8[%swap3A_120, %swap3A_121], %gather3A_111 {strides = array<i32>} : memref<64x128xf32, #tpu.memory_space<vmem>>, vector<16xf32>,
      %get3A_123 = arith.constant 112 : index
      %get3A_124 = tpu.vector_load %arg5[%get3A_123] {strides = array<i32>} : memref<256xi32, #tpu.memory_space<vmem>>, vector<16xi32>,
      %gather3A_125 = tpu.vector_load_idx %arg6[%broadcast_in_dim3A_27, %get3A_124] : memref<4x8000xf32, #tpu.memory_space<vmem>>[vector<16xi32>, vector<16xi32>], vector<16xf32>,
      %mul3A_126 = arith.constant 4 : i32
      %mul3A_127 = arith.muli %add3A_23, %mul3A_126 : i32
      %add3A_128 = arith.constant 0 : i32
      %add3A_129 = arith.addi %mul3A_127, %add3A_128 : i32
      %mul3A_130 = arith.constant 2 : i32
      %mul3A_131 = arith.muli %add3A_129, %mul3A_130 : i32
      %add3A_132 = arith.constant 0 : i32
      %add3A_133 = arith.addi %mul3A_131, %add3A_132 : i32
      %swap3A_134 = arith.index_cast %add3A_133 : i32 to index
      %swap3A_135 = arith.constant 112 : index
      %swap3A_136 = tpu.vector_load %arg8[%swap3A_134, %swap3A_135] {strides = array<i32>} : memref<64x128xf32, #tpu.memory_space<vmem>>, vector<16xf32>,
      tpu.vector_store %arg8[%swap3A_134, %swap3A_135], %gather3A_125 {strides = array<i32>} : memref<64x128xf32, #tpu.memory_space<vmem>>, vector<16xf32>,
      %get3A_137 = arith.constant 128 : index
      %get3A_138 = tpu.vector_load %arg5[%get3A_137] {strides = array<i32>} : memref<256xi32, #tpu.memory_space<vmem>>, vector<16xi32>,
      %gather3A_139 = tpu.vector_load_idx %arg6[%broadcast_in_dim3A_27, %get3A_138] : memref<4x8000xf32, #tpu.memory_space<vmem>>[vector<16xi32>, vector<16xi32>], vector<16xf32>,
      %mul3A_140 = arith.constant 4 : i32
      %mul3A_141 = arith.muli %add3A_23, %mul3A_140 : i32
      %add3A_142 = arith.constant 0 : i32
      %add3A_143 = arith.addi %mul3A_141, %add3A_142 : i32
      %mul3A_144 = arith.constant 2 : i32
      %mul3A_145 = arith.muli %add3A_143, %mul3A_144 : i32
      %add3A_146 = arith.constant 1 : i32
      %add3A_147 = arith.addi %mul3A_145, %add3A_146 : i32
      %swap3A_148 = arith.index_cast %add3A_147 : i32 to index
      %swap3A_149 = arith.constant 0 : index
      %swap3A_150 = tpu.vector_load %arg8[%swap3A_148, %swap3A_149] {strides = array<i32>} : memref<64x128xf32, #tpu.memory_space<vmem>>, vector<16xf32>,
      tpu.vector_store %arg8[%swap3A_148, %swap3A_149], %gather3A_139 {strides = array<i32>} : memref<64x128xf32, #tpu.memory_space<vmem>>, vector<16xf32>,
      %get3A_151 = arith.constant 144 : index
      %get3A_152 = tpu.vector_load %arg5[%get3A_151] {strides = array<i32>} : memref<256xi32, #tpu.memory_space<vmem>>, vector<16xi32>,
      %gather3A_153 = tpu.vector_load_idx %arg6[%broadcast_in_dim3A_27, %get3A_152] : memref<4x8000xf32, #tpu.memory_space<vmem>>[vector<16xi32>, vector<16xi32>], vector<16xf32>,
      %mul3A_154 = arith.constant 4 : i32
      %mul3A_155 = arith.muli %add3A_23, %mul3A_154 : i32
      %add3A_156 = arith.constant 0 : i32
      %add3A_157 = arith.addi %mul3A_155, %add3A_156 : i32
      %mul3A_158 = arith.constant 2 : i32
      %mul3A_159 = arith.muli %add3A_157, %mul3A_158 : i32
      %add3A_160 = arith.constant 1 : i32
      %add3A_161 = arith.addi %mul3A_159, %add3A_160 : i32
      %swap3A_162 = arith.index_cast %add3A_161 : i32 to index
      %swap3A_163 = arith.constant 16 : index
      %swap3A_164 = tpu.vector_load %arg8[%swap3A_162, %swap3A_163] {strides = array<i32>} : memref<64x128xf32, #tpu.memory_space<vmem>>, vector<16xf32>,
      tpu.vector_store %arg8[%swap3A_162, %swap3A_163], %gather3A_153 {strides = array<i32>} : memref<64x128xf32, #tpu.memory_space<vmem>>, vector<16xf32>,
      %get3A_165 = arith.constant 160 : index
      %get3A_166 = tpu.vector_load %arg5[%get3A_165] {strides = array<i32>} : memref<256xi32, #tpu.memory_space<vmem>>, vector<16xi32>,
      %gather3A_167 = tpu.vector_load_idx %arg6[%broadcast_in_dim3A_27, %get3A_166] : memref<4x8000xf32, #tpu.memory_space<vmem>>[vector<16xi32>, vector<16xi32>], vector<16xf32>,
      %mul3A_168 = arith.constant 4 : i32
      %mul3A_169 = arith.muli %add3A_23, %mul3A_168 : i32
      %add3A_170 = arith.constant 0 : i32
      %add3A_171 = arith.addi %mul3A_169, %add3A_170 : i32
      %mul3A_172 = arith.constant 2 : i32
      %mul3A_173 = arith.muli %add3A_171, %mul3A_172 : i32
      %add3A_174 = arith.constant 1 : i32
      %add3A_175 = arith.addi %mul3A_173, %add3A_174 : i32
      %swap3A_176 = arith.index_cast %add3A_175 : i32 to index
      %swap3A_177 = arith.constant 32 : index
      %swap3A_178 = tpu.vector_load %arg8[%swap3A_176, %swap3A_177] {strides = array<i32>} : memref<64x128xf32, #tpu.memory_space<vmem>>, vector<16xf32>,
      tpu.vector_store %arg8[%swap3A_176, %swap3A_177], %gather3A_167 {strides = array<i32>} : memref<64x128xf32, #tpu.memory_space<vmem>>, vector<16xf32>,
      %get3A_179 = arith.constant 176 : index
      %get3A_180 = tpu.vector_load %arg5[%get3A_179] {strides = array<i32>} : memref<256xi32, #tpu.memory_space<vmem>>, vector<16xi32>,
      %gather3A_181 = tpu.vector_load_idx %arg6[%broadcast_in_dim3A_27, %get3A_180] : memref<4x8000xf32, #tpu.memory_space<vmem>>[vector<16xi32>, vector<16xi32>], vector<16xf32>,
      %mul3A_182 = arith.constant 4 : i32
      %mul3A_183 = arith.muli %add3A_23, %mul3A_182 : i32
      %add3A_184 = arith.constant 0 : i32
      %add3A_185 = arith.addi %mul3A_183, %add3A_184 : i32
      %mul3A_186 = arith.constant 2 : i32
      %mul3A_187 = arith.muli %add3A_185, %mul3A_186 : i32
      %add3A_188 = arith.constant 1 : i32
      %add3A_189 = arith.addi %mul3A_187, %add3A_188 : i32
      %swap3A_190 = arith.index_cast %add3A_189 : i32 to index
      %swap3A_191 = arith.constant 48 : index
      %swap3A_192 = tpu.vector_load %arg8[%swap3A_190, %swap3A_191] {strides = array<i32>} : memref<64x128xf32, #tpu.memory_space<vmem>>, vector<16xf32>,
      tpu.vector_store %arg8[%swap3A_190, %swap3A_191], %gather3A_181 {strides = array<i32>} : memref<64x128xf32, #tpu.memory_space<vmem>>, vector<16xf32>,
      %get3A_193 = arith.constant 192 : index
      %get3A_194 = tpu.vector_load %arg5[%get3A_193] {strides = array<i32>} : memref<256xi32, #tpu.memory_space<vmem>>, vector<16xi32>,
      %gather3A_195 = tpu.vector_load_idx %arg6[%broadcast_in_dim3A_27, %get3A_194] : memref<4x8000xf32, #tpu.memory_space<vmem>>[vector<16xi32>, vector<16xi32>], vector<16xf32>,
      %mul3A_196 = arith.constant 4 : i32
      %mul3A_197 = arith.muli %add3A_23, %mul3A_196 : i32
      %add3A_198 = arith.constant 0 : i32
      %add3A_199 = arith.addi %mul3A_197, %add3A_198 : i32
      %mul3A_200 = arith.constant 2 : i32
      %mul3A_201 = arith.muli %add3A_199, %mul3A_200 : i32
      %add3A_202 = arith.constant 1 : i32
      %add3A_203 = arith.addi %mul3A_201, %add3A_202 : i32
      %swap3A_204 = arith.index_cast %add3A_203 : i32 to index
      %swap3A_205 = arith.constant 64 : index
      %swap3A_206 = tpu.vector_load %arg8[%swap3A_204, %swap3A_205] {strides = array<i32>} : memref<64x128xf32, #tpu.memory_space<vmem>>, vector<16xf32>,
      tpu.vector_store %arg8[%swap3A_204, %swap3A_205], %gather3A_195 {strides = array<i32>} : memref<64x128xf32, #tpu.memory_space<vmem>>, vector<16xf32>,
      %get3A_207 = arith.constant 208 : index
      %get3A_208 = tpu.vector_load %arg5[%get3A_207] {strides = array<i32>} : memref<256xi32, #tpu.memory_space<vmem>>, vector<16xi32>,
      %gather3A_209 = tpu.vector_load_idx %arg6[%broadcast_in_dim3A_27, %get3A_208] : memref<4x8000xf32, #tpu.memory_space<vmem>>[vector<16xi32>, vector<16xi32>], vector<16xf32>,
      %mul3A_210 = arith.constant 4 : i32
      %mul3A_211 = arith.muli %add3A_23, %mul3A_210 : i32
      %add3A_212 = arith.constant 0 : i32
      %add3A_213 = arith.addi %mul3A_211, %add3A_212 : i32
      %mul3A_214 = arith.constant 2 : i32
      %mul3A_215 = arith.muli %add3A_213, %mul3A_214 : i32
      %add3A_216 = arith.constant 1 : i32
      %add3A_217 = arith.addi %mul3A_215, %add3A_216 : i32
      %swap3A_218 = arith.index_cast %add3A_217 : i32 to index
      %swap3A_219 = arith.constant 80 : index
      %swap3A_220 = tpu.vector_load %arg8[%swap3A_218, %swap3A_219] {strides = array<i32>} : memref<64x128xf32, #tpu.memory_space<vmem>>, vector<16xf32>,
      tpu.vector_store %arg8[%swap3A_218, %swap3A_219], %gather3A_209 {strides = array<i32>} : memref<64x128xf32, #tpu.memory_space<vmem>>, vector<16xf32>,
      %get3A_221 = arith.constant 224 : index
      %get3A_222 = tpu.vector_load %arg5[%get3A_221] {strides = array<i32>} : memref<256xi32, #tpu.memory_space<vmem>>, vector<16xi32>,
      %gather3A_223 = tpu.vector_load_idx %arg6[%broadcast_in_dim3A_27, %get3A_222] : memref<4x8000xf32, #tpu.memory_space<vmem>>[vector<16xi32>, vector<16xi32>], vector<16xf32>,
      %mul3A_224 = arith.constant 4 : i32
      %mul3A_225 = arith.muli %add3A_23, %mul3A_224 : i32
      %add3A_226 = arith.constant 0 : i32
      %add3A_227 = arith.addi %mul3A_225, %add3A_226 : i32
      %mul3A_228 = arith.constant 2 : i32
      %mul3A_229 = arith.muli %add3A_227, %mul3A_228 : i32
      %add3A_230 = arith.constant 1 : i32
      %add3A_231 = arith.addi %mul3A_229, %add3A_230 : i32
      %swap3A_232 = arith.index_cast %add3A_231 : i32 to index
      %swap3A_233 = arith.constant 96 : index
      %swap3A_234 = tpu.vector_load %arg8[%swap3A_232, %swap3A_233] {strides = array<i32>} : memref<64x128xf32, #tpu.memory_space<vmem>>, vector<16xf32>,
      tpu.vector_store %arg8[%swap3A_232, %swap3A_233], %gather3A_223 {strides = array<i32>} : memref<64x128xf32, #tpu.memory_space<vmem>>, vector<16xf32>,
      %get3A_235 = arith.constant 240 : index
      %get3A_236 = tpu.vector_load %arg5[%get3A_235] {strides = array<i32>} : memref<256xi32, #tpu.memory_space<vmem>>, vector<16xi32>,
      %gather3A_237 = tpu.vector_load_idx %arg6[%broadcast_in_dim3A_27, %get3A_236] : memref<4x8000xf32, #tpu.memory_space<vmem>>[vector<16xi32>, vector<16xi32>], vector<16xf32>,
      %mul3A_238 = arith.constant 4 : i32
      %mul3A_239 = arith.muli %add3A_23, %mul3A_238 : i32
      %add3A_240 = arith.constant 0 : i32
      %add3A_241 = arith.addi %mul3A_239, %add3A_240 : i32
      %mul3A_242 = arith.constant 2 : i32
      %mul3A_243 = arith.muli %add3A_241, %mul3A_242 : i32
      %add3A_244 = arith.constant 1 : i32
      %add3A_245 = arith.addi %mul3A_243, %add3A_244 : i32
      %swap3A_246 = arith.index_cast %add3A_245 : i32 to index
      %swap3A_247 = arith.constant 112 : index
      %swap3A_248 = tpu.vector_load %arg8[%swap3A_246, %swap3A_247] {strides = array<i32>} : memref<64x128xf32, #tpu.memory_space<vmem>>, vector<16xf32>,
      tpu.vector_store %arg8[%swap3A_246, %swap3A_247], %gather3A_237 {strides = array<i32>} : memref<64x128xf32, #tpu.memory_space<vmem>>, vector<16xf32>,
      %broadcast_in_dim3A_249 = arith.constant 1 : i32
      %broadcast_in_dim3A_250 = vector.broadcast %broadcast_in_dim3A_249 : i32 to vector<16xi32>
      %get3A_251 = arith.constant 0 : index
      %get3A_252 = tpu.vector_load %arg5[%get3A_251] {strides = array<i32>} : memref<256xi32, #tpu.memory_space<vmem>>, vector<16xi32>,
      %gather3A_253 = tpu.vector_load_idx %arg6[%broadcast_in_dim3A_250, %get3A_252] : memref<4x8000xf32, #tpu.memory_space<vmem>>[vector<16xi32>, vector<16xi32>], vector<16xf32>,
      %mul3A_254 = arith.constant 4 : i32
      %mul3A_255 = arith.muli %add3A_23, %mul3A_254 : i32
      %add3A_256 = arith.constant 1 : i32
      %add3A_257 = arith.addi %mul3A_255, %add3A_256 : i32
      %mul3A_258 = arith.constant 2 : i32
      %mul3A_259 = arith.muli %add3A_257, %mul3A_258 : i32
      %add3A_260 = arith.constant 0 : i32
      %add3A_261 = arith.addi %mul3A_259, %add3A_260 : i32
      %swap3A_262 = arith.index_cast %add3A_261 : i32 to index
      %swap3A_263 = arith.constant 0 : index
      %swap3A_264 = tpu.vector_load %arg8[%swap3A_262, %swap3A_263] {strides = array<i32>} : memref<64x128xf32, #tpu.memory_space<vmem>>, vector<16xf32>,
      tpu.vector_store %arg8[%swap3A_262, %swap3A_263], %gather3A_253 {strides = array<i32>} : memref<64x128xf32, #tpu.memory_space<vmem>>, vector<16xf32>,
      %get3A_265 = arith.constant 16 : index
      %get3A_266 = tpu.vector_load %arg5[%get3A_265] {strides = array<i32>} : memref<256xi32, #tpu.memory_space<vmem>>, vector<16xi32>,
      %gather3A_267 = tpu.vector_load_idx %arg6[%broadcast_in_dim3A_250, %get3A_266] : memref<4x8000xf32, #tpu.memory_space<vmem>>[vector<16xi32>, vector<16xi32>], vector<16xf32>,
      %mul3A_268 = arith.constant 4 : i32
      %mul3A_269 = arith.muli %add3A_23, %mul3A_268 : i32
      %add3A_270 = arith.constant 1 : i32
      %add3A_271 = arith.addi %mul3A_269, %add3A_270 : i32
      %mul3A_272 = arith.constant 2 : i32
      %mul3A_273 = arith.muli %add3A_271, %mul3A_272 : i32
      %add3A_274 = arith.constant 0 : i32
      %add3A_275 = arith.addi %mul3A_273, %add3A_274 : i32
      %swap3A_276 = arith.index_cast %add3A_275 : i32 to index
      %swap3A_277 = arith.constant 16 : index
      %swap3A_278 = tpu.vector_load %arg8[%swap3A_276, %swap3A_277] {strides = array<i32>} : memref<64x128xf32, #tpu.memory_space<vmem>>, vector<16xf32>,
      tpu.vector_store %arg8[%swap3A_276, %swap3A_277], %gather3A_267 {strides = array<i32>} : memref<64x128xf32, #tpu.memory_space<vmem>>, vector<16xf32>,
      %get3A_279 = arith.constant 32 : index
      %get3A_280 = tpu.vector_load %arg5[%get3A_279] {strides = array<i32>} : memref<256xi32, #tpu.memory_space<vmem>>, vector<16xi32>,
      %gather3A_281 = tpu.vector_load_idx %arg6[%broadcast_in_dim3A_250, %get3A_280] : memref<4x8000xf32, #tpu.memory_space<vmem>>[vector<16xi32>, vector<16xi32>], vector<16xf32>,
      %mul3A_282 = arith.constant 4 : i32
      %mul3A_283 = arith.muli %add3A_23, %mul3A_282 : i32
      %add3A_284 = arith.constant 1 : i32
      %add3A_285 = arith.addi %mul3A_283, %add3A_284 : i32
      %mul3A_286 = arith.constant 2 : i32
      %mul3A_287 = arith.muli %add3A_285, %mul3A_286 : i32
      %add3A_288 = arith.constant 0 : i32
      %add3A_289 = arith.addi %mul3A_287, %add3A_288 : i32
      %swap3A_290 = arith.index_cast %add3A_289 : i32 to index
      %swap3A_291 = arith.constant 32 : index
      %swap3A_292 = tpu.vector_load %arg8[%swap3A_290, %swap3A_291] {strides = array<i32>} : memref<64x128xf32, #tpu.memory_space<vmem>>, vector<16xf32>,
      tpu.vector_store %arg8[%swap3A_290, %swap3A_291], %gather3A_281 {strides = array<i32>} : memref<64x128xf32, #tpu.memory_space<vmem>>, vector<16xf32>,
      %get3A_293 = arith.constant 48 : index
      %get3A_294 = tpu.vector_load %arg5[%get3A_293] {strides = array<i32>} : memref<256xi32, #tpu.memory_space<vmem>>, vector<16xi32>,
      %gather3A_295 = tpu.vector_load_idx %arg6[%broadcast_in_dim3A_250, %get3A_294] : memref<4x8000xf32, #tpu.memory_space<vmem>>[vector<16xi32>, vector<16xi32>], vector<16xf32>,
      %mul3A_296 = arith.constant 4 : i32
      %mul3A_297 = arith.muli %add3A_23, %mul3A_296 : i32
      %add3A_298 = arith.constant 1 : i32
      %add3A_299 = arith.addi %mul3A_297, %add3A_298 : i32
      %mul3A_300 = arith.constant 2 : i32
      %mul3A_301 = arith.muli %add3A_299, %mul3A_300 : i32
      %add3A_302 = arith.constant 0 : i32
      %add3A_303 = arith.addi %mul3A_301, %add3A_302 : i32
      %swap3A_304 = arith.index_cast %add3A_303 : i32 to index
      %swap3A_305 = arith.constant 48 : index
      %swap3A_306 = tpu.vector_load %arg8[%swap3A_304, %swap3A_305] {strides = array<i32>} : memref<64x128xf32, #tpu.memory_space<vmem>>, vector<16xf32>,
      tpu.vector_store %arg8[%swap3A_304, %swap3A_305], %gather3A_295 {strides = array<i32>} : memref<64x128xf32, #tpu.memory_space<vmem>>, vector<16xf32>,
      %get3A_307 = arith.constant 64 : index
      %get3A_308 = tpu.vector_load %arg5[%get3A_307] {strides = array<i32>} : memref<256xi32, #tpu.memory_space<vmem>>, vector<16xi32>,
      %gather3A_309 = tpu.vector_load_idx %arg6[%broadcast_in_dim3A_250, %get3A_308] : memref<4x8000xf32, #tpu.memory_space<vmem>>[vector<16xi32>, vector<16xi32>], vector<16xf32>,
      %mul3A_310 = arith.constant 4 : i32
      %mul3A_311 = arith.muli %add3A_23, %mul3A_310 : i32
      %add3A_312 = arith.constant 1 : i32
      %add3A_313 = arith.addi %mul3A_311, %add3A_312 : i32
      %mul3A_314 = arith.constant 2 : i32
      %mul3A_315 = arith.muli %add3A_313, %mul3A_314 : i32
      %add3A_316 = arith.constant 0 : i32
      %add3A_317 = arith.addi %mul3A_315, %add3A_316 : i32
      %swap3A_318 = arith.index_cast %add3A_317 : i32 to index
      %swap3A_319 = arith.constant 64 : index
      %swap3A_320 = tpu.vector_load %arg8[%swap3A_318, %swap3A_319] {strides = array<i32>} : memref<64x128xf32, #tpu.memory_space<vmem>>, vector<16xf32>,
      tpu.vector_store %arg8[%swap3A_318, %swap3A_319], %gather3A_309 {strides = array<i32>} : memref<64x128xf32, #tpu.memory_space<vmem>>, vector<16xf32>,
      %get3A_321 = arith.constant 80 : index
      %get3A_322 = tpu.vector_load %arg5[%get3A_321] {strides = array<i32>} : memref<256xi32, #tpu.memory_space<vmem>>, vector<16xi32>,
      %gather3A_323 = tpu.vector_load_idx %arg6[%broadcast_in_dim3A_250, %get3A_322] : memref<4x8000xf32, #tpu.memory_space<vmem>>[vector<16xi32>, vector<16xi32>], vector<16xf32>,
      %mul3A_324 = arith.constant 4 : i32
      %mul3A_325 = arith.muli %add3A_23, %mul3A_324 : i32
      %add3A_326 = arith.constant 1 : i32
      %add3A_327 = arith.addi %mul3A_325, %add3A_326 : i32
      %mul3A_328 = arith.constant 2 : i32
      %mul3A_329 = arith.muli %add3A_327, %mul3A_328 : i32
      %add3A_330 = arith.constant 0 : i32
      %add3A_331 = arith.addi %mul3A_329, %add3A_330 : i32
      %swap3A_332 = arith.index_cast %add3A_331 : i32 to index
      %swap3A_333 = arith.constant 80 : index
      %swap3A_334 = tpu.vector_load %arg8[%swap3A_332, %swap3A_333] {strides = array<i32>} : memref<64x128xf32, #tpu.memory_space<vmem>>, vector<16xf32>,
      tpu.vector_store %arg8[%swap3A_332, %swap3A_333], %gather3A_323 {strides = array<i32>} : memref<64x128xf32, #tpu.memory_space<vmem>>, vector<16xf32>,
      %get3A_335 = arith.constant 96 : index
      %get3A_336 = tpu.vector_load %arg5[%get3A_335] {strides = array<i32>} : memref<256xi32, #tpu.memory_space<vmem>>, vector<16xi32>,
      %gather3A_337 = tpu.vector_load_idx %arg6[%broadcast_in_dim3A_250, %get3A_336] : memref<4x8000xf32, #tpu.memory_space<vmem>>[vector<16xi32>, vector<16xi32>], vector<16xf32>,
      %mul3A_338 = arith.constant 4 : i32
      %mul3A_339 = arith.muli %add3A_23, %mul3A_338 : i32
      %add3A_340 = arith.constant 1 : i32
      %add3A_341 = arith.addi %mul3A_339, %add3A_340 : i32
      %mul3A_342 = arith.constant 2 : i32
      %mul3A_343 = arith.muli %add3A_341, %mul3A_342 : i32
      %add3A_344 = arith.constant 0 : i32
      %add3A_345 = arith.addi %mul3A_343, %add3A_344 : i32
      %swap3A_346 = arith.index_cast %add3A_345 : i32 to index
      %swap3A_347 = arith.constant 96 : index
      %swap3A_348 = tpu.vector_load %arg8[%swap3A_346, %swap3A_347] {strides = array<i32>} : memref<64x128xf32, #tpu.memory_space<vmem>>, vector<16xf32>,
      tpu.vector_store %arg8[%swap3A_346, %swap3A_347], %gather3A_337 {strides = array<i32>} : memref<64x128xf32, #tpu.memory_space<vmem>>, vector<16xf32>,
      %get3A_349 = arith.constant 112 : index
      %get3A_350 = tpu.vector_load %arg5[%get3A_349] {strides = array<i32>} : memref<256xi32, #tpu.memory_space<vmem>>, vector<16xi32>,
      %gather3A_351 = tpu.vector_load_idx %arg6[%broadcast_in_dim3A_250, %get3A_350] : memref<4x8000xf32, #tpu.memory_space<vmem>>[vector<16xi32>, vector<16xi32>], vector<16xf32>,
      %mul3A_352 = arith.constant 4 : i32
      %mul3A_353 = arith.muli %add3A_23, %mul3A_352 : i32
      %add3A_354 = arith.constant 1 : i32
      %add3A_355 = arith.addi %mul3A_353, %add3A_354 : i32
      %mul3A_356 = arith.constant 2 : i32
      %mul3A_357 = arith.muli %add3A_355, %mul3A_356 : i32
      %add3A_358 = arith.constant 0 : i32
      %add3A_359 = arith.addi %mul3A_357, %add3A_358 : i32
      %swap3A_360 = arith.index_cast %add3A_359 : i32 to index
      %swap3A_361 = arith.constant 112 : index
      %swap3A_362 = tpu.vector_load %arg8[%swap3A_360, %swap3A_361] {strides = array<i32>} : memref<64x128xf32, #tpu.memory_space<vmem>>, vector<16xf32>,
      tpu.vector_store %arg8[%swap3A_360, %swap3A_361], %gather3A_351 {strides = array<i32>} : memref<64x128xf32, #tpu.memory_space<vmem>>, vector<16xf32>,
      %get3A_363 = arith.constant 128 : index
      %get3A_364 = tpu.vector_load %arg5[%get3A_363] {strides = array<i32>} : memref<256xi32, #tpu.memory_space<vmem>>, vector<16xi32>,
      %gather3A_365 = tpu.vector_load_idx %arg6[%broadcast_in_dim3A_250, %get3A_364] : memref<4x8000xf32, #tpu.memory_space<vmem>>[vector<16xi32>, vector<16xi32>], vector<16xf32>,
      %mul3A_366 = arith.constant 4 : i32
      %mul3A_367 = arith.muli %add3A_23, %mul3A_366 : i32
      %add3A_368 = arith.constant 1 : i32
      %add3A_369 = arith.addi %mul3A_367, %add3A_368 : i32
      %mul3A_370 = arith.constant 2 : i32
      %mul3A_371 = arith.muli %add3A_369, %mul3A_370 : i32
      %add3A_372 = arith.constant 1 : i32
      %add3A_373 = arith.addi %mul3A_371, %add3A_372 : i32
      %swap3A_374 = arith.index_cast %add3A_373 : i32 to index
      %swap3A_375 = arith.constant 0 : index
      %swap3A_376 = tpu.vector_load %arg8[%swap3A_374, %swap3A_375] {strides = array<i32>} : memref<64x128xf32, #tpu.memory_space<vmem>>, vector<16xf32>,
      tpu.vector_store %arg8[%swap3A_374, %swap3A_375], %gather3A_365 {strides = array<i32>} : memref<64x128xf32, #tpu.memory_space<vmem>>, vector<16xf32>,
      %get3A_377 = arith.constant 144 : index
      %get3A_378 = tpu.vector_load %arg5[%get3A_377] {strides = array<i32>} : memref<256xi32, #tpu.memory_space<vmem>>, vector<16xi32>,
      %gather3A_379 = tpu.vector_load_idx %arg6[%broadcast_in_dim3A_250, %get3A_378] : memref<4x8000xf32, #tpu.memory_space<vmem>>[vector<16xi32>, vector<16xi32>], vector<16xf32>,
      %mul3A_380 = arith.constant 4 : i32
      %mul3A_381 = arith.muli %add3A_23, %mul3A_380 : i32
      %add3A_382 = arith.constant 1 : i32
      %add3A_383 = arith.addi %mul3A_381, %add3A_382 : i32
      %mul3A_384 = arith.constant 2 : i32
      %mul3A_385 = arith.muli %add3A_383, %mul3A_384 : i32
      %add3A_386 = arith.constant 1 : i32
      %add3A_387 = arith.addi %mul3A_385, %add3A_386 : i32
      %swap3A_388 = arith.index_cast %add3A_387 : i32 to index
      %swap3A_389 = arith.constant 16 : index
      %swap3A_390 = tpu.vector_load %arg8[%swap3A_388, %swap3A_389] {strides = array<i32>} : memref<64x128xf32, #tpu.memory_space<vmem>>, vector<16xf32>,
      tpu.vector_store %arg8[%swap3A_388, %swap3A_389], %gather3A_379 {strides = array<i32>} : memref<64x128xf32, #tpu.memory_space<vmem>>, vector<16xf32>,
      %get3A_391 = arith.constant 160 : index
      %get3A_392 = tpu.vector_load %arg5[%get3A_391] {strides = array<i32>} : memref<256xi32, #tpu.memory_space<vmem>>, vector<16xi32>,
      %gather3A_393 = tpu.vector_load_idx %arg6[%broadcast_in_dim3A_250, %get3A_392] : memref<4x8000xf32, #tpu.memory_space<vmem>>[vector<16xi32>, vector<16xi32>], vector<16xf32>,
      %mul3A_394 = arith.constant 4 : i32
      %mul3A_395 = arith.muli %add3A_23, %mul3A_394 : i32
      %add3A_396 = arith.constant 1 : i32
      %add3A_397 = arith.addi %mul3A_395, %add3A_396 : i32
      %mul3A_398 = arith.constant 2 : i32
      %mul3A_399 = arith.muli %add3A_397, %mul3A_398 : i32
      %add3A_400 = arith.constant 1 : i32
      %add3A_401 = arith.addi %mul3A_399, %add3A_400 : i32
      %swap3A_402 = arith.index_cast %add3A_401 : i32 to index
      %swap3A_403 = arith.constant 32 : index
      %swap3A_404 = tpu.vector_load %arg8[%swap3A_402, %swap3A_403] {strides = array<i32>} : memref<64x128xf32, #tpu.memory_space<vmem>>, vector<16xf32>,
      tpu.vector_store %arg8[%swap3A_402, %swap3A_403], %gather3A_393 {strides = array<i32>} : memref<64x128xf32, #tpu.memory_space<vmem>>, vector<16xf32>,
      %get3A_405 = arith.constant 176 : index
      %get3A_406 = tpu.vector_load %arg5[%get3A_405] {strides = array<i32>} : memref<256xi32, #tpu.memory_space<vmem>>, vector<16xi32>,
      %gather3A_407 = tpu.vector_load_idx %arg6[%broadcast_in_dim3A_250, %get3A_406] : memref<4x8000xf32, #tpu.memory_space<vmem>>[vector<16xi32>, vector<16xi32>], vector<16xf32>,
      %mul3A_408 = arith.constant 4 : i32
      %mul3A_409 = arith.muli %add3A_23, %mul3A_408 : i32
      %add3A_410 = arith.constant 1 : i32
      %add3A_411 = arith.addi %mul3A_409, %add3A_410 : i32
      %mul3A_412 = arith.constant 2 : i32
      %mul3A_413 = arith.muli %add3A_411, %mul3A_412 : i32
      %add3A_414 = arith.constant 1 : i32
      %add3A_415 = arith.addi %mul3A_413, %add3A_414 : i32
      %swap3A_416 = arith.index_cast %add3A_415 : i32 to index
      %swap3A_417 = arith.constant 48 : index
      %swap3A_418 = tpu.vector_load %arg8[%swap3A_416, %swap3A_417] {strides = array<i32>} : memref<64x128xf32, #tpu.memory_space<vmem>>, vector<16xf32>,
      tpu.vector_store %arg8[%swap3A_416, %swap3A_417], %gather3A_407 {strides = array<i32>} : memref<64x128xf32, #tpu.memory_space<vmem>>, vector<16xf32>,
      %get3A_419 = arith.constant 192 : index
      %get3A_420 = tpu.vector_load %arg5[%get3A_419] {strides = array<i32>} : memref<256xi32, #tpu.memory_space<vmem>>, vector<16xi32>,
      %gather3A_421 = tpu.vector_load_idx %arg6[%broadcast_in_dim3A_250, %get3A_420] : memref<4x8000xf32, #tpu.memory_space<vmem>>[vector<16xi32>, vector<16xi32>], vector<16xf32>,
      %mul3A_422 = arith.constant 4 : i32
      %mul3A_423 = arith.muli %add3A_23, %mul3A_422 : i32
      %add3A_424 = arith.constant 1 : i32
      %add3A_425 = arith.addi %mul3A_423, %add3A_424 : i32
      %mul3A_426 = arith.constant 2 : i32
      %mul3A_427 = arith.muli %add3A_425, %mul3A_426 : i32
      %add3A_428 = arith.constant 1 : i32
      %add3A_429 = arith.addi %mul3A_427, %add3A_428 : i32
      %swap3A_430 = arith.index_cast %add3A_429 : i32 to index
      %swap3A_431 = arith.constant 64 : index
      %swap3A_432 = tpu.vector_load %arg8[%swap3A_430, %swap3A_431] {strides = array<i32>} : memref<64x128xf32, #tpu.memory_space<vmem>>, vector<16xf32>,
      tpu.vector_store %arg8[%swap3A_430, %swap3A_431], %gather3A_421 {strides = array<i32>} : memref<64x128xf32, #tpu.memory_space<vmem>>, vector<16xf32>,
      %get3A_433 = arith.constant 208 : index
      %get3A_434 = tpu.vector_load %arg5[%get3A_433] {strides = array<i32>} : memref<256xi32, #tpu.memory_space<vmem>>, vector<16xi32>,
      %gather3A_435 = tpu.vector_load_idx %arg6[%broadcast_in_dim3A_250, %get3A_434] : memref<4x8000xf32, #tpu.memory_space<vmem>>[vector<16xi32>, vector<16xi32>], vector<16xf32>,
      %mul3A_436 = arith.constant 4 : i32
      %mul3A_437 = arith.muli %add3A_23, %mul3A_436 : i32
      %add3A_438 = arith.constant 1 : i32
      %add3A_439 = arith.addi %mul3A_437, %add3A_438 : i32
      %mul3A_440 = arith.constant 2 : i32
      %mul3A_441 = arith.muli %add3A_439, %mul3A_440 : i32
      %add3A_442 = arith.constant 1 : i32
      %add3A_443 = arith.addi %mul3A_441, %add3A_442 : i32
      %swap3A_444 = arith.index_cast %add3A_443 : i32 to index
      %swap3A_445 = arith.constant 80 : index
      %swap3A_446 = tpu.vector_load %arg8[%swap3A_444, %swap3A_445] {strides = array<i32>} : memref<64x128xf32, #tpu.memory_space<vmem>>, vector<16xf32>,
      tpu.vector_store %arg8[%swap3A_444, %swap3A_445], %gather3A_435 {strides = array<i32>} : memref<64x128xf32, #tpu.memory_space<vmem>>, vector<16xf32>,
      %get3A_447 = arith.constant 224 : index
      %get3A_448 = tpu.vector_load %arg5[%get3A_447] {strides = array<i32>} : memref<256xi32, #tpu.memory_space<vmem>>, vector<16xi32>,
      %gather3A_449 = tpu.vector_load_idx %arg6[%broadcast_in_dim3A_250, %get3A_448] : memref<4x8000xf32, #tpu.memory_space<vmem>>[vector<16xi32>, vector<16xi32>], vector<16xf32>,
      %mul3A_450 = arith.constant 4 : i32
      %mul3A_451 = arith.muli %add3A_23, %mul3A_450 : i32
      %add3A_452 = arith.constant 1 : i32
      %add3A_453 = arith.addi %mul3A_451, %add3A_452 : i32
      %mul3A_454 = arith.constant 2 : i32
      %mul3A_455 = arith.muli %add3A_453, %mul3A_454 : i32
      %add3A_456 = arith.constant 1 : i32
      %add3A_457 = arith.addi %mul3A_455, %add3A_456 : i32
      %swap3A_458 = arith.index_cast %add3A_457 : i32 to index
      %swap3A_459 = arith.constant 96 : index
      %swap3A_460 = tpu.vector_load %arg8[%swap3A_458, %swap3A_459] {strides = array<i32>} : memref<64x128xf32, #tpu.memory_space<vmem>>, vector<16xf32>,
      tpu.vector_store %arg8[%swap3A_458, %swap3A_459], %gather3A_449 {strides = array<i32>} : memref<64x128xf32, #tpu.memory_space<vmem>>, vector<16xf32>,
      %get3A_461 = arith.constant 240 : index
      %get3A_462 = tpu.vector_load %arg5[%get3A_461] {strides = array<i32>} : memref<256xi32, #tpu.memory_space<vmem>>, vector<16xi32>,
      %gather3A_463 = tpu.vector_load_idx %arg6[%broadcast_in_dim3A_250, %get3A_462] : memref<4x8000xf32, #tpu.memory_space<vmem>>[vector<16xi32>, vector<16xi32>], vector<16xf32>,
      %mul3A_464 = arith.constant 4 : i32
      %mul3A_465 = arith.muli %add3A_23, %mul3A_464 : i32
      %add3A_466 = arith.constant 1 : i32
      %add3A_467 = arith.addi %mul3A_465, %add3A_466 : i32
      %mul3A_468 = arith.constant 2 : i32
      %mul3A_469 = arith.muli %add3A_467, %mul3A_468 : i32
      %add3A_470 = arith.constant 1 : i32
      %add3A_471 = arith.addi %mul3A_469, %add3A_470 : i32
      %swap3A_472 = arith.index_cast %add3A_471 : i32 to index
      %swap3A_473 = arith.constant 112 : index
      %swap3A_474 = tpu.vector_load %arg8[%swap3A_472, %swap3A_473] {strides = array<i32>} : memref<64x128xf32, #tpu.memory_space<vmem>>, vector<16xf32>,
      tpu.vector_store %arg8[%swap3A_472, %swap3A_473], %gather3A_463 {strides = array<i32>} : memref<64x128xf32, #tpu.memory_space<vmem>>, vector<16xf32>,
      %broadcast_in_dim3A_475 = arith.constant 2 : i32
      %broadcast_in_dim3A_476 = vector.broadcast %broadcast_in_dim3A_475 : i32 to vector<16xi32>
      %get3A_477 = arith.constant 0 : index
      %get3A_478 = tpu.vector_load %arg5[%get3A_477] {strides = array<i32>} : memref<256xi32, #tpu.memory_space<vmem>>, vector<16xi32>,
      %gather3A_479 = tpu.vector_load_idx %arg6[%broadcast_in_dim3A_476, %get3A_478] : memref<4x8000xf32, #tpu.memory_space<vmem>>[vector<16xi32>, vector<16xi32>], vector<16xf32>,
      %mul3A_480 = arith.constant 4 : i32
      %mul3A_481 = arith.muli %add3A_23, %mul3A_480 : i32
      %add3A_482 = arith.constant 2 : i32
      %add3A_483 = arith.addi %mul3A_481, %add3A_482 : i32
      %mul3A_484 = arith.constant 2 : i32
      %mul3A_485 = arith.muli %add3A_483, %mul3A_484 : i32
      %add3A_486 = arith.constant 0 : i32
      %add3A_487 = arith.addi %mul3A_485, %add3A_486 : i32
      %swap3A_488 = arith.index_cast %add3A_487 : i32 to index
      %swap3A_489 = arith.constant 0 : index
      %swap3A_490 = tpu.vector_load %arg8[%swap3A_488, %swap3A_489] {strides = array<i32>} : memref<64x128xf32, #tpu.memory_space<vmem>>, vector<16xf32>,
      tpu.vector_store %arg8[%swap3A_488, %swap3A_489], %gather3A_479 {strides = array<i32>} : memref<64x128xf32, #tpu.memory_space<vmem>>, vector<16xf32>,
      %get3A_491 = arith.constant 16 : index
      %get3A_492 = tpu.vector_load %arg5[%get3A_491] {strides = array<i32>} : memref<256xi32, #tpu.memory_space<vmem>>, vector<16xi32>,
      %gather3A_493 = tpu.vector_load_idx %arg6[%broadcast_in_dim3A_476, %get3A_492] : memref<4x8000xf32, #tpu.memory_space<vmem>>[vector<16xi32>, vector<16xi32>], vector<16xf32>,
      %mul3A_494 = arith.constant 4 : i32
      %mul3A_495 = arith.muli %add3A_23, %mul3A_494 : i32
      %add3A_496 = arith.constant 2 : i32
      %add3A_497 = arith.addi %mul3A_495, %add3A_496 : i32
      %mul3A_498 = arith.constant 2 : i32
      %mul3A_499 = arith.muli %add3A_497, %mul3A_498 : i32
      %add3A_500 = arith.constant 0 : i32
      %add3A_501 = arith.addi %mul3A_499, %add3A_500 : i32
      %swap3A_502 = arith.index_cast %add3A_501 : i32 to index
      %swap3A_503 = arith.constant 16 : index
      %swap3A_504 = tpu.vector_load %arg8[%swap3A_502, %swap3A_503] {strides = array<i32>} : memref<64x128xf32, #tpu.memory_space<vmem>>, vector<16xf32>,
      tpu.vector_store %arg8[%swap3A_502, %swap3A_503], %gather3A_493 {strides = array<i32>} : memref<64x128xf32, #tpu.memory_space<vmem>>, vector<16xf32>,
      %get3A_505 = arith.constant 32 : index
      %get3A_506 = tpu.vector_load %arg5[%get3A_505] {strides = array<i32>} : memref<256xi32, #tpu.memory_space<vmem>>, vector<16xi32>,
      %gather3A_507 = tpu.vector_load_idx %arg6[%broadcast_in_dim3A_476, %get3A_506] : memref<4x8000xf32, #tpu.memory_space<vmem>>[vector<16xi32>, vector<16xi32>], vector<16xf32>,
      %mul3A_508 = arith.constant 4 : i32
      %mul3A_509 = arith.muli %add3A_23, %mul3A_508 : i32
      %add3A_510 = arith.constant 2 : i32
      %add3A_511 = arith.addi %mul3A_509, %add3A_510 : i32
      %mul3A_512 = arith.constant 2 : i32
      %mul3A_513 = arith.muli %add3A_511, %mul3A_512 : i32
      %add3A_514 = arith.constant 0 : i32
      %add3A_515 = arith.addi %mul3A_513, %add3A_514 : i32
      %swap3A_516 = arith.index_cast %add3A_515 : i32 to index
      %swap3A_517 = arith.constant 32 : index
      %swap3A_518 = tpu.vector_load %arg8[%swap3A_516, %swap3A_517] {strides = array<i32>} : memref<64x128xf32, #tpu.memory_space<vmem>>, vector<16xf32>,
      tpu.vector_store %arg8[%swap3A_516, %swap3A_517], %gather3A_507 {strides = array<i32>} : memref<64x128xf32, #tpu.memory_space<vmem>>, vector<16xf32>,
      %get3A_519 = arith.constant 48 : index
      %get3A_520 = tpu.vector_load %arg5[%get3A_519] {strides = array<i32>} : memref<256xi32, #tpu.memory_space<vmem>>, vector<16xi32>,
      %gather3A_521 = tpu.vector_load_idx %arg6[%broadcast_in_dim3A_476, %get3A_520] : memref<4x8000xf32, #tpu.memory_space<vmem>>[vector<16xi32>, vector<16xi32>], vector<16xf32>,
      %mul3A_522 = arith.constant 4 : i32
      %mul3A_523 = arith.muli %add3A_23, %mul3A_522 : i32
      %add3A_524 = arith.constant 2 : i32
      %add3A_525 = arith.addi %mul3A_523, %add3A_524 : i32
      %mul3A_526 = arith.constant 2 : i32
      %mul3A_527 = arith.muli %add3A_525, %mul3A_526 : i32
      %add3A_528 = arith.constant 0 : i32
      %add3A_529 = arith.addi %mul3A_527, %add3A_528 : i32
      %swap3A_530 = arith.index_cast %add3A_529 : i32 to index
      %swap3A_531 = arith.constant 48 : index
      %swap3A_532 = tpu.vector_load %arg8[%swap3A_530, %swap3A_531] {strides = array<i32>} : memref<64x128xf32, #tpu.memory_space<vmem>>, vector<16xf32>,
      tpu.vector_store %arg8[%swap3A_530, %swap3A_531], %gather3A_521 {strides = array<i32>} : memref<64x128xf32, #tpu.memory_space<vmem>>, vector<16xf32>,
      %get3A_533 = arith.constant 64 : index
      %get3A_534 = tpu.vector_load %arg5[%get3A_533] {strides = array<i32>} : memref<256xi32, #tpu.memory_space<vmem>>, vector<16xi32>,
      %gather3A_535 = tpu.vector_load_idx %arg6[%broadcast_in_dim3A_476, %get3A_534] : memref<4x8000xf32, #tpu.memory_space<vmem>>[vector<16xi32>, vector<16xi32>], vector<16xf32>,
      %mul3A_536 = arith.constant 4 : i32
      %mul3A_537 = arith.muli %add3A_23, %mul3A_536 : i32
      %add3A_538 = arith.constant 2 : i32
      %add3A_539 = arith.addi %mul3A_537, %add3A_538 : i32
      %mul3A_540 = arith.constant 2 : i32
      %mul3A_541 = arith.muli %add3A_539, %mul3A_540 : i32
      %add3A_542 = arith.constant 0 : i32
      %add3A_543 = arith.addi %mul3A_541, %add3A_542 : i32
      %swap3A_544 = arith.index_cast %add3A_543 : i32 to index
      %swap3A_545 = arith.constant 64 : index
      %swap3A_546 = tpu.vector_load %arg8[%swap3A_544, %swap3A_545] {strides = array<i32>} : memref<64x128xf32, #tpu.memory_space<vmem>>, vector<16xf32>,
      tpu.vector_store %arg8[%swap3A_544, %swap3A_545], %gather3A_535 {strides = array<i32>} : memref<64x128xf32, #tpu.memory_space<vmem>>, vector<16xf32>,
      %get3A_547 = arith.constant 80 : index
      %get3A_548 = tpu.vector_load %arg5[%get3A_547] {strides = array<i32>} : memref<256xi32, #tpu.memory_space<vmem>>, vector<16xi32>,
      %gather3A_549 = tpu.vector_load_idx %arg6[%broadcast_in_dim3A_476, %get3A_548] : memref<4x8000xf32, #tpu.memory_space<vmem>>[vector<16xi32>, vector<16xi32>], vector<16xf32>,
      %mul3A_550 = arith.constant 4 : i32
      %mul3A_551 = arith.muli %add3A_23, %mul3A_550 : i32
      %add3A_552 = arith.constant 2 : i32
      %add3A_553 = arith.addi %mul3A_551, %add3A_552 : i32
      %mul3A_554 = arith.constant 2 : i32
      %mul3A_555 = arith.muli %add3A_553, %mul3A_554 : i32
      %add3A_556 = arith.constant 0 : i32
      %add3A_557 = arith.addi %mul3A_555, %add3A_556 : i32
      %swap3A_558 = arith.index_cast %add3A_557 : i32 to index
      %swap3A_559 = arith.constant 80 : index
      %swap3A_560 = tpu.vector_load %arg8[%swap3A_558, %swap3A_559] {strides = array<i32>} : memref<64x128xf32, #tpu.memory_space<vmem>>, vector<16xf32>,
      tpu.vector_store %arg8[%swap3A_558, %swap3A_559], %gather3A_549 {strides = array<i32>} : memref<64x128xf32, #tpu.memory_space<vmem>>, vector<16xf32>,
      %get3A_561 = arith.constant 96 : index
      %get3A_562 = tpu.vector_load %arg5[%get3A_561] {strides = array<i32>} : memref<256xi32, #tpu.memory_space<vmem>>, vector<16xi32>,
      %gather3A_563 = tpu.vector_load_idx %arg6[%broadcast_in_dim3A_476, %get3A_562] : memref<4x8000xf32, #tpu.memory_space<vmem>>[vector<16xi32>, vector<16xi32>], vector<16xf32>,
      %mul3A_564 = arith.constant 4 : i32
      %mul3A_565 = arith.muli %add3A_23, %mul3A_564 : i32
      %add3A_566 = arith.constant 2 : i32
      %add3A_567 = arith.addi %mul3A_565, %add3A_566 : i32
      %mul3A_568 = arith.constant 2 : i32
      %mul3A_569 = arith.muli %add3A_567, %mul3A_568 : i32
      %add3A_570 = arith.constant 0 : i32
      %add3A_571 = arith.addi %mul3A_569, %add3A_570 : i32
      %swap3A_572 = arith.index_cast %add3A_571 : i32 to index
      %swap3A_573 = arith.constant 96 : index
      %swap3A_574 = tpu.vector_load %arg8[%swap3A_572, %swap3A_573] {strides = array<i32>} : memref<64x128xf32, #tpu.memory_space<vmem>>, vector<16xf32>,
      tpu.vector_store %arg8[%swap3A_572, %swap3A_573], %gather3A_563 {strides = array<i32>} : memref<64x128xf32, #tpu.memory_space<vmem>>, vector<16xf32>,
      %get3A_575 = arith.constant 112 : index
      %get3A_576 = tpu.vector_load %arg5[%get3A_575] {strides = array<i32>} : memref<256xi32, #tpu.memory_space<vmem>>, vector<16xi32>,
      %gather3A_577 = tpu.vector_load_idx %arg6[%broadcast_in_dim3A_476, %get3A_576] : memref<4x8000xf32, #tpu.memory_space<vmem>>[vector<16xi32>, vector<16xi32>], vector<16xf32>,
      %mul3A_578 = arith.constant 4 : i32
      %mul3A_579 = arith.muli %add3A_23, %mul3A_578 : i32
      %add3A_580 = arith.constant 2 : i32
      %add3A_581 = arith.addi %mul3A_579, %add3A_580 : i32
      %mul3A_582 = arith.constant 2 : i32
      %mul3A_583 = arith.muli %add3A_581, %mul3A_582 : i32
      %add3A_584 = arith.constant 0 : i32
      %add3A_585 = arith.addi %mul3A_583, %add3A_584 : i32
      %swap3A_586 = arith.index_cast %add3A_585 : i32 to index
      %swap3A_587 = arith.constant 112 : index
      %swap3A_588 = tpu.vector_load %arg8[%swap3A_586, %swap3A_587] {strides = array<i32>} : memref<64x128xf32, #tpu.memory_space<vmem>>, vector<16xf32>,
      tpu.vector_store %arg8[%swap3A_586, %swap3A_587], %gather3A_577 {strides = array<i32>} : memref<64x128xf32, #tpu.memory_space<vmem>>, vector<16xf32>,
      %get3A_589 = arith.constant 128 : index
      %get3A_590 = tpu.vector_load %arg5[%get3A_589] {strides = array<i32>} : memref<256xi32, #tpu.memory_space<vmem>>, vector<16xi32>,
      %gather3A_591 = tpu.vector_load_idx %arg6[%broadcast_in_dim3A_476, %get3A_590] : memref<4x8000xf32, #tpu.memory_space<vmem>>[vector<16xi32>, vector<16xi32>], vector<16xf32>,
      %mul3A_592 = arith.constant 4 : i32
      %mul3A_593 = arith.muli %add3A_23, %mul3A_592 : i32
      %add3A_594 = arith.constant 2 : i32
      %add3A_595 = arith.addi %mul3A_593, %add3A_594 : i32
      %mul3A_596 = arith.constant 2 : i32
      %mul3A_597 = arith.muli %add3A_595, %mul3A_596 : i32
      %add3A_598 = arith.constant 1 : i32
      %add3A_599 = arith.addi %mul3A_597, %add3A_598 : i32
      %swap3A_600 = arith.index_cast %add3A_599 : i32 to index
      %swap3A_601 = arith.constant 0 : index
      %swap3A_602 = tpu.vector_load %arg8[%swap3A_600, %swap3A_601] {strides = array<i32>} : memref<64x128xf32, #tpu.memory_space<vmem>>, vector<16xf32>,
      tpu.vector_store %arg8[%swap3A_600, %swap3A_601], %gather3A_591 {strides = array<i32>} : memref<64x128xf32, #tpu.memory_space<vmem>>, vector<16xf32>,
      %get3A_603 = arith.constant 144 : index
      %get3A_604 = tpu.vector_load %arg5[%get3A_603] {strides = array<i32>} : memref<256xi32, #tpu.memory_space<vmem>>, vector<16xi32>,
      %gather3A_605 = tpu.vector_load_idx %arg6[%broadcast_in_dim3A_476, %get3A_604] : memref<4x8000xf32, #tpu.memory_space<vmem>>[vector<16xi32>, vector<16xi32>], vector<16xf32>,
      %mul3A_606 = arith.constant 4 : i32
      %mul3A_607 = arith.muli %add3A_23, %mul3A_606 : i32
      %add3A_608 = arith.constant 2 : i32
      %add3A_609 = arith.addi %mul3A_607, %add3A_608 : i32
      %mul3A_610 = arith.constant 2 : i32
      %mul3A_611 = arith.muli %add3A_609, %mul3A_610 : i32
      %add3A_612 = arith.constant 1 : i32
      %add3A_613 = arith.addi %mul3A_611, %add3A_612 : i32
      %swap3A_614 = arith.index_cast %add3A_613 : i32 to index
      %swap3A_615 = arith.constant 16 : index
      %swap3A_616 = tpu.vector_load %arg8[%swap3A_614, %swap3A_615] {strides = array<i32>} : memref<64x128xf32, #tpu.memory_space<vmem>>, vector<16xf32>,
      tpu.vector_store %arg8[%swap3A_614, %swap3A_615], %gather3A_605 {strides = array<i32>} : memref<64x128xf32, #tpu.memory_space<vmem>>, vector<16xf32>,
      %get3A_617 = arith.constant 160 : index
      %get3A_618 = tpu.vector_load %arg5[%get3A_617] {strides = array<i32>} : memref<256xi32, #tpu.memory_space<vmem>>, vector<16xi32>,
      %gather3A_619 = tpu.vector_load_idx %arg6[%broadcast_in_dim3A_476, %get3A_618] : memref<4x8000xf32, #tpu.memory_space<vmem>>[vector<16xi32>, vector<16xi32>], vector<16xf32>,
      %mul3A_620 = arith.constant 4 : i32
      %mul3A_621 = arith.muli %add3A_23, %mul3A_620 : i32
      %add3A_622 = arith.constant 2 : i32
      %add3A_623 = arith.addi %mul3A_621, %add3A_622 : i32
      %mul3A_624 = arith.constant 2 : i32
      %mul3A_625 = arith.muli %add3A_623, %mul3A_624 : i32
      %add3A_626 = arith.constant 1 : i32
      %add3A_627 = arith.addi %mul3A_625, %add3A_626 : i32
      %swap3A_628 = arith.index_cast %add3A_627 : i32 to index
      %swap3A_629 = arith.constant 32 : index
      %swap3A_630 = tpu.vector_load %arg8[%swap3A_628, %swap3A_629] {strides = array<i32>} : memref<64x128xf32, #tpu.memory_space<vmem>>, vector<16xf32>,
      tpu.vector_store %arg8[%swap3A_628, %swap3A_629], %gather3A_619 {strides = array<i32>} : memref<64x128xf32, #tpu.memory_space<vmem>>, vector<16xf32>,
      %get3A_631 = arith.constant 176 : index
      %get3A_632 = tpu.vector_load %arg5[%get3A_631] {strides = array<i32>} : memref<256xi32, #tpu.memory_space<vmem>>, vector<16xi32>,
      %gather3A_633 = tpu.vector_load_idx %arg6[%broadcast_in_dim3A_476, %get3A_632] : memref<4x8000xf32, #tpu.memory_space<vmem>>[vector<16xi32>, vector<16xi32>], vector<16xf32>,
      %mul3A_634 = arith.constant 4 : i32
      %mul3A_635 = arith.muli %add3A_23, %mul3A_634 : i32
      %add3A_636 = arith.constant 2 : i32
      %add3A_637 = arith.addi %mul3A_635, %add3A_636 : i32
      %mul3A_638 = arith.constant 2 : i32
      %mul3A_639 = arith.muli %add3A_637, %mul3A_638 : i32
      %add3A_640 = arith.constant 1 : i32
      %add3A_641 = arith.addi %mul3A_639, %add3A_640 : i32
      %swap3A_642 = arith.index_cast %add3A_641 : i32 to index
      %swap3A_643 = arith.constant 48 : index
      %swap3A_644 = tpu.vector_load %arg8[%swap3A_642, %swap3A_643] {strides = array<i32>} : memref<64x128xf32, #tpu.memory_space<vmem>>, vector<16xf32>,
      tpu.vector_store %arg8[%swap3A_642, %swap3A_643], %gather3A_633 {strides = array<i32>} : memref<64x128xf32, #tpu.memory_space<vmem>>, vector<16xf32>,
      %get3A_645 = arith.constant 192 : index
      %get3A_646 = tpu.vector_load %arg5[%get3A_645] {strides = array<i32>} : memref<256xi32, #tpu.memory_space<vmem>>, vector<16xi32>,
      %gather3A_647 = tpu.vector_load_idx %arg6[%broadcast_in_dim3A_476, %get3A_646] : memref<4x8000xf32, #tpu.memory_space<vmem>>[vector<16xi32>, vector<16xi32>], vector<16xf32>,
      %mul3A_648 = arith.constant 4 : i32
      %mul3A_649 = arith.muli %add3A_23, %mul3A_648 : i32
      %add3A_650 = arith.constant 2 : i32
      %add3A_651 = arith.addi %mul3A_649, %add3A_650 : i32
      %mul3A_652 = arith.constant 2 : i32
      %mul3A_653 = arith.muli %add3A_651, %mul3A_652 : i32
      %add3A_654 = arith.constant 1 : i32
      %add3A_655 = arith.addi %mul3A_653, %add3A_654 : i32
      %swap3A_656 = arith.index_cast %add3A_655 : i32 to index
      %swap3A_657 = arith.constant 64 : index
      %swap3A_658 = tpu.vector_load %arg8[%swap3A_656, %swap3A_657] {strides = array<i32>} : memref<64x128xf32, #tpu.memory_space<vmem>>, vector<16xf32>,
      tpu.vector_store %arg8[%swap3A_656, %swap3A_657], %gather3A_647 {strides = array<i32>} : memref<64x128xf32, #tpu.memory_space<vmem>>, vector<16xf32>,
      %get3A_659 = arith.constant 208 : index
      %get3A_660 = tpu.vector_load %arg5[%get3A_659] {strides = array<i32>} : memref<256xi32, #tpu.memory_space<vmem>>, vector<16xi32>,
      %gather3A_661 = tpu.vector_load_idx %arg6[%broadcast_in_dim3A_476, %get3A_660] : memref<4x8000xf32, #tpu.memory_space<vmem>>[vector<16xi32>, vector<16xi32>], vector<16xf32>,
      %mul3A_662 = arith.constant 4 : i32
      %mul3A_663 = arith.muli %add3A_23, %mul3A_662 : i32
      %add3A_664 = arith.constant 2 : i32
      %add3A_665 = arith.addi %mul3A_663, %add3A_664 : i32
      %mul3A_666 = arith.constant 2 : i32
      %mul3A_667 = arith.muli %add3A_665, %mul3A_666 : i32
      %add3A_668 = arith.constant 1 : i32
      %add3A_669 = arith.addi %mul3A_667, %add3A_668 : i32
      %swap3A_670 = arith.index_cast %add3A_669 : i32 to index
      %swap3A_671 = arith.constant 80 : index
      %swap3A_672 = tpu.vector_load %arg8[%swap3A_670, %swap3A_671] {strides = array<i32>} : memref<64x128xf32, #tpu.memory_space<vmem>>, vector<16xf32>,
      tpu.vector_store %arg8[%swap3A_670, %swap3A_671], %gather3A_661 {strides = array<i32>} : memref<64x128xf32, #tpu.memory_space<vmem>>, vector<16xf32>,
      %get3A_673 = arith.constant 224 : index
      %get3A_674 = tpu.vector_load %arg5[%get3A_673] {strides = array<i32>} : memref<256xi32, #tpu.memory_space<vmem>>, vector<16xi32>,
      %gather3A_675 = tpu.vector_load_idx %arg6[%broadcast_in_dim3A_476, %get3A_674] : memref<4x8000xf32, #tpu.memory_space<vmem>>[vector<16xi32>, vector<16xi32>], vector<16xf32>,
      %mul3A_676 = arith.constant 4 : i32
      %mul3A_677 = arith.muli %add3A_23, %mul3A_676 : i32
      %add3A_678 = arith.constant 2 : i32
      %add3A_679 = arith.addi %mul3A_677, %add3A_678 : i32
      %mul3A_680 = arith.constant 2 : i32
      %mul3A_681 = arith.muli %add3A_679, %mul3A_680 : i32
      %add3A_682 = arith.constant 1 : i32
      %add3A_683 = arith.addi %mul3A_681, %add3A_682 : i32
      %swap3A_684 = arith.index_cast %add3A_683 : i32 to index
      %swap3A_685 = arith.constant 96 : index
      %swap3A_686 = tpu.vector_load %arg8[%swap3A_684, %swap3A_685] {strides = array<i32>} : memref<64x128xf32, #tpu.memory_space<vmem>>, vector<16xf32>,
      tpu.vector_store %arg8[%swap3A_684, %swap3A_685], %gather3A_675 {strides = array<i32>} : memref<64x128xf32, #tpu.memory_space<vmem>>, vector<16xf32>,
      %get3A_687 = arith.constant 240 : index
      %get3A_688 = tpu.vector_load %arg5[%get3A_687] {strides = array<i32>} : memref<256xi32, #tpu.memory_space<vmem>>, vector<16xi32>,
      %gather3A_689 = tpu.vector_load_idx %arg6[%broadcast_in_dim3A_476, %get3A_688] : memref<4x8000xf32, #tpu.memory_space<vmem>>[vector<16xi32>, vector<16xi32>], vector<16xf32>,
      %mul3A_690 = arith.constant 4 : i32
      %mul3A_691 = arith.muli %add3A_23, %mul3A_690 : i32
      %add3A_692 = arith.constant 2 : i32
      %add3A_693 = arith.addi %mul3A_691, %add3A_692 : i32
      %mul3A_694 = arith.constant 2 : i32
      %mul3A_695 = arith.muli %add3A_693, %mul3A_694 : i32
      %add3A_696 = arith.constant 1 : i32
      %add3A_697 = arith.addi %mul3A_695, %add3A_696 : i32
      %swap3A_698 = arith.index_cast %add3A_697 : i32 to index
      %swap3A_699 = arith.constant 112 : index
      %swap3A_700 = tpu.vector_load %arg8[%swap3A_698, %swap3A_699] {strides = array<i32>} : memref<64x128xf32, #tpu.memory_space<vmem>>, vector<16xf32>,
      tpu.vector_store %arg8[%swap3A_698, %swap3A_699], %gather3A_689 {strides = array<i32>} : memref<64x128xf32, #tpu.memory_space<vmem>>, vector<16xf32>,
      %broadcast_in_dim3A_701 = arith.constant 3 : i32
      %broadcast_in_dim3A_702 = vector.broadcast %broadcast_in_dim3A_701 : i32 to vector<16xi32>
      %get3A_703 = arith.constant 0 : index
      %get3A_704 = tpu.vector_load %arg5[%get3A_703] {strides = array<i32>} : memref<256xi32, #tpu.memory_space<vmem>>, vector<16xi32>,
      %gather3A_705 = tpu.vector_load_idx %arg6[%broadcast_in_dim3A_702, %get3A_704] : memref<4x8000xf32, #tpu.memory_space<vmem>>[vector<16xi32>, vector<16xi32>], vector<16xf32>,
      %mul3A_706 = arith.constant 4 : i32
      %mul3A_707 = arith.muli %add3A_23, %mul3A_706 : i32
      %add3A_708 = arith.constant 3 : i32
      %add3A_709 = arith.addi %mul3A_707, %add3A_708 : i32
      %mul3A_710 = arith.constant 2 : i32
      %mul3A_711 = arith.muli %add3A_709, %mul3A_710 : i32
      %add3A_712 = arith.constant 0 : i32
      %add3A_713 = arith.addi %mul3A_711, %add3A_712 : i32
      %swap3A_714 = arith.index_cast %add3A_713 : i32 to index
      %swap3A_715 = arith.constant 0 : index
      %swap3A_716 = tpu.vector_load %arg8[%swap3A_714, %swap3A_715] {strides = array<i32>} : memref<64x128xf32, #tpu.memory_space<vmem>>, vector<16xf32>,
      tpu.vector_store %arg8[%swap3A_714, %swap3A_715], %gather3A_705 {strides = array<i32>} : memref<64x128xf32, #tpu.memory_space<vmem>>, vector<16xf32>,
      %get3A_717 = arith.constant 16 : index
      %get3A_718 = tpu.vector_load %arg5[%get3A_717] {strides = array<i32>} : memref<256xi32, #tpu.memory_space<vmem>>, vector<16xi32>,
      %gather3A_719 = tpu.vector_load_idx %arg6[%broadcast_in_dim3A_702, %get3A_718] : memref<4x8000xf32, #tpu.memory_space<vmem>>[vector<16xi32>, vector<16xi32>], vector<16xf32>,
      %mul3A_720 = arith.constant 4 : i32
      %mul3A_721 = arith.muli %add3A_23, %mul3A_720 : i32
      %add3A_722 = arith.constant 3 : i32
      %add3A_723 = arith.addi %mul3A_721, %add3A_722 : i32
      %mul3A_724 = arith.constant 2 : i32
      %mul3A_725 = arith.muli %add3A_723, %mul3A_724 : i32
      %add3A_726 = arith.constant 0 : i32
      %add3A_727 = arith.addi %mul3A_725, %add3A_726 : i32
      %swap3A_728 = arith.index_cast %add3A_727 : i32 to index
      %swap3A_729 = arith.constant 16 : index
      %swap3A_730 = tpu.vector_load %arg8[%swap3A_728, %swap3A_729] {strides = array<i32>} : memref<64x128xf32, #tpu.memory_space<vmem>>, vector<16xf32>,
      tpu.vector_store %arg8[%swap3A_728, %swap3A_729], %gather3A_719 {strides = array<i32>} : memref<64x128xf32, #tpu.memory_space<vmem>>, vector<16xf32>,
      %get3A_731 = arith.constant 32 : index
      %get3A_732 = tpu.vector_load %arg5[%get3A_731] {strides = array<i32>} : memref<256xi32, #tpu.memory_space<vmem>>, vector<16xi32>,
      %gather3A_733 = tpu.vector_load_idx %arg6[%broadcast_in_dim3A_702, %get3A_732] : memref<4x8000xf32, #tpu.memory_space<vmem>>[vector<16xi32>, vector<16xi32>], vector<16xf32>,
      %mul3A_734 = arith.constant 4 : i32
      %mul3A_735 = arith.muli %add3A_23, %mul3A_734 : i32
      %add3A_736 = arith.constant 3 : i32
      %add3A_737 = arith.addi %mul3A_735, %add3A_736 : i32
      %mul3A_738 = arith.constant 2 : i32
      %mul3A_739 = arith.muli %add3A_737, %mul3A_738 : i32
      %add3A_740 = arith.constant 0 : i32
      %add3A_741 = arith.addi %mul3A_739, %add3A_740 : i32
      %swap3A_742 = arith.index_cast %add3A_741 : i32 to index
      %swap3A_743 = arith.constant 32 : index
      %swap3A_744 = tpu.vector_load %arg8[%swap3A_742, %swap3A_743] {strides = array<i32>} : memref<64x128xf32, #tpu.memory_space<vmem>>, vector<16xf32>,
      tpu.vector_store %arg8[%swap3A_742, %swap3A_743], %gather3A_733 {strides = array<i32>} : memref<64x128xf32, #tpu.memory_space<vmem>>, vector<16xf32>,
      %get3A_745 = arith.constant 48 : index
      %get3A_746 = tpu.vector_load %arg5[%get3A_745] {strides = array<i32>} : memref<256xi32, #tpu.memory_space<vmem>>, vector<16xi32>,
      %gather3A_747 = tpu.vector_load_idx %arg6[%broadcast_in_dim3A_702, %get3A_746] : memref<4x8000xf32, #tpu.memory_space<vmem>>[vector<16xi32>, vector<16xi32>], vector<16xf32>,
      %mul3A_748 = arith.constant 4 : i32
      %mul3A_749 = arith.muli %add3A_23, %mul3A_748 : i32
      %add3A_750 = arith.constant 3 : i32
      %add3A_751 = arith.addi %mul3A_749, %add3A_750 : i32
      %mul3A_752 = arith.constant 2 : i32
      %mul3A_753 = arith.muli %add3A_751, %mul3A_752 : i32
      %add3A_754 = arith.constant 0 : i32
      %add3A_755 = arith.addi %mul3A_753, %add3A_754 : i32
      %swap3A_756 = arith.index_cast %add3A_755 : i32 to index
      %swap3A_757 = arith.constant 48 : index
      %swap3A_758 = tpu.vector_load %arg8[%swap3A_756, %swap3A_757] {strides = array<i32>} : memref<64x128xf32, #tpu.memory_space<vmem>>, vector<16xf32>,
      tpu.vector_store %arg8[%swap3A_756, %swap3A_757], %gather3A_747 {strides = array<i32>} : memref<64x128xf32, #tpu.memory_space<vmem>>, vector<16xf32>,
      %get3A_759 = arith.constant 64 : index
      %get3A_760 = tpu.vector_load %arg5[%get3A_759] {strides = array<i32>} : memref<256xi32, #tpu.memory_space<vmem>>, vector<16xi32>,
      %gather3A_761 = tpu.vector_load_idx %arg6[%broadcast_in_dim3A_702, %get3A_760] : memref<4x8000xf32, #tpu.memory_space<vmem>>[vector<16xi32>, vector<16xi32>], vector<16xf32>,
      %mul3A_762 = arith.constant 4 : i32
      %mul3A_763 = arith.muli %add3A_23, %mul3A_762 : i32
      %add3A_764 = arith.constant 3 : i32
      %add3A_765 = arith.addi %mul3A_763, %add3A_764 : i32
      %mul3A_766 = arith.constant 2 : i32
      %mul3A_767 = arith.muli %add3A_765, %mul3A_766 : i32
      %add3A_768 = arith.constant 0 : i32
      %add3A_769 = arith.addi %mul3A_767, %add3A_768 : i32
      %swap3A_770 = arith.index_cast %add3A_769 : i32 to index
      %swap3A_771 = arith.constant 64 : index
      %swap3A_772 = tpu.vector_load %arg8[%swap3A_770, %swap3A_771] {strides = array<i32>} : memref<64x128xf32, #tpu.memory_space<vmem>>, vector<16xf32>,
      tpu.vector_store %arg8[%swap3A_770, %swap3A_771], %gather3A_761 {strides = array<i32>} : memref<64x128xf32, #tpu.memory_space<vmem>>, vector<16xf32>,
      %get3A_773 = arith.constant 80 : index
      %get3A_774 = tpu.vector_load %arg5[%get3A_773] {strides = array<i32>} : memref<256xi32, #tpu.memory_space<vmem>>, vector<16xi32>,
      %gather3A_775 = tpu.vector_load_idx %arg6[%broadcast_in_dim3A_702, %get3A_774] : memref<4x8000xf32, #tpu.memory_space<vmem>>[vector<16xi32>, vector<16xi32>], vector<16xf32>,
      %mul3A_776 = arith.constant 4 : i32
      %mul3A_777 = arith.muli %add3A_23, %mul3A_776 : i32
      %add3A_778 = arith.constant 3 : i32
      %add3A_779 = arith.addi %mul3A_777, %add3A_778 : i32
      %mul3A_780 = arith.constant 2 : i32
      %mul3A_781 = arith.muli %add3A_779, %mul3A_780 : i32
      %add3A_782 = arith.constant 0 : i32
      %add3A_783 = arith.addi %mul3A_781, %add3A_782 : i32
      %swap3A_784 = arith.index_cast %add3A_783 : i32 to index
      %swap3A_785 = arith.constant 80 : index
      %swap3A_786 = tpu.vector_load %arg8[%swap3A_784, %swap3A_785] {strides = array<i32>} : memref<64x128xf32, #tpu.memory_space<vmem>>, vector<16xf32>,
      tpu.vector_store %arg8[%swap3A_784, %swap3A_785], %gather3A_775 {strides = array<i32>} : memref<64x128xf32, #tpu.memory_space<vmem>>, vector<16xf32>,
      %get3A_787 = arith.constant 96 : index
      %get3A_788 = tpu.vector_load %arg5[%get3A_787] {strides = array<i32>} : memref<256xi32, #tpu.memory_space<vmem>>, vector<16xi32>,
      %gather3A_789 = tpu.vector_load_idx %arg6[%broadcast_in_dim3A_702, %get3A_788] : memref<4x8000xf32, #tpu.memory_space<vmem>>[vector<16xi32>, vector<16xi32>], vector<16xf32>,
      %mul3A_790 = arith.constant 4 : i32
      %mul3A_791 = arith.muli %add3A_23, %mul3A_790 : i32
      %add3A_792 = arith.constant 3 : i32
      %add3A_793 = arith.addi %mul3A_791, %add3A_792 : i32
      %mul3A_794 = arith.constant 2 : i32
      %mul3A_795 = arith.muli %add3A_793, %mul3A_794 : i32
      %add3A_796 = arith.constant 0 : i32
      %add3A_797 = arith.addi %mul3A_795, %add3A_796 : i32
      %swap3A_798 = arith.index_cast %add3A_797 : i32 to index
      %swap3A_799 = arith.constant 96 : index
      %swap3A_800 = tpu.vector_load %arg8[%swap3A_798, %swap3A_799] {strides = array<i32>} : memref<64x128xf32, #tpu.memory_space<vmem>>, vector<16xf32>,
      tpu.vector_store %arg8[%swap3A_798, %swap3A_799], %gather3A_789 {strides = array<i32>} : memref<64x128xf32, #tpu.memory_space<vmem>>, vector<16xf32>,
      %get3A_801 = arith.constant 112 : index
      %get3A_802 = tpu.vector_load %arg5[%get3A_801] {strides = array<i32>} : memref<256xi32, #tpu.memory_space<vmem>>, vector<16xi32>,
      %gather3A_803 = tpu.vector_load_idx %arg6[%broadcast_in_dim3A_702, %get3A_802] : memref<4x8000xf32, #tpu.memory_space<vmem>>[vector<16xi32>, vector<16xi32>], vector<16xf32>,
      %mul3A_804 = arith.constant 4 : i32
      %mul3A_805 = arith.muli %add3A_23, %mul3A_804 : i32
      %add3A_806 = arith.constant 3 : i32
      %add3A_807 = arith.addi %mul3A_805, %add3A_806 : i32
      %mul3A_808 = arith.constant 2 : i32
      %mul3A_809 = arith.muli %add3A_807, %mul3A_808 : i32
      %add3A_810 = arith.constant 0 : i32
      %add3A_811 = arith.addi %mul3A_809, %add3A_810 : i32
      %swap3A_812 = arith.index_cast %add3A_811 : i32 to index
      %swap3A_813 = arith.constant 112 : index
      %swap3A_814 = tpu.vector_load %arg8[%swap3A_812, %swap3A_813] {strides = array<i32>} : memref<64x128xf32, #tpu.memory_space<vmem>>, vector<16xf32>,
      tpu.vector_store %arg8[%swap3A_812, %swap3A_813], %gather3A_803 {strides = array<i32>} : memref<64x128xf32, #tpu.memory_space<vmem>>, vector<16xf32>,
      %get3A_815 = arith.constant 128 : index
      %get3A_816 = tpu.vector_load %arg5[%get3A_815] {strides = array<i32>} : memref<256xi32, #tpu.memory_space<vmem>>, vector<16xi32>,
      %gather3A_817 = tpu.vector_load_idx %arg6[%broadcast_in_dim3A_702, %get3A_816] : memref<4x8000xf32, #tpu.memory_space<vmem>>[vector<16xi32>, vector<16xi32>], vector<16xf32>,
      %mul3A_818 = arith.constant 4 : i32
      %mul3A_819 = arith.muli %add3A_23, %mul3A_818 : i32
      %add3A_820 = arith.constant 3 : i32
      %add3A_821 = arith.addi %mul3A_819, %add3A_820 : i32
      %mul3A_822 = arith.constant 2 : i32
      %mul3A_823 = arith.muli %add3A_821, %mul3A_822 : i32
      %add3A_824 = arith.constant 1 : i32
      %add3A_825 = arith.addi %mul3A_823, %add3A_824 : i32
      %swap3A_826 = arith.index_cast %add3A_825 : i32 to index
      %swap3A_827 = arith.constant 0 : index
      %swap3A_828 = tpu.vector_load %arg8[%swap3A_826, %swap3A_827] {strides = array<i32>} : memref<64x128xf32, #tpu.memory_space<vmem>>, vector<16xf32>,
      tpu.vector_store %arg8[%swap3A_826, %swap3A_827], %gather3A_817 {strides = array<i32>} : memref<64x128xf32, #tpu.memory_space<vmem>>, vector<16xf32>,
      %get3A_829 = arith.constant 144 : index
      %get3A_830 = tpu.vector_load %arg5[%get3A_829] {strides = array<i32>} : memref<256xi32, #tpu.memory_space<vmem>>, vector<16xi32>,
      %gather3A_831 = tpu.vector_load_idx %arg6[%broadcast_in_dim3A_702, %get3A_830] : memref<4x8000xf32, #tpu.memory_space<vmem>>[vector<16xi32>, vector<16xi32>], vector<16xf32>,
      %mul3A_832 = arith.constant 4 : i32
      %mul3A_833 = arith.muli %add3A_23, %mul3A_832 : i32
      %add3A_834 = arith.constant 3 : i32
      %add3A_835 = arith.addi %mul3A_833, %add3A_834 : i32
      %mul3A_836 = arith.constant 2 : i32
      %mul3A_837 = arith.muli %add3A_835, %mul3A_836 : i32
      %add3A_838 = arith.constant 1 : i32
      %add3A_839 = arith.addi %mul3A_837, %add3A_838 : i32
      %swap3A_840 = arith.index_cast %add3A_839 : i32 to index
      %swap3A_841 = arith.constant 16 : index
      %swap3A_842 = tpu.vector_load %arg8[%swap3A_840, %swap3A_841] {strides = array<i32>} : memref<64x128xf32, #tpu.memory_space<vmem>>, vector<16xf32>,
      tpu.vector_store %arg8[%swap3A_840, %swap3A_841], %gather3A_831 {strides = array<i32>} : memref<64x128xf32, #tpu.memory_space<vmem>>, vector<16xf32>,
      %get3A_843 = arith.constant 160 : index
      %get3A_844 = tpu.vector_load %arg5[%get3A_843] {strides = array<i32>} : memref<256xi32, #tpu.memory_space<vmem>>, vector<16xi32>,
      %gather3A_845 = tpu.vector_load_idx %arg6[%broadcast_in_dim3A_702, %get3A_844] : memref<4x8000xf32, #tpu.memory_space<vmem>>[vector<16xi32>, vector<16xi32>], vector<16xf32>,
      %mul3A_846 = arith.constant 4 : i32
      %mul3A_847 = arith.muli %add3A_23, %mul3A_846 : i32
      %add3A_848 = arith.constant 3 : i32
      %add3A_849 = arith.addi %mul3A_847, %add3A_848 : i32
      %mul3A_850 = arith.constant 2 : i32
      %mul3A_851 = arith.muli %add3A_849, %mul3A_850 : i32
      %add3A_852 = arith.constant 1 : i32
      %add3A_853 = arith.addi %mul3A_851, %add3A_852 : i32
      %swap3A_854 = arith.index_cast %add3A_853 : i32 to index
      %swap3A_855 = arith.constant 32 : index
      %swap3A_856 = tpu.vector_load %arg8[%swap3A_854, %swap3A_855] {strides = array<i32>} : memref<64x128xf32, #tpu.memory_space<vmem>>, vector<16xf32>,
      tpu.vector_store %arg8[%swap3A_854, %swap3A_855], %gather3A_845 {strides = array<i32>} : memref<64x128xf32, #tpu.memory_space<vmem>>, vector<16xf32>,
      %get3A_857 = arith.constant 176 : index
      %get3A_858 = tpu.vector_load %arg5[%get3A_857] {strides = array<i32>} : memref<256xi32, #tpu.memory_space<vmem>>, vector<16xi32>,
      %gather3A_859 = tpu.vector_load_idx %arg6[%broadcast_in_dim3A_702, %get3A_858] : memref<4x8000xf32, #tpu.memory_space<vmem>>[vector<16xi32>, vector<16xi32>], vector<16xf32>,
      %mul3A_860 = arith.constant 4 : i32
      %mul3A_861 = arith.muli %add3A_23, %mul3A_860 : i32
      %add3A_862 = arith.constant 3 : i32
      %add3A_863 = arith.addi %mul3A_861, %add3A_862 : i32
      %mul3A_864 = arith.constant 2 : i32
      %mul3A_865 = arith.muli %add3A_863, %mul3A_864 : i32
      %add3A_866 = arith.constant 1 : i32
      %add3A_867 = arith.addi %mul3A_865, %add3A_866 : i32
      %swap3A_868 = arith.index_cast %add3A_867 : i32 to index
      %swap3A_869 = arith.constant 48 : index
      %swap3A_870 = tpu.vector_load %arg8[%swap3A_868, %swap3A_869] {strides = array<i32>} : memref<64x128xf32, #tpu.memory_space<vmem>>, vector<16xf32>,
      tpu.vector_store %arg8[%swap3A_868, %swap3A_869], %gather3A_859 {strides = array<i32>} : memref<64x128xf32, #tpu.memory_space<vmem>>, vector<16xf32>,
      %get3A_871 = arith.constant 192 : index
      %get3A_872 = tpu.vector_load %arg5[%get3A_871] {strides = array<i32>} : memref<256xi32, #tpu.memory_space<vmem>>, vector<16xi32>,
      %gather3A_873 = tpu.vector_load_idx %arg6[%broadcast_in_dim3A_702, %get3A_872] : memref<4x8000xf32, #tpu.memory_space<vmem>>[vector<16xi32>, vector<16xi32>], vector<16xf32>,
      %mul3A_874 = arith.constant 4 : i32
      %mul3A_875 = arith.muli %add3A_23, %mul3A_874 : i32
      %add3A_876 = arith.constant 3 : i32
      %add3A_877 = arith.addi %mul3A_875, %add3A_876 : i32
      %mul3A_878 = arith.constant 2 : i32
      %mul3A_879 = arith.muli %add3A_877, %mul3A_878 : i32
      %add3A_880 = arith.constant 1 : i32
      %add3A_881 = arith.addi %mul3A_879, %add3A_880 : i32
      %swap3A_882 = arith.index_cast %add3A_881 : i32 to index
      %swap3A_883 = arith.constant 64 : index
      %swap3A_884 = tpu.vector_load %arg8[%swap3A_882, %swap3A_883] {strides = array<i32>} : memref<64x128xf32, #tpu.memory_space<vmem>>, vector<16xf32>,
      tpu.vector_store %arg8[%swap3A_882, %swap3A_883], %gather3A_873 {strides = array<i32>} : memref<64x128xf32, #tpu.memory_space<vmem>>, vector<16xf32>,
      %get3A_885 = arith.constant 208 : index
      %get3A_886 = tpu.vector_load %arg5[%get3A_885] {strides = array<i32>} : memref<256xi32, #tpu.memory_space<vmem>>, vector<16xi32>,
      %gather3A_887 = tpu.vector_load_idx %arg6[%broadcast_in_dim3A_702, %get3A_886] : memref<4x8000xf32, #tpu.memory_space<vmem>>[vector<16xi32>, vector<16xi32>], vector<16xf32>,
      %mul3A_888 = arith.constant 4 : i32
      %mul3A_889 = arith.muli %add3A_23, %mul3A_888 : i32
      %add3A_890 = arith.constant 3 : i32
      %add3A_891 = arith.addi %mul3A_889, %add3A_890 : i32
      %mul3A_892 = arith.constant 2 : i32
      %mul3A_893 = arith.muli %add3A_891, %mul3A_892 : i32
      %add3A_894 = arith.constant 1 : i32
      %add3A_895 = arith.addi %mul3A_893, %add3A_894 : i32
      %swap3A_896 = arith.index_cast %add3A_895 : i32 to index
      %swap3A_897 = arith.constant 80 : index
      %swap3A_898 = tpu.vector_load %arg8[%swap3A_896, %swap3A_897] {strides = array<i32>} : memref<64x128xf32, #tpu.memory_space<vmem>>, vector<16xf32>,
      tpu.vector_store %arg8[%swap3A_896, %swap3A_897], %gather3A_887 {strides = array<i32>} : memref<64x128xf32, #tpu.memory_space<vmem>>, vector<16xf32>,
      %get3A_899 = arith.constant 224 : index
      %get3A_900 = tpu.vector_load %arg5[%get3A_899] {strides = array<i32>} : memref<256xi32, #tpu.memory_space<vmem>>, vector<16xi32>,
      %gather3A_901 = tpu.vector_load_idx %arg6[%broadcast_in_dim3A_702, %get3A_900] : memref<4x8000xf32, #tpu.memory_space<vmem>>[vector<16xi32>, vector<16xi32>], vector<16xf32>,
      %mul3A_902 = arith.constant 4 : i32
      %mul3A_903 = arith.muli %add3A_23, %mul3A_902 : i32
      %add3A_904 = arith.constant 3 : i32
      %add3A_905 = arith.addi %mul3A_903, %add3A_904 : i32
      %mul3A_906 = arith.constant 2 : i32
      %mul3A_907 = arith.muli %add3A_905, %mul3A_906 : i32
      %add3A_908 = arith.constant 1 : i32
      %add3A_909 = arith.addi %mul3A_907, %add3A_908 : i32
      %swap3A_910 = arith.index_cast %add3A_909 : i32 to index
      %swap3A_911 = arith.constant 96 : index
      %swap3A_912 = tpu.vector_load %arg8[%swap3A_910, %swap3A_911] {strides = array<i32>} : memref<64x128xf32, #tpu.memory_space<vmem>>, vector<16xf32>,
      tpu.vector_store %arg8[%swap3A_910, %swap3A_911], %gather3A_901 {strides = array<i32>} : memref<64x128xf32, #tpu.memory_space<vmem>>, vector<16xf32>,
      %get3A_913 = arith.constant 240 : index
      %get3A_914 = tpu.vector_load %arg5[%get3A_913] {strides = array<i32>} : memref<256xi32, #tpu.memory_space<vmem>>, vector<16xi32>,
      %gather3A_915 = tpu.vector_load_idx %arg6[%broadcast_in_dim3A_702, %get3A_914] : memref<4x8000xf32, #tpu.memory_space<vmem>>[vector<16xi32>, vector<16xi32>], vector<16xf32>,
      %mul3A_916 = arith.constant 4 : i32
      %mul3A_917 = arith.muli %add3A_23, %mul3A_916 : i32
      %add3A_918 = arith.constant 3 : i32
      %add3A_919 = arith.addi %mul3A_917, %add3A_918 : i32
      %mul3A_920 = arith.constant 2 : i32
      %mul3A_921 = arith.muli %add3A_919, %mul3A_920 : i32
      %add3A_922 = arith.constant 1 : i32
      %add3A_923 = arith.addi %mul3A_921, %add3A_922 : i32
      %swap3A_924 = arith.index_cast %add3A_923 : i32 to index
      %swap3A_925 = arith.constant 112 : index
      %swap3A_926 = tpu.vector_load %arg8[%swap3A_924, %swap3A_925] {strides = array<i32>} : memref<64x128xf32, #tpu.memory_space<vmem>>, vector<16xf32>,
      tpu.vector_store %arg8[%swap3A_924, %swap3A_925], %gather3A_915 {strides = array<i32>} : memref<64x128xf32, #tpu.memory_space<vmem>>, vector<16xf32>,
      %add3A_927 = arith.constant 2 : i32
      %add3A_928 = arith.addi %add3A_23, %add3A_927 : i32
      %lt3A = arith.constant 8 : i32
      %lt3A_929 = arith.cmpi slt, %add3A_928, %lt3A : i32
      %convert_element_type3A = arith.extui %lt3A_929 : i1 to i32
      %cond3A = arith.constant 0 : i32
      %cond3A_930 = arith.cmpi ne, %convert_element_type3A, %cond3A : i32
      scf.if %cond3A_930 {
        %add3A_1850 = arith.constant 2 : i32
        %add3A_1851 = arith.addi %add3A_23, %add3A_1850 : i32
        %mul3A_1852 = arith.constant 4 : i32
        %mul3A_1853 = arith.muli %add3A_1851, %mul3A_1852 : i32
        %add3A_1854 = arith.addi %mul3A_2, %mul3A_1853 : i32
        %dma_start3A_1855 = arith.constant 0 : i32
        %dma_start3A_1856 = tpu.memref_slice %arg2[%add3A_1854, %dma_start3A_1855] : memref<1024x8000xf32, #tpu.memory_space<hbm>> -> memref<4x8000xf32, #tpu.memory_space<hbm>>
        %dma_start3A_1857 = arith.constant 0 : i32
        %dma_start3A_1858 = tpu.memref_slice %arg2[%add3A_1854, %dma_start3A_1857] : memref<1024x8000xf32, #tpu.memory_space<hbm>> -> memref<4x8000xf32, #tpu.memory_space<hbm>>
        tpu.enqueue_dma source(%dma_start3A_1858 : memref<4x8000xf32, #tpu.memory_space<hbm>>) target(%arg6 : memref<4x8000xf32, #tpu.memory_space<vmem>>) target_semaphore(%arg9 : memref<!tpu.dma_semaphore, #tpu.memory_space<semaphore_mem>>)
      } else {
      }
      %mul3A_931 = arith.constant 2 : i32
      %mul3A_932 = arith.muli %scan3A_19, %mul3A_931 : i32
      %add3A_933 = arith.constant 1 : i32
      %add3A_934 = arith.addi %mul3A_932, %add3A_933 : i32
      %dma_wait3A_935 = arith.constant 0 : i32
      %dma_wait3A_936 = tpu.memref_slice %arg2[%mul3A_2, %dma_wait3A_935] : memref<1024x8000xf32, #tpu.memory_space<hbm>> -> memref<4x8000xf32, #tpu.memory_space<hbm>>
      %dma_wait3A_937 = arith.constant 0 : i32
      %dma_wait3A_938 = tpu.memref_slice %arg2[%mul3A_2, %dma_wait3A_937] : memref<1024x8000xf32, #tpu.memory_space<hbm>> -> memref<4x8000xf32, #tpu.memory_space<hbm>>
      tpu.wait_dma2 semaphore(%arg10 : memref<!tpu.dma_semaphore, #tpu.memory_space<semaphore_mem>>) src(%dma_wait3A_938 : memref<4x8000xf32, #tpu.memory_space<hbm>>) dst(%arg7 : memref<4x8000xf32, #tpu.memory_space<vmem>>)
      %broadcast_in_dim3A_939 = arith.constant 0 : i32
      %broadcast_in_dim3A_940 = vector.broadcast %broadcast_in_dim3A_939 : i32 to vector<16xi32>
      %get3A_941 = arith.constant 0 : index
      %get3A_942 = tpu.vector_load %arg5[%get3A_941] {strides = array<i32>} : memref<256xi32, #tpu.memory_space<vmem>>, vector<16xi32>,
      %gather3A_943 = tpu.vector_load_idx %arg7[%broadcast_in_dim3A_940, %get3A_942] : memref<4x8000xf32, #tpu.memory_space<vmem>>[vector<16xi32>, vector<16xi32>], vector<16xf32>,
      %mul3A_944 = arith.constant 4 : i32
      %mul3A_945 = arith.muli %add3A_934, %mul3A_944 : i32
      %add3A_946 = arith.constant 0 : i32
      %add3A_947 = arith.addi %mul3A_945, %add3A_946 : i32
      %mul3A_948 = arith.constant 2 : i32
      %mul3A_949 = arith.muli %add3A_947, %mul3A_948 : i32
      %add3A_950 = arith.constant 0 : i32
      %add3A_951 = arith.addi %mul3A_949, %add3A_950 : i32
      %swap3A_952 = arith.index_cast %add3A_951 : i32 to index
      %swap3A_953 = arith.constant 0 : index
      %swap3A_954 = tpu.vector_load %arg8[%swap3A_952, %swap3A_953] {strides = array<i32>} : memref<64x128xf32, #tpu.memory_space<vmem>>, vector<16xf32>,
      tpu.vector_store %arg8[%swap3A_952, %swap3A_953], %gather3A_943 {strides = array<i32>} : memref<64x128xf32, #tpu.memory_space<vmem>>, vector<16xf32>,
      %get3A_955 = arith.constant 16 : index
      %get3A_956 = tpu.vector_load %arg5[%get3A_955] {strides = array<i32>} : memref<256xi32, #tpu.memory_space<vmem>>, vector<16xi32>,
      %gather3A_957 = tpu.vector_load_idx %arg7[%broadcast_in_dim3A_940, %get3A_956] : memref<4x8000xf32, #tpu.memory_space<vmem>>[vector<16xi32>, vector<16xi32>], vector<16xf32>,
      %mul3A_958 = arith.constant 4 : i32
      %mul3A_959 = arith.muli %add3A_934, %mul3A_958 : i32
      %add3A_960 = arith.constant 0 : i32
      %add3A_961 = arith.addi %mul3A_959, %add3A_960 : i32
      %mul3A_962 = arith.constant 2 : i32
      %mul3A_963 = arith.muli %add3A_961, %mul3A_962 : i32
      %add3A_964 = arith.constant 0 : i32
      %add3A_965 = arith.addi %mul3A_963, %add3A_964 : i32
      %swap3A_966 = arith.index_cast %add3A_965 : i32 to index
      %swap3A_967 = arith.constant 16 : index
      %swap3A_968 = tpu.vector_load %arg8[%swap3A_966, %swap3A_967] {strides = array<i32>} : memref<64x128xf32, #tpu.memory_space<vmem>>, vector<16xf32>,
      tpu.vector_store %arg8[%swap3A_966, %swap3A_967], %gather3A_957 {strides = array<i32>} : memref<64x128xf32, #tpu.memory_space<vmem>>, vector<16xf32>,
      %get3A_969 = arith.constant 32 : index
      %get3A_970 = tpu.vector_load %arg5[%get3A_969] {strides = array<i32>} : memref<256xi32, #tpu.memory_space<vmem>>, vector<16xi32>,
      %gather3A_971 = tpu.vector_load_idx %arg7[%broadcast_in_dim3A_940, %get3A_970] : memref<4x8000xf32, #tpu.memory_space<vmem>>[vector<16xi32>, vector<16xi32>], vector<16xf32>,
      %mul3A_972 = arith.constant 4 : i32
      %mul3A_973 = arith.muli %add3A_934, %mul3A_972 : i32
      %add3A_974 = arith.constant 0 : i32
      %add3A_975 = arith.addi %mul3A_973, %add3A_974 : i32
      %mul3A_976 = arith.constant 2 : i32
      %mul3A_977 = arith.muli %add3A_975, %mul3A_976 : i32
      %add3A_978 = arith.constant 0 : i32
      %add3A_979 = arith.addi %mul3A_977, %add3A_978 : i32
      %swap3A_980 = arith.index_cast %add3A_979 : i32 to index
      %swap3A_981 = arith.constant 32 : index
      %swap3A_982 = tpu.vector_load %arg8[%swap3A_980, %swap3A_981] {strides = array<i32>} : memref<64x128xf32, #tpu.memory_space<vmem>>, vector<16xf32>,
      tpu.vector_store %arg8[%swap3A_980, %swap3A_981], %gather3A_971 {strides = array<i32>} : memref<64x128xf32, #tpu.memory_space<vmem>>, vector<16xf32>,
      %get3A_983 = arith.constant 48 : index
      %get3A_984 = tpu.vector_load %arg5[%get3A_983] {strides = array<i32>} : memref<256xi32, #tpu.memory_space<vmem>>, vector<16xi32>,
      %gather3A_985 = tpu.vector_load_idx %arg7[%broadcast_in_dim3A_940, %get3A_984] : memref<4x8000xf32, #tpu.memory_space<vmem>>[vector<16xi32>, vector<16xi32>], vector<16xf32>,
      %mul3A_986 = arith.constant 4 : i32
      %mul3A_987 = arith.muli %add3A_934, %mul3A_986 : i32
      %add3A_988 = arith.constant 0 : i32
      %add3A_989 = arith.addi %mul3A_987, %add3A_988 : i32
      %mul3A_990 = arith.constant 2 : i32
      %mul3A_991 = arith.muli %add3A_989, %mul3A_990 : i32
      %add3A_992 = arith.constant 0 : i32
      %add3A_993 = arith.addi %mul3A_991, %add3A_992 : i32
      %swap3A_994 = arith.index_cast %add3A_993 : i32 to index
      %swap3A_995 = arith.constant 48 : index
      %swap3A_996 = tpu.vector_load %arg8[%swap3A_994, %swap3A_995] {strides = array<i32>} : memref<64x128xf32, #tpu.memory_space<vmem>>, vector<16xf32>,
      tpu.vector_store %arg8[%swap3A_994, %swap3A_995], %gather3A_985 {strides = array<i32>} : memref<64x128xf32, #tpu.memory_space<vmem>>, vector<16xf32>,
      %get3A_997 = arith.constant 64 : index
      %get3A_998 = tpu.vector_load %arg5[%get3A_997] {strides = array<i32>} : memref<256xi32, #tpu.memory_space<vmem>>, vector<16xi32>,
      %gather3A_999 = tpu.vector_load_idx %arg7[%broadcast_in_dim3A_940, %get3A_998] : memref<4x8000xf32, #tpu.memory_space<vmem>>[vector<16xi32>, vector<16xi32>], vector<16xf32>,
      %mul3A_1000 = arith.constant 4 : i32
      %mul3A_1001 = arith.muli %add3A_934, %mul3A_1000 : i32
      %add3A_1002 = arith.constant 0 : i32
      %add3A_1003 = arith.addi %mul3A_1001, %add3A_1002 : i32
      %mul3A_1004 = arith.constant 2 : i32
      %mul3A_1005 = arith.muli %add3A_1003, %mul3A_1004 : i32
      %add3A_1006 = arith.constant 0 : i32
      %add3A_1007 = arith.addi %mul3A_1005, %add3A_1006 : i32
      %swap3A_1008 = arith.index_cast %add3A_1007 : i32 to index
      %swap3A_1009 = arith.constant 64 : index
      %swap3A_1010 = tpu.vector_load %arg8[%swap3A_1008, %swap3A_1009] {strides = array<i32>} : memref<64x128xf32, #tpu.memory_space<vmem>>, vector<16xf32>,
      tpu.vector_store %arg8[%swap3A_1008, %swap3A_1009], %gather3A_999 {strides = array<i32>} : memref<64x128xf32, #tpu.memory_space<vmem>>, vector<16xf32>,
      %get3A_1011 = arith.constant 80 : index
      %get3A_1012 = tpu.vector_load %arg5[%get3A_1011] {strides = array<i32>} : memref<256xi32, #tpu.memory_space<vmem>>, vector<16xi32>,
      %gather3A_1013 = tpu.vector_load_idx %arg7[%broadcast_in_dim3A_940, %get3A_1012] : memref<4x8000xf32, #tpu.memory_space<vmem>>[vector<16xi32>, vector<16xi32>], vector<16xf32>,
      %mul3A_1014 = arith.constant 4 : i32
      %mul3A_1015 = arith.muli %add3A_934, %mul3A_1014 : i32
      %add3A_1016 = arith.constant 0 : i32
      %add3A_1017 = arith.addi %mul3A_1015, %add3A_1016 : i32
      %mul3A_1018 = arith.constant 2 : i32
      %mul3A_1019 = arith.muli %add3A_1017, %mul3A_1018 : i32
      %add3A_1020 = arith.constant 0 : i32
      %add3A_1021 = arith.addi %mul3A_1019, %add3A_1020 : i32
      %swap3A_1022 = arith.index_cast %add3A_1021 : i32 to index
      %swap3A_1023 = arith.constant 80 : index
      %swap3A_1024 = tpu.vector_load %arg8[%swap3A_1022, %swap3A_1023] {strides = array<i32>} : memref<64x128xf32, #tpu.memory_space<vmem>>, vector<16xf32>,
      tpu.vector_store %arg8[%swap3A_1022, %swap3A_1023], %gather3A_1013 {strides = array<i32>} : memref<64x128xf32, #tpu.memory_space<vmem>>, vector<16xf32>,
      %get3A_1025 = arith.constant 96 : index
      %get3A_1026 = tpu.vector_load %arg5[%get3A_1025] {strides = array<i32>} : memref<256xi32, #tpu.memory_space<vmem>>, vector<16xi32>,
      %gather3A_1027 = tpu.vector_load_idx %arg7[%broadcast_in_dim3A_940, %get3A_1026] : memref<4x8000xf32, #tpu.memory_space<vmem>>[vector<16xi32>, vector<16xi32>], vector<16xf32>,
      %mul3A_1028 = arith.constant 4 : i32
      %mul3A_1029 = arith.muli %add3A_934, %mul3A_1028 : i32
      %add3A_1030 = arith.constant 0 : i32
      %add3A_1031 = arith.addi %mul3A_1029, %add3A_1030 : i32
      %mul3A_1032 = arith.constant 2 : i32
      %mul3A_1033 = arith.muli %add3A_1031, %mul3A_1032 : i32
      %add3A_1034 = arith.constant 0 : i32
      %add3A_1035 = arith.addi %mul3A_1033, %add3A_1034 : i32
      %swap3A_1036 = arith.index_cast %add3A_1035 : i32 to index
      %swap3A_1037 = arith.constant 96 : index
      %swap3A_1038 = tpu.vector_load %arg8[%swap3A_1036, %swap3A_1037] {strides = array<i32>} : memref<64x128xf32, #tpu.memory_space<vmem>>, vector<16xf32>,
      tpu.vector_store %arg8[%swap3A_1036, %swap3A_1037], %gather3A_1027 {strides = array<i32>} : memref<64x128xf32, #tpu.memory_space<vmem>>, vector<16xf32>,
      %get3A_1039 = arith.constant 112 : index
      %get3A_1040 = tpu.vector_load %arg5[%get3A_1039] {strides = array<i32>} : memref<256xi32, #tpu.memory_space<vmem>>, vector<16xi32>,
      %gather3A_1041 = tpu.vector_load_idx %arg7[%broadcast_in_dim3A_940, %get3A_1040] : memref<4x8000xf32, #tpu.memory_space<vmem>>[vector<16xi32>, vector<16xi32>], vector<16xf32>,
      %mul3A_1042 = arith.constant 4 : i32
      %mul3A_1043 = arith.muli %add3A_934, %mul3A_1042 : i32
      %add3A_1044 = arith.constant 0 : i32
      %add3A_1045 = arith.addi %mul3A_1043, %add3A_1044 : i32
      %mul3A_1046 = arith.constant 2 : i32
      %mul3A_1047 = arith.muli %add3A_1045, %mul3A_1046 : i32
      %add3A_1048 = arith.constant 0 : i32
      %add3A_1049 = arith.addi %mul3A_1047, %add3A_1048 : i32
      %swap3A_1050 = arith.index_cast %add3A_1049 : i32 to index
      %swap3A_1051 = arith.constant 112 : index
      %swap3A_1052 = tpu.vector_load %arg8[%swap3A_1050, %swap3A_1051] {strides = array<i32>} : memref<64x128xf32, #tpu.memory_space<vmem>>, vector<16xf32>,
      tpu.vector_store %arg8[%swap3A_1050, %swap3A_1051], %gather3A_1041 {strides = array<i32>} : memref<64x128xf32, #tpu.memory_space<vmem>>, vector<16xf32>,
      %get3A_1053 = arith.constant 128 : index
      %get3A_1054 = tpu.vector_load %arg5[%get3A_1053] {strides = array<i32>} : memref<256xi32, #tpu.memory_space<vmem>>, vector<16xi32>,
      %gather3A_1055 = tpu.vector_load_idx %arg7[%broadcast_in_dim3A_940, %get3A_1054] : memref<4x8000xf32, #tpu.memory_space<vmem>>[vector<16xi32>, vector<16xi32>], vector<16xf32>,
      %mul3A_1056 = arith.constant 4 : i32
      %mul3A_1057 = arith.muli %add3A_934, %mul3A_1056 : i32
      %add3A_1058 = arith.constant 0 : i32
      %add3A_1059 = arith.addi %mul3A_1057, %add3A_1058 : i32
      %mul3A_1060 = arith.constant 2 : i32
      %mul3A_1061 = arith.muli %add3A_1059, %mul3A_1060 : i32
      %add3A_1062 = arith.constant 1 : i32
      %add3A_1063 = arith.addi %mul3A_1061, %add3A_1062 : i32
      %swap3A_1064 = arith.index_cast %add3A_1063 : i32 to index
      %swap3A_1065 = arith.constant 0 : index
      %swap3A_1066 = tpu.vector_load %arg8[%swap3A_1064, %swap3A_1065] {strides = array<i32>} : memref<64x128xf32, #tpu.memory_space<vmem>>, vector<16xf32>,
      tpu.vector_store %arg8[%swap3A_1064, %swap3A_1065], %gather3A_1055 {strides = array<i32>} : memref<64x128xf32, #tpu.memory_space<vmem>>, vector<16xf32>,
      %get3A_1067 = arith.constant 144 : index
      %get3A_1068 = tpu.vector_load %arg5[%get3A_1067] {strides = array<i32>} : memref<256xi32, #tpu.memory_space<vmem>>, vector<16xi32>,
      %gather3A_1069 = tpu.vector_load_idx %arg7[%broadcast_in_dim3A_940, %get3A_1068] : memref<4x8000xf32, #tpu.memory_space<vmem>>[vector<16xi32>, vector<16xi32>], vector<16xf32>,
      %mul3A_1070 = arith.constant 4 : i32
      %mul3A_1071 = arith.muli %add3A_934, %mul3A_1070 : i32
      %add3A_1072 = arith.constant 0 : i32
      %add3A_1073 = arith.addi %mul3A_1071, %add3A_1072 : i32
      %mul3A_1074 = arith.constant 2 : i32
      %mul3A_1075 = arith.muli %add3A_1073, %mul3A_1074 : i32
      %add3A_1076 = arith.constant 1 : i32
      %add3A_1077 = arith.addi %mul3A_1075, %add3A_1076 : i32
      %swap3A_1078 = arith.index_cast %add3A_1077 : i32 to index
      %swap3A_1079 = arith.constant 16 : index
      %swap3A_1080 = tpu.vector_load %arg8[%swap3A_1078, %swap3A_1079] {strides = array<i32>} : memref<64x128xf32, #tpu.memory_space<vmem>>, vector<16xf32>,
      tpu.vector_store %arg8[%swap3A_1078, %swap3A_1079], %gather3A_1069 {strides = array<i32>} : memref<64x128xf32, #tpu.memory_space<vmem>>, vector<16xf32>,
      %get3A_1081 = arith.constant 160 : index
      %get3A_1082 = tpu.vector_load %arg5[%get3A_1081] {strides = array<i32>} : memref<256xi32, #tpu.memory_space<vmem>>, vector<16xi32>,
      %gather3A_1083 = tpu.vector_load_idx %arg7[%broadcast_in_dim3A_940, %get3A_1082] : memref<4x8000xf32, #tpu.memory_space<vmem>>[vector<16xi32>, vector<16xi32>], vector<16xf32>,
      %mul3A_1084 = arith.constant 4 : i32
      %mul3A_1085 = arith.muli %add3A_934, %mul3A_1084 : i32
      %add3A_1086 = arith.constant 0 : i32
      %add3A_1087 = arith.addi %mul3A_1085, %add3A_1086 : i32
      %mul3A_1088 = arith.constant 2 : i32
      %mul3A_1089 = arith.muli %add3A_1087, %mul3A_1088 : i32
      %add3A_1090 = arith.constant 1 : i32
      %add3A_1091 = arith.addi %mul3A_1089, %add3A_1090 : i32
      %swap3A_1092 = arith.index_cast %add3A_1091 : i32 to index
      %swap3A_1093 = arith.constant 32 : index
      %swap3A_1094 = tpu.vector_load %arg8[%swap3A_1092, %swap3A_1093] {strides = array<i32>} : memref<64x128xf32, #tpu.memory_space<vmem>>, vector<16xf32>,
      tpu.vector_store %arg8[%swap3A_1092, %swap3A_1093], %gather3A_1083 {strides = array<i32>} : memref<64x128xf32, #tpu.memory_space<vmem>>, vector<16xf32>,
      %get3A_1095 = arith.constant 176 : index
      %get3A_1096 = tpu.vector_load %arg5[%get3A_1095] {strides = array<i32>} : memref<256xi32, #tpu.memory_space<vmem>>, vector<16xi32>,
      %gather3A_1097 = tpu.vector_load_idx %arg7[%broadcast_in_dim3A_940, %get3A_1096] : memref<4x8000xf32, #tpu.memory_space<vmem>>[vector<16xi32>, vector<16xi32>], vector<16xf32>,
      %mul3A_1098 = arith.constant 4 : i32
      %mul3A_1099 = arith.muli %add3A_934, %mul3A_1098 : i32
      %add3A_1100 = arith.constant 0 : i32
      %add3A_1101 = arith.addi %mul3A_1099, %add3A_1100 : i32
      %mul3A_1102 = arith.constant 2 : i32
      %mul3A_1103 = arith.muli %add3A_1101, %mul3A_1102 : i32
      %add3A_1104 = arith.constant 1 : i32
      %add3A_1105 = arith.addi %mul3A_1103, %add3A_1104 : i32
      %swap3A_1106 = arith.index_cast %add3A_1105 : i32 to index
      %swap3A_1107 = arith.constant 48 : index
      %swap3A_1108 = tpu.vector_load %arg8[%swap3A_1106, %swap3A_1107] {strides = array<i32>} : memref<64x128xf32, #tpu.memory_space<vmem>>, vector<16xf32>,
      tpu.vector_store %arg8[%swap3A_1106, %swap3A_1107], %gather3A_1097 {strides = array<i32>} : memref<64x128xf32, #tpu.memory_space<vmem>>, vector<16xf32>,
      %get3A_1109 = arith.constant 192 : index
      %get3A_1110 = tpu.vector_load %arg5[%get3A_1109] {strides = array<i32>} : memref<256xi32, #tpu.memory_space<vmem>>, vector<16xi32>,
      %gather3A_1111 = tpu.vector_load_idx %arg7[%broadcast_in_dim3A_940, %get3A_1110] : memref<4x8000xf32, #tpu.memory_space<vmem>>[vector<16xi32>, vector<16xi32>], vector<16xf32>,
      %mul3A_1112 = arith.constant 4 : i32
      %mul3A_1113 = arith.muli %add3A_934, %mul3A_1112 : i32
      %add3A_1114 = arith.constant 0 : i32
      %add3A_1115 = arith.addi %mul3A_1113, %add3A_1114 : i32
      %mul3A_1116 = arith.constant 2 : i32
      %mul3A_1117 = arith.muli %add3A_1115, %mul3A_1116 : i32
      %add3A_1118 = arith.constant 1 : i32
      %add3A_1119 = arith.addi %mul3A_1117, %add3A_1118 : i32
      %swap3A_1120 = arith.index_cast %add3A_1119 : i32 to index
      %swap3A_1121 = arith.constant 64 : index
      %swap3A_1122 = tpu.vector_load %arg8[%swap3A_1120, %swap3A_1121] {strides = array<i32>} : memref<64x128xf32, #tpu.memory_space<vmem>>, vector<16xf32>,
      tpu.vector_store %arg8[%swap3A_1120, %swap3A_1121], %gather3A_1111 {strides = array<i32>} : memref<64x128xf32, #tpu.memory_space<vmem>>, vector<16xf32>,
      %get3A_1123 = arith.constant 208 : index
      %get3A_1124 = tpu.vector_load %arg5[%get3A_1123] {strides = array<i32>} : memref<256xi32, #tpu.memory_space<vmem>>, vector<16xi32>,
      %gather3A_1125 = tpu.vector_load_idx %arg7[%broadcast_in_dim3A_940, %get3A_1124] : memref<4x8000xf32, #tpu.memory_space<vmem>>[vector<16xi32>, vector<16xi32>], vector<16xf32>,
      %mul3A_1126 = arith.constant 4 : i32
      %mul3A_1127 = arith.muli %add3A_934, %mul3A_1126 : i32
      %add3A_1128 = arith.constant 0 : i32
      %add3A_1129 = arith.addi %mul3A_1127, %add3A_1128 : i32
      %mul3A_1130 = arith.constant 2 : i32
      %mul3A_1131 = arith.muli %add3A_1129, %mul3A_1130 : i32
      %add3A_1132 = arith.constant 1 : i32
      %add3A_1133 = arith.addi %mul3A_1131, %add3A_1132 : i32
      %swap3A_1134 = arith.index_cast %add3A_1133 : i32 to index
      %swap3A_1135 = arith.constant 80 : index
      %swap3A_1136 = tpu.vector_load %arg8[%swap3A_1134, %swap3A_1135] {strides = array<i32>} : memref<64x128xf32, #tpu.memory_space<vmem>>, vector<16xf32>,
      tpu.vector_store %arg8[%swap3A_1134, %swap3A_1135], %gather3A_1125 {strides = array<i32>} : memref<64x128xf32, #tpu.memory_space<vmem>>, vector<16xf32>,
      %get3A_1137 = arith.constant 224 : index
      %get3A_1138 = tpu.vector_load %arg5[%get3A_1137] {strides = array<i32>} : memref<256xi32, #tpu.memory_space<vmem>>, vector<16xi32>,
      %gather3A_1139 = tpu.vector_load_idx %arg7[%broadcast_in_dim3A_940, %get3A_1138] : memref<4x8000xf32, #tpu.memory_space<vmem>>[vector<16xi32>, vector<16xi32>], vector<16xf32>,
      %mul3A_1140 = arith.constant 4 : i32
      %mul3A_1141 = arith.muli %add3A_934, %mul3A_1140 : i32
      %add3A_1142 = arith.constant 0 : i32
      %add3A_1143 = arith.addi %mul3A_1141, %add3A_1142 : i32
      %mul3A_1144 = arith.constant 2 : i32
      %mul3A_1145 = arith.muli %add3A_1143, %mul3A_1144 : i32
      %add3A_1146 = arith.constant 1 : i32
      %add3A_1147 = arith.addi %mul3A_1145, %add3A_1146 : i32
      %swap3A_1148 = arith.index_cast %add3A_1147 : i32 to index
      %swap3A_1149 = arith.constant 96 : index
      %swap3A_1150 = tpu.vector_load %arg8[%swap3A_1148, %swap3A_1149] {strides = array<i32>} : memref<64x128xf32, #tpu.memory_space<vmem>>, vector<16xf32>,
      tpu.vector_store %arg8[%swap3A_1148, %swap3A_1149], %gather3A_1139 {strides = array<i32>} : memref<64x128xf32, #tpu.memory_space<vmem>>, vector<16xf32>,
      %get3A_1151 = arith.constant 240 : index
      %get3A_1152 = tpu.vector_load %arg5[%get3A_1151] {strides = array<i32>} : memref<256xi32, #tpu.memory_space<vmem>>, vector<16xi32>,
      %gather3A_1153 = tpu.vector_load_idx %arg7[%broadcast_in_dim3A_940, %get3A_1152] : memref<4x8000xf32, #tpu.memory_space<vmem>>[vector<16xi32>, vector<16xi32>], vector<16xf32>,
      %mul3A_1154 = arith.constant 4 : i32
      %mul3A_1155 = arith.muli %add3A_934, %mul3A_1154 : i32
      %add3A_1156 = arith.constant 0 : i32
      %add3A_1157 = arith.addi %mul3A_1155, %add3A_1156 : i32
      %mul3A_1158 = arith.constant 2 : i32
      %mul3A_1159 = arith.muli %add3A_1157, %mul3A_1158 : i32
      %add3A_1160 = arith.constant 1 : i32
      %add3A_1161 = arith.addi %mul3A_1159, %add3A_1160 : i32
      %swap3A_1162 = arith.index_cast %add3A_1161 : i32 to index
      %swap3A_1163 = arith.constant 112 : index
      %swap3A_1164 = tpu.vector_load %arg8[%swap3A_1162, %swap3A_1163] {strides = array<i32>} : memref<64x128xf32, #tpu.memory_space<vmem>>, vector<16xf32>,
      tpu.vector_store %arg8[%swap3A_1162, %swap3A_1163], %gather3A_1153 {strides = array<i32>} : memref<64x128xf32, #tpu.memory_space<vmem>>, vector<16xf32>,
      %broadcast_in_dim3A_1165 = arith.constant 1 : i32
      %broadcast_in_dim3A_1166 = vector.broadcast %broadcast_in_dim3A_1165 : i32 to vector<16xi32>
      %get3A_1167 = arith.constant 0 : index
      %get3A_1168 = tpu.vector_load %arg5[%get3A_1167] {strides = array<i32>} : memref<256xi32, #tpu.memory_space<vmem>>, vector<16xi32>,
      %gather3A_1169 = tpu.vector_load_idx %arg7[%broadcast_in_dim3A_1166, %get3A_1168] : memref<4x8000xf32, #tpu.memory_space<vmem>>[vector<16xi32>, vector<16xi32>], vector<16xf32>,
      %mul3A_1170 = arith.constant 4 : i32
      %mul3A_1171 = arith.muli %add3A_934, %mul3A_1170 : i32
      %add3A_1172 = arith.constant 1 : i32
      %add3A_1173 = arith.addi %mul3A_1171, %add3A_1172 : i32
      %mul3A_1174 = arith.constant 2 : i32
      %mul3A_1175 = arith.muli %add3A_1173, %mul3A_1174 : i32
      %add3A_1176 = arith.constant 0 : i32
      %add3A_1177 = arith.addi %mul3A_1175, %add3A_1176 : i32
      %swap3A_1178 = arith.index_cast %add3A_1177 : i32 to index
      %swap3A_1179 = arith.constant 0 : index
      %swap3A_1180 = tpu.vector_load %arg8[%swap3A_1178, %swap3A_1179] {strides = array<i32>} : memref<64x128xf32, #tpu.memory_space<vmem>>, vector<16xf32>,
      tpu.vector_store %arg8[%swap3A_1178, %swap3A_1179], %gather3A_1169 {strides = array<i32>} : memref<64x128xf32, #tpu.memory_space<vmem>>, vector<16xf32>,
      %get3A_1181 = arith.constant 16 : index
      %get3A_1182 = tpu.vector_load %arg5[%get3A_1181] {strides = array<i32>} : memref<256xi32, #tpu.memory_space<vmem>>, vector<16xi32>,
      %gather3A_1183 = tpu.vector_load_idx %arg7[%broadcast_in_dim3A_1166, %get3A_1182] : memref<4x8000xf32, #tpu.memory_space<vmem>>[vector<16xi32>, vector<16xi32>], vector<16xf32>,
      %mul3A_1184 = arith.constant 4 : i32
      %mul3A_1185 = arith.muli %add3A_934, %mul3A_1184 : i32
      %add3A_1186 = arith.constant 1 : i32
      %add3A_1187 = arith.addi %mul3A_1185, %add3A_1186 : i32
      %mul3A_1188 = arith.constant 2 : i32
      %mul3A_1189 = arith.muli %add3A_1187, %mul3A_1188 : i32
      %add3A_1190 = arith.constant 0 : i32
      %add3A_1191 = arith.addi %mul3A_1189, %add3A_1190 : i32
      %swap3A_1192 = arith.index_cast %add3A_1191 : i32 to index
      %swap3A_1193 = arith.constant 16 : index
      %swap3A_1194 = tpu.vector_load %arg8[%swap3A_1192, %swap3A_1193] {strides = array<i32>} : memref<64x128xf32, #tpu.memory_space<vmem>>, vector<16xf32>,
      tpu.vector_store %arg8[%swap3A_1192, %swap3A_1193], %gather3A_1183 {strides = array<i32>} : memref<64x128xf32, #tpu.memory_space<vmem>>, vector<16xf32>,
      %get3A_1195 = arith.constant 32 : index
      %get3A_1196 = tpu.vector_load %arg5[%get3A_1195] {strides = array<i32>} : memref<256xi32, #tpu.memory_space<vmem>>, vector<16xi32>,
      %gather3A_1197 = tpu.vector_load_idx %arg7[%broadcast_in_dim3A_1166, %get3A_1196] : memref<4x8000xf32, #tpu.memory_space<vmem>>[vector<16xi32>, vector<16xi32>], vector<16xf32>,
      %mul3A_1198 = arith.constant 4 : i32
      %mul3A_1199 = arith.muli %add3A_934, %mul3A_1198 : i32
      %add3A_1200 = arith.constant 1 : i32
      %add3A_1201 = arith.addi %mul3A_1199, %add3A_1200 : i32
      %mul3A_1202 = arith.constant 2 : i32
      %mul3A_1203 = arith.muli %add3A_1201, %mul3A_1202 : i32
      %add3A_1204 = arith.constant 0 : i32
      %add3A_1205 = arith.addi %mul3A_1203, %add3A_1204 : i32
      %swap3A_1206 = arith.index_cast %add3A_1205 : i32 to index
      %swap3A_1207 = arith.constant 32 : index
      %swap3A_1208 = tpu.vector_load %arg8[%swap3A_1206, %swap3A_1207] {strides = array<i32>} : memref<64x128xf32, #tpu.memory_space<vmem>>, vector<16xf32>,
      tpu.vector_store %arg8[%swap3A_1206, %swap3A_1207], %gather3A_1197 {strides = array<i32>} : memref<64x128xf32, #tpu.memory_space<vmem>>, vector<16xf32>,
      %get3A_1209 = arith.constant 48 : index
      %get3A_1210 = tpu.vector_load %arg5[%get3A_1209] {strides = array<i32>} : memref<256xi32, #tpu.memory_space<vmem>>, vector<16xi32>,
      %gather3A_1211 = tpu.vector_load_idx %arg7[%broadcast_in_dim3A_1166, %get3A_1210] : memref<4x8000xf32, #tpu.memory_space<vmem>>[vector<16xi32>, vector<16xi32>], vector<16xf32>,
      %mul3A_1212 = arith.constant 4 : i32
      %mul3A_1213 = arith.muli %add3A_934, %mul3A_1212 : i32
      %add3A_1214 = arith.constant 1 : i32
      %add3A_1215 = arith.addi %mul3A_1213, %add3A_1214 : i32
      %mul3A_1216 = arith.constant 2 : i32
      %mul3A_1217 = arith.muli %add3A_1215, %mul3A_1216 : i32
      %add3A_1218 = arith.constant 0 : i32
      %add3A_1219 = arith.addi %mul3A_1217, %add3A_1218 : i32
      %swap3A_1220 = arith.index_cast %add3A_1219 : i32 to index
      %swap3A_1221 = arith.constant 48 : index
      %swap3A_1222 = tpu.vector_load %arg8[%swap3A_1220, %swap3A_1221] {strides = array<i32>} : memref<64x128xf32, #tpu.memory_space<vmem>>, vector<16xf32>,
      tpu.vector_store %arg8[%swap3A_1220, %swap3A_1221], %gather3A_1211 {strides = array<i32>} : memref<64x128xf32, #tpu.memory_space<vmem>>, vector<16xf32>,
      %get3A_1223 = arith.constant 64 : index
      %get3A_1224 = tpu.vector_load %arg5[%get3A_1223] {strides = array<i32>} : memref<256xi32, #tpu.memory_space<vmem>>, vector<16xi32>,
      %gather3A_1225 = tpu.vector_load_idx %arg7[%broadcast_in_dim3A_1166, %get3A_1224] : memref<4x8000xf32, #tpu.memory_space<vmem>>[vector<16xi32>, vector<16xi32>], vector<16xf32>,
      %mul3A_1226 = arith.constant 4 : i32
      %mul3A_1227 = arith.muli %add3A_934, %mul3A_1226 : i32
      %add3A_1228 = arith.constant 1 : i32
      %add3A_1229 = arith.addi %mul3A_1227, %add3A_1228 : i32
      %mul3A_1230 = arith.constant 2 : i32
      %mul3A_1231 = arith.muli %add3A_1229, %mul3A_1230 : i32
      %add3A_1232 = arith.constant 0 : i32
      %add3A_1233 = arith.addi %mul3A_1231, %add3A_1232 : i32
      %swap3A_1234 = arith.index_cast %add3A_1233 : i32 to index
      %swap3A_1235 = arith.constant 64 : index
      %swap3A_1236 = tpu.vector_load %arg8[%swap3A_1234, %swap3A_1235] {strides = array<i32>} : memref<64x128xf32, #tpu.memory_space<vmem>>, vector<16xf32>,
      tpu.vector_store %arg8[%swap3A_1234, %swap3A_1235], %gather3A_1225 {strides = array<i32>} : memref<64x128xf32, #tpu.memory_space<vmem>>, vector<16xf32>,
      %get3A_1237 = arith.constant 80 : index
      %get3A_1238 = tpu.vector_load %arg5[%get3A_1237] {strides = array<i32>} : memref<256xi32, #tpu.memory_space<vmem>>, vector<16xi32>,
      %gather3A_1239 = tpu.vector_load_idx %arg7[%broadcast_in_dim3A_1166, %get3A_1238] : memref<4x8000xf32, #tpu.memory_space<vmem>>[vector<16xi32>, vector<16xi32>], vector<16xf32>,
      %mul3A_1240 = arith.constant 4 : i32
      %mul3A_1241 = arith.muli %add3A_934, %mul3A_1240 : i32
      %add3A_1242 = arith.constant 1 : i32
      %add3A_1243 = arith.addi %mul3A_1241, %add3A_1242 : i32
      %mul3A_1244 = arith.constant 2 : i32
      %mul3A_1245 = arith.muli %add3A_1243, %mul3A_1244 : i32
      %add3A_1246 = arith.constant 0 : i32
      %add3A_1247 = arith.addi %mul3A_1245, %add3A_1246 : i32
      %swap3A_1248 = arith.index_cast %add3A_1247 : i32 to index
      %swap3A_1249 = arith.constant 80 : index
      %swap3A_1250 = tpu.vector_load %arg8[%swap3A_1248, %swap3A_1249] {strides = array<i32>} : memref<64x128xf32, #tpu.memory_space<vmem>>, vector<16xf32>,
      tpu.vector_store %arg8[%swap3A_1248, %swap3A_1249], %gather3A_1239 {strides = array<i32>} : memref<64x128xf32, #tpu.memory_space<vmem>>, vector<16xf32>,
      %get3A_1251 = arith.constant 96 : index
      %get3A_1252 = tpu.vector_load %arg5[%get3A_1251] {strides = array<i32>} : memref<256xi32, #tpu.memory_space<vmem>>, vector<16xi32>,
      %gather3A_1253 = tpu.vector_load_idx %arg7[%broadcast_in_dim3A_1166, %get3A_1252] : memref<4x8000xf32, #tpu.memory_space<vmem>>[vector<16xi32>, vector<16xi32>], vector<16xf32>,
      %mul3A_1254 = arith.constant 4 : i32
      %mul3A_1255 = arith.muli %add3A_934, %mul3A_1254 : i32
      %add3A_1256 = arith.constant 1 : i32
      %add3A_1257 = arith.addi %mul3A_1255, %add3A_1256 : i32
      %mul3A_1258 = arith.constant 2 : i32
      %mul3A_1259 = arith.muli %add3A_1257, %mul3A_1258 : i32
      %add3A_1260 = arith.constant 0 : i32
      %add3A_1261 = arith.addi %mul3A_1259, %add3A_1260 : i32
      %swap3A_1262 = arith.index_cast %add3A_1261 : i32 to index
      %swap3A_1263 = arith.constant 96 : index
      %swap3A_1264 = tpu.vector_load %arg8[%swap3A_1262, %swap3A_1263] {strides = array<i32>} : memref<64x128xf32, #tpu.memory_space<vmem>>, vector<16xf32>,
      tpu.vector_store %arg8[%swap3A_1262, %swap3A_1263], %gather3A_1253 {strides = array<i32>} : memref<64x128xf32, #tpu.memory_space<vmem>>, vector<16xf32>,
      %get3A_1265 = arith.constant 112 : index
      %get3A_1266 = tpu.vector_load %arg5[%get3A_1265] {strides = array<i32>} : memref<256xi32, #tpu.memory_space<vmem>>, vector<16xi32>,
      %gather3A_1267 = tpu.vector_load_idx %arg7[%broadcast_in_dim3A_1166, %get3A_1266] : memref<4x8000xf32, #tpu.memory_space<vmem>>[vector<16xi32>, vector<16xi32>], vector<16xf32>,
      %mul3A_1268 = arith.constant 4 : i32
      %mul3A_1269 = arith.muli %add3A_934, %mul3A_1268 : i32
      %add3A_1270 = arith.constant 1 : i32
      %add3A_1271 = arith.addi %mul3A_1269, %add3A_1270 : i32
      %mul3A_1272 = arith.constant 2 : i32
      %mul3A_1273 = arith.muli %add3A_1271, %mul3A_1272 : i32
      %add3A_1274 = arith.constant 0 : i32
      %add3A_1275 = arith.addi %mul3A_1273, %add3A_1274 : i32
      %swap3A_1276 = arith.index_cast %add3A_1275 : i32 to index
      %swap3A_1277 = arith.constant 112 : index
      %swap3A_1278 = tpu.vector_load %arg8[%swap3A_1276, %swap3A_1277] {strides = array<i32>} : memref<64x128xf32, #tpu.memory_space<vmem>>, vector<16xf32>,
      tpu.vector_store %arg8[%swap3A_1276, %swap3A_1277], %gather3A_1267 {strides = array<i32>} : memref<64x128xf32, #tpu.memory_space<vmem>>, vector<16xf32>,
      %get3A_1279 = arith.constant 128 : index
      %get3A_1280 = tpu.vector_load %arg5[%get3A_1279] {strides = array<i32>} : memref<256xi32, #tpu.memory_space<vmem>>, vector<16xi32>,
      %gather3A_1281 = tpu.vector_load_idx %arg7[%broadcast_in_dim3A_1166, %get3A_1280] : memref<4x8000xf32, #tpu.memory_space<vmem>>[vector<16xi32>, vector<16xi32>], vector<16xf32>,
      %mul3A_1282 = arith.constant 4 : i32
      %mul3A_1283 = arith.muli %add3A_934, %mul3A_1282 : i32
      %add3A_1284 = arith.constant 1 : i32
      %add3A_1285 = arith.addi %mul3A_1283, %add3A_1284 : i32
      %mul3A_1286 = arith.constant 2 : i32
      %mul3A_1287 = arith.muli %add3A_1285, %mul3A_1286 : i32
      %add3A_1288 = arith.constant 1 : i32
      %add3A_1289 = arith.addi %mul3A_1287, %add3A_1288 : i32
      %swap3A_1290 = arith.index_cast %add3A_1289 : i32 to index
      %swap3A_1291 = arith.constant 0 : index
      %swap3A_1292 = tpu.vector_load %arg8[%swap3A_1290, %swap3A_1291] {strides = array<i32>} : memref<64x128xf32, #tpu.memory_space<vmem>>, vector<16xf32>,
      tpu.vector_store %arg8[%swap3A_1290, %swap3A_1291], %gather3A_1281 {strides = array<i32>} : memref<64x128xf32, #tpu.memory_space<vmem>>, vector<16xf32>,
      %get3A_1293 = arith.constant 144 : index
      %get3A_1294 = tpu.vector_load %arg5[%get3A_1293] {strides = array<i32>} : memref<256xi32, #tpu.memory_space<vmem>>, vector<16xi32>,
      %gather3A_1295 = tpu.vector_load_idx %arg7[%broadcast_in_dim3A_1166, %get3A_1294] : memref<4x8000xf32, #tpu.memory_space<vmem>>[vector<16xi32>, vector<16xi32>], vector<16xf32>,
      %mul3A_1296 = arith.constant 4 : i32
      %mul3A_1297 = arith.muli %add3A_934, %mul3A_1296 : i32
      %add3A_1298 = arith.constant 1 : i32
      %add3A_1299 = arith.addi %mul3A_1297, %add3A_1298 : i32
      %mul3A_1300 = arith.constant 2 : i32
      %mul3A_1301 = arith.muli %add3A_1299, %mul3A_1300 : i32
      %add3A_1302 = arith.constant 1 : i32
      %add3A_1303 = arith.addi %mul3A_1301, %add3A_1302 : i32
      %swap3A_1304 = arith.index_cast %add3A_1303 : i32 to index
      %swap3A_1305 = arith.constant 16 : index
      %swap3A_1306 = tpu.vector_load %arg8[%swap3A_1304, %swap3A_1305] {strides = array<i32>} : memref<64x128xf32, #tpu.memory_space<vmem>>, vector<16xf32>,
      tpu.vector_store %arg8[%swap3A_1304, %swap3A_1305], %gather3A_1295 {strides = array<i32>} : memref<64x128xf32, #tpu.memory_space<vmem>>, vector<16xf32>,
      %get3A_1307 = arith.constant 160 : index
      %get3A_1308 = tpu.vector_load %arg5[%get3A_1307] {strides = array<i32>} : memref<256xi32, #tpu.memory_space<vmem>>, vector<16xi32>,
      %gather3A_1309 = tpu.vector_load_idx %arg7[%broadcast_in_dim3A_1166, %get3A_1308] : memref<4x8000xf32, #tpu.memory_space<vmem>>[vector<16xi32>, vector<16xi32>], vector<16xf32>,
      %mul3A_1310 = arith.constant 4 : i32
      %mul3A_1311 = arith.muli %add3A_934, %mul3A_1310 : i32
      %add3A_1312 = arith.constant 1 : i32
      %add3A_1313 = arith.addi %mul3A_1311, %add3A_1312 : i32
      %mul3A_1314 = arith.constant 2 : i32
      %mul3A_1315 = arith.muli %add3A_1313, %mul3A_1314 : i32
      %add3A_1316 = arith.constant 1 : i32
      %add3A_1317 = arith.addi %mul3A_1315, %add3A_1316 : i32
      %swap3A_1318 = arith.index_cast %add3A_1317 : i32 to index
      %swap3A_1319 = arith.constant 32 : index
      %swap3A_1320 = tpu.vector_load %arg8[%swap3A_1318, %swap3A_1319] {strides = array<i32>} : memref<64x128xf32, #tpu.memory_space<vmem>>, vector<16xf32>,
      tpu.vector_store %arg8[%swap3A_1318, %swap3A_1319], %gather3A_1309 {strides = array<i32>} : memref<64x128xf32, #tpu.memory_space<vmem>>, vector<16xf32>,
      %get3A_1321 = arith.constant 176 : index
      %get3A_1322 = tpu.vector_load %arg5[%get3A_1321] {strides = array<i32>} : memref<256xi32, #tpu.memory_space<vmem>>, vector<16xi32>,
      %gather3A_1323 = tpu.vector_load_idx %arg7[%broadcast_in_dim3A_1166, %get3A_1322] : memref<4x8000xf32, #tpu.memory_space<vmem>>[vector<16xi32>, vector<16xi32>], vector<16xf32>,
      %mul3A_1324 = arith.constant 4 : i32
      %mul3A_1325 = arith.muli %add3A_934, %mul3A_1324 : i32
      %add3A_1326 = arith.constant 1 : i32
      %add3A_1327 = arith.addi %mul3A_1325, %add3A_1326 : i32
      %mul3A_1328 = arith.constant 2 : i32
      %mul3A_1329 = arith.muli %add3A_1327, %mul3A_1328 : i32
      %add3A_1330 = arith.constant 1 : i32
      %add3A_1331 = arith.addi %mul3A_1329, %add3A_1330 : i32
      %swap3A_1332 = arith.index_cast %add3A_1331 : i32 to index
      %swap3A_1333 = arith.constant 48 : index
      %swap3A_1334 = tpu.vector_load %arg8[%swap3A_1332, %swap3A_1333] {strides = array<i32>} : memref<64x128xf32, #tpu.memory_space<vmem>>, vector<16xf32>,
      tpu.vector_store %arg8[%swap3A_1332, %swap3A_1333], %gather3A_1323 {strides = array<i32>} : memref<64x128xf32, #tpu.memory_space<vmem>>, vector<16xf32>,
      %get3A_1335 = arith.constant 192 : index
      %get3A_1336 = tpu.vector_load %arg5[%get3A_1335] {strides = array<i32>} : memref<256xi32, #tpu.memory_space<vmem>>, vector<16xi32>,
      %gather3A_1337 = tpu.vector_load_idx %arg7[%broadcast_in_dim3A_1166, %get3A_1336] : memref<4x8000xf32, #tpu.memory_space<vmem>>[vector<16xi32>, vector<16xi32>], vector<16xf32>,
      %mul3A_1338 = arith.constant 4 : i32
      %mul3A_1339 = arith.muli %add3A_934, %mul3A_1338 : i32
      %add3A_1340 = arith.constant 1 : i32
      %add3A_1341 = arith.addi %mul3A_1339, %add3A_1340 : i32
      %mul3A_1342 = arith.constant 2 : i32
      %mul3A_1343 = arith.muli %add3A_1341, %mul3A_1342 : i32
      %add3A_1344 = arith.constant 1 : i32
      %add3A_1345 = arith.addi %mul3A_1343, %add3A_1344 : i32
      %swap3A_1346 = arith.index_cast %add3A_1345 : i32 to index
      %swap3A_1347 = arith.constant 64 : index
      %swap3A_1348 = tpu.vector_load %arg8[%swap3A_1346, %swap3A_1347] {strides = array<i32>} : memref<64x128xf32, #tpu.memory_space<vmem>>, vector<16xf32>,
      tpu.vector_store %arg8[%swap3A_1346, %swap3A_1347], %gather3A_1337 {strides = array<i32>} : memref<64x128xf32, #tpu.memory_space<vmem>>, vector<16xf32>,
      %get3A_1349 = arith.constant 208 : index
      %get3A_1350 = tpu.vector_load %arg5[%get3A_1349] {strides = array<i32>} : memref<256xi32, #tpu.memory_space<vmem>>, vector<16xi32>,
      %gather3A_1351 = tpu.vector_load_idx %arg7[%broadcast_in_dim3A_1166, %get3A_1350] : memref<4x8000xf32, #tpu.memory_space<vmem>>[vector<16xi32>, vector<16xi32>], vector<16xf32>,
      %mul3A_1352 = arith.constant 4 : i32
      %mul3A_1353 = arith.muli %add3A_934, %mul3A_1352 : i32
      %add3A_1354 = arith.constant 1 : i32
      %add3A_1355 = arith.addi %mul3A_1353, %add3A_1354 : i32
      %mul3A_1356 = arith.constant 2 : i32
      %mul3A_1357 = arith.muli %add3A_1355, %mul3A_1356 : i32
      %add3A_1358 = arith.constant 1 : i32
      %add3A_1359 = arith.addi %mul3A_1357, %add3A_1358 : i32
      %swap3A_1360 = arith.index_cast %add3A_1359 : i32 to index
      %swap3A_1361 = arith.constant 80 : index
      %swap3A_1362 = tpu.vector_load %arg8[%swap3A_1360, %swap3A_1361] {strides = array<i32>} : memref<64x128xf32, #tpu.memory_space<vmem>>, vector<16xf32>,
      tpu.vector_store %arg8[%swap3A_1360, %swap3A_1361], %gather3A_1351 {strides = array<i32>} : memref<64x128xf32, #tpu.memory_space<vmem>>, vector<16xf32>,
      %get3A_1363 = arith.constant 224 : index
      %get3A_1364 = tpu.vector_load %arg5[%get3A_1363] {strides = array<i32>} : memref<256xi32, #tpu.memory_space<vmem>>, vector<16xi32>,
      %gather3A_1365 = tpu.vector_load_idx %arg7[%broadcast_in_dim3A_1166, %get3A_1364] : memref<4x8000xf32, #tpu.memory_space<vmem>>[vector<16xi32>, vector<16xi32>], vector<16xf32>,
      %mul3A_1366 = arith.constant 4 : i32
      %mul3A_1367 = arith.muli %add3A_934, %mul3A_1366 : i32
      %add3A_1368 = arith.constant 1 : i32
      %add3A_1369 = arith.addi %mul3A_1367, %add3A_1368 : i32
      %mul3A_1370 = arith.constant 2 : i32
      %mul3A_1371 = arith.muli %add3A_1369, %mul3A_1370 : i32
      %add3A_1372 = arith.constant 1 : i32
      %add3A_1373 = arith.addi %mul3A_1371, %add3A_1372 : i32
      %swap3A_1374 = arith.index_cast %add3A_1373 : i32 to index
      %swap3A_1375 = arith.constant 96 : index
      %swap3A_1376 = tpu.vector_load %arg8[%swap3A_1374, %swap3A_1375] {strides = array<i32>} : memref<64x128xf32, #tpu.memory_space<vmem>>, vector<16xf32>,
      tpu.vector_store %arg8[%swap3A_1374, %swap3A_1375], %gather3A_1365 {strides = array<i32>} : memref<64x128xf32, #tpu.memory_space<vmem>>, vector<16xf32>,
      %get3A_1377 = arith.constant 240 : index
      %get3A_1378 = tpu.vector_load %arg5[%get3A_1377] {strides = array<i32>} : memref<256xi32, #tpu.memory_space<vmem>>, vector<16xi32>,
      %gather3A_1379 = tpu.vector_load_idx %arg7[%broadcast_in_dim3A_1166, %get3A_1378] : memref<4x8000xf32, #tpu.memory_space<vmem>>[vector<16xi32>, vector<16xi32>], vector<16xf32>,
      %mul3A_1380 = arith.constant 4 : i32
      %mul3A_1381 = arith.muli %add3A_934, %mul3A_1380 : i32
      %add3A_1382 = arith.constant 1 : i32
      %add3A_1383 = arith.addi %mul3A_1381, %add3A_1382 : i32
      %mul3A_1384 = arith.constant 2 : i32
      %mul3A_1385 = arith.muli %add3A_1383, %mul3A_1384 : i32
      %add3A_1386 = arith.constant 1 : i32
      %add3A_1387 = arith.addi %mul3A_1385, %add3A_1386 : i32
      %swap3A_1388 = arith.index_cast %add3A_1387 : i32 to index
      %swap3A_1389 = arith.constant 112 : index
      %swap3A_1390 = tpu.vector_load %arg8[%swap3A_1388, %swap3A_1389] {strides = array<i32>} : memref<64x128xf32, #tpu.memory_space<vmem>>, vector<16xf32>,
      tpu.vector_store %arg8[%swap3A_1388, %swap3A_1389], %gather3A_1379 {strides = array<i32>} : memref<64x128xf32, #tpu.memory_space<vmem>>, vector<16xf32>,
      %broadcast_in_dim3A_1391 = arith.constant 2 : i32
      %broadcast_in_dim3A_1392 = vector.broadcast %broadcast_in_dim3A_1391 : i32 to vector<16xi32>
      %get3A_1393 = arith.constant 0 : index
      %get3A_1394 = tpu.vector_load %arg5[%get3A_1393] {strides = array<i32>} : memref<256xi32, #tpu.memory_space<vmem>>, vector<16xi32>,
      %gather3A_1395 = tpu.vector_load_idx %arg7[%broadcast_in_dim3A_1392, %get3A_1394] : memref<4x8000xf32, #tpu.memory_space<vmem>>[vector<16xi32>, vector<16xi32>], vector<16xf32>,
      %mul3A_1396 = arith.constant 4 : i32
      %mul3A_1397 = arith.muli %add3A_934, %mul3A_1396 : i32
      %add3A_1398 = arith.constant 2 : i32
      %add3A_1399 = arith.addi %mul3A_1397, %add3A_1398 : i32
      %mul3A_1400 = arith.constant 2 : i32
      %mul3A_1401 = arith.muli %add3A_1399, %mul3A_1400 : i32
      %add3A_1402 = arith.constant 0 : i32
      %add3A_1403 = arith.addi %mul3A_1401, %add3A_1402 : i32
      %swap3A_1404 = arith.index_cast %add3A_1403 : i32 to index
      %swap3A_1405 = arith.constant 0 : index
      %swap3A_1406 = tpu.vector_load %arg8[%swap3A_1404, %swap3A_1405] {strides = array<i32>} : memref<64x128xf32, #tpu.memory_space<vmem>>, vector<16xf32>,
      tpu.vector_store %arg8[%swap3A_1404, %swap3A_1405], %gather3A_1395 {strides = array<i32>} : memref<64x128xf32, #tpu.memory_space<vmem>>, vector<16xf32>,
      %get3A_1407 = arith.constant 16 : index
      %get3A_1408 = tpu.vector_load %arg5[%get3A_1407] {strides = array<i32>} : memref<256xi32, #tpu.memory_space<vmem>>, vector<16xi32>,
      %gather3A_1409 = tpu.vector_load_idx %arg7[%broadcast_in_dim3A_1392, %get3A_1408] : memref<4x8000xf32, #tpu.memory_space<vmem>>[vector<16xi32>, vector<16xi32>], vector<16xf32>,
      %mul3A_1410 = arith.constant 4 : i32
      %mul3A_1411 = arith.muli %add3A_934, %mul3A_1410 : i32
      %add3A_1412 = arith.constant 2 : i32
      %add3A_1413 = arith.addi %mul3A_1411, %add3A_1412 : i32
      %mul3A_1414 = arith.constant 2 : i32
      %mul3A_1415 = arith.muli %add3A_1413, %mul3A_1414 : i32
      %add3A_1416 = arith.constant 0 : i32
      %add3A_1417 = arith.addi %mul3A_1415, %add3A_1416 : i32
      %swap3A_1418 = arith.index_cast %add3A_1417 : i32 to index
      %swap3A_1419 = arith.constant 16 : index
      %swap3A_1420 = tpu.vector_load %arg8[%swap3A_1418, %swap3A_1419] {strides = array<i32>} : memref<64x128xf32, #tpu.memory_space<vmem>>, vector<16xf32>,
      tpu.vector_store %arg8[%swap3A_1418, %swap3A_1419], %gather3A_1409 {strides = array<i32>} : memref<64x128xf32, #tpu.memory_space<vmem>>, vector<16xf32>,
      %get3A_1421 = arith.constant 32 : index
      %get3A_1422 = tpu.vector_load %arg5[%get3A_1421] {strides = array<i32>} : memref<256xi32, #tpu.memory_space<vmem>>, vector<16xi32>,
      %gather3A_1423 = tpu.vector_load_idx %arg7[%broadcast_in_dim3A_1392, %get3A_1422] : memref<4x8000xf32, #tpu.memory_space<vmem>>[vector<16xi32>, vector<16xi32>], vector<16xf32>,
      %mul3A_1424 = arith.constant 4 : i32
      %mul3A_1425 = arith.muli %add3A_934, %mul3A_1424 : i32
      %add3A_1426 = arith.constant 2 : i32
      %add3A_1427 = arith.addi %mul3A_1425, %add3A_1426 : i32
      %mul3A_1428 = arith.constant 2 : i32
      %mul3A_1429 = arith.muli %add3A_1427, %mul3A_1428 : i32
      %add3A_1430 = arith.constant 0 : i32
      %add3A_1431 = arith.addi %mul3A_1429, %add3A_1430 : i32
      %swap3A_1432 = arith.index_cast %add3A_1431 : i32 to index
      %swap3A_1433 = arith.constant 32 : index
      %swap3A_1434 = tpu.vector_load %arg8[%swap3A_1432, %swap3A_1433] {strides = array<i32>} : memref<64x128xf32, #tpu.memory_space<vmem>>, vector<16xf32>,
      tpu.vector_store %arg8[%swap3A_1432, %swap3A_1433], %gather3A_1423 {strides = array<i32>} : memref<64x128xf32, #tpu.memory_space<vmem>>, vector<16xf32>,
      %get3A_1435 = arith.constant 48 : index
      %get3A_1436 = tpu.vector_load %arg5[%get3A_1435] {strides = array<i32>} : memref<256xi32, #tpu.memory_space<vmem>>, vector<16xi32>,
      %gather3A_1437 = tpu.vector_load_idx %arg7[%broadcast_in_dim3A_1392, %get3A_1436] : memref<4x8000xf32, #tpu.memory_space<vmem>>[vector<16xi32>, vector<16xi32>], vector<16xf32>,
      %mul3A_1438 = arith.constant 4 : i32
      %mul3A_1439 = arith.muli %add3A_934, %mul3A_1438 : i32
      %add3A_1440 = arith.constant 2 : i32
      %add3A_1441 = arith.addi %mul3A_1439, %add3A_1440 : i32
      %mul3A_1442 = arith.constant 2 : i32
      %mul3A_1443 = arith.muli %add3A_1441, %mul3A_1442 : i32
      %add3A_1444 = arith.constant 0 : i32
      %add3A_1445 = arith.addi %mul3A_1443, %add3A_1444 : i32
      %swap3A_1446 = arith.index_cast %add3A_1445 : i32 to index
      %swap3A_1447 = arith.constant 48 : index
      %swap3A_1448 = tpu.vector_load %arg8[%swap3A_1446, %swap3A_1447] {strides = array<i32>} : memref<64x128xf32, #tpu.memory_space<vmem>>, vector<16xf32>,
      tpu.vector_store %arg8[%swap3A_1446, %swap3A_1447], %gather3A_1437 {strides = array<i32>} : memref<64x128xf32, #tpu.memory_space<vmem>>, vector<16xf32>,
      %get3A_1449 = arith.constant 64 : index
      %get3A_1450 = tpu.vector_load %arg5[%get3A_1449] {strides = array<i32>} : memref<256xi32, #tpu.memory_space<vmem>>, vector<16xi32>,
      %gather3A_1451 = tpu.vector_load_idx %arg7[%broadcast_in_dim3A_1392, %get3A_1450] : memref<4x8000xf32, #tpu.memory_space<vmem>>[vector<16xi32>, vector<16xi32>], vector<16xf32>,
      %mul3A_1452 = arith.constant 4 : i32
      %mul3A_1453 = arith.muli %add3A_934, %mul3A_1452 : i32
      %add3A_1454 = arith.constant 2 : i32
      %add3A_1455 = arith.addi %mul3A_1453, %add3A_1454 : i32
      %mul3A_1456 = arith.constant 2 : i32
      %mul3A_1457 = arith.muli %add3A_1455, %mul3A_1456 : i32
      %add3A_1458 = arith.constant 0 : i32
      %add3A_1459 = arith.addi %mul3A_1457, %add3A_1458 : i32
      %swap3A_1460 = arith.index_cast %add3A_1459 : i32 to index
      %swap3A_1461 = arith.constant 64 : index
      %swap3A_1462 = tpu.vector_load %arg8[%swap3A_1460, %swap3A_1461] {strides = array<i32>} : memref<64x128xf32, #tpu.memory_space<vmem>>, vector<16xf32>,
      tpu.vector_store %arg8[%swap3A_1460, %swap3A_1461], %gather3A_1451 {strides = array<i32>} : memref<64x128xf32, #tpu.memory_space<vmem>>, vector<16xf32>,
      %get3A_1463 = arith.constant 80 : index
      %get3A_1464 = tpu.vector_load %arg5[%get3A_1463] {strides = array<i32>} : memref<256xi32, #tpu.memory_space<vmem>>, vector<16xi32>,
      %gather3A_1465 = tpu.vector_load_idx %arg7[%broadcast_in_dim3A_1392, %get3A_1464] : memref<4x8000xf32, #tpu.memory_space<vmem>>[vector<16xi32>, vector<16xi32>], vector<16xf32>,
      %mul3A_1466 = arith.constant 4 : i32
      %mul3A_1467 = arith.muli %add3A_934, %mul3A_1466 : i32
      %add3A_1468 = arith.constant 2 : i32
      %add3A_1469 = arith.addi %mul3A_1467, %add3A_1468 : i32
      %mul3A_1470 = arith.constant 2 : i32
      %mul3A_1471 = arith.muli %add3A_1469, %mul3A_1470 : i32
      %add3A_1472 = arith.constant 0 : i32
      %add3A_1473 = arith.addi %mul3A_1471, %add3A_1472 : i32
      %swap3A_1474 = arith.index_cast %add3A_1473 : i32 to index
      %swap3A_1475 = arith.constant 80 : index
      %swap3A_1476 = tpu.vector_load %arg8[%swap3A_1474, %swap3A_1475] {strides = array<i32>} : memref<64x128xf32, #tpu.memory_space<vmem>>, vector<16xf32>,
      tpu.vector_store %arg8[%swap3A_1474, %swap3A_1475], %gather3A_1465 {strides = array<i32>} : memref<64x128xf32, #tpu.memory_space<vmem>>, vector<16xf32>,
      %get3A_1477 = arith.constant 96 : index
      %get3A_1478 = tpu.vector_load %arg5[%get3A_1477] {strides = array<i32>} : memref<256xi32, #tpu.memory_space<vmem>>, vector<16xi32>,
      %gather3A_1479 = tpu.vector_load_idx %arg7[%broadcast_in_dim3A_1392, %get3A_1478] : memref<4x8000xf32, #tpu.memory_space<vmem>>[vector<16xi32>, vector<16xi32>], vector<16xf32>,
      %mul3A_1480 = arith.constant 4 : i32
      %mul3A_1481 = arith.muli %add3A_934, %mul3A_1480 : i32
      %add3A_1482 = arith.constant 2 : i32
      %add3A_1483 = arith.addi %mul3A_1481, %add3A_1482 : i32
      %mul3A_1484 = arith.constant 2 : i32
      %mul3A_1485 = arith.muli %add3A_1483, %mul3A_1484 : i32
      %add3A_1486 = arith.constant 0 : i32
      %add3A_1487 = arith.addi %mul3A_1485, %add3A_1486 : i32
      %swap3A_1488 = arith.index_cast %add3A_1487 : i32 to index
      %swap3A_1489 = arith.constant 96 : index
      %swap3A_1490 = tpu.vector_load %arg8[%swap3A_1488, %swap3A_1489] {strides = array<i32>} : memref<64x128xf32, #tpu.memory_space<vmem>>, vector<16xf32>,
      tpu.vector_store %arg8[%swap3A_1488, %swap3A_1489], %gather3A_1479 {strides = array<i32>} : memref<64x128xf32, #tpu.memory_space<vmem>>, vector<16xf32>,
      %get3A_1491 = arith.constant 112 : index
      %get3A_1492 = tpu.vector_load %arg5[%get3A_1491] {strides = array<i32>} : memref<256xi32, #tpu.memory_space<vmem>>, vector<16xi32>,
      %gather3A_1493 = tpu.vector_load_idx %arg7[%broadcast_in_dim3A_1392, %get3A_1492] : memref<4x8000xf32, #tpu.memory_space<vmem>>[vector<16xi32>, vector<16xi32>], vector<16xf32>,
      %mul3A_1494 = arith.constant 4 : i32
      %mul3A_1495 = arith.muli %add3A_934, %mul3A_1494 : i32
      %add3A_1496 = arith.constant 2 : i32
      %add3A_1497 = arith.addi %mul3A_1495, %add3A_1496 : i32
      %mul3A_1498 = arith.constant 2 : i32
      %mul3A_1499 = arith.muli %add3A_1497, %mul3A_1498 : i32
      %add3A_1500 = arith.constant 0 : i32
      %add3A_1501 = arith.addi %mul3A_1499, %add3A_1500 : i32
      %swap3A_1502 = arith.index_cast %add3A_1501 : i32 to index
      %swap3A_1503 = arith.constant 112 : index
      %swap3A_1504 = tpu.vector_load %arg8[%swap3A_1502, %swap3A_1503] {strides = array<i32>} : memref<64x128xf32, #tpu.memory_space<vmem>>, vector<16xf32>,
      tpu.vector_store %arg8[%swap3A_1502, %swap3A_1503], %gather3A_1493 {strides = array<i32>} : memref<64x128xf32, #tpu.memory_space<vmem>>, vector<16xf32>,
      %get3A_1505 = arith.constant 128 : index
      %get3A_1506 = tpu.vector_load %arg5[%get3A_1505] {strides = array<i32>} : memref<256xi32, #tpu.memory_space<vmem>>, vector<16xi32>,
      %gather3A_1507 = tpu.vector_load_idx %arg7[%broadcast_in_dim3A_1392, %get3A_1506] : memref<4x8000xf32, #tpu.memory_space<vmem>>[vector<16xi32>, vector<16xi32>], vector<16xf32>,
      %mul3A_1508 = arith.constant 4 : i32
      %mul3A_1509 = arith.muli %add3A_934, %mul3A_1508 : i32
      %add3A_1510 = arith.constant 2 : i32
      %add3A_1511 = arith.addi %mul3A_1509, %add3A_1510 : i32
      %mul3A_1512 = arith.constant 2 : i32
      %mul3A_1513 = arith.muli %add3A_1511, %mul3A_1512 : i32
      %add3A_1514 = arith.constant 1 : i32
      %add3A_1515 = arith.addi %mul3A_1513, %add3A_1514 : i32
      %swap3A_1516 = arith.index_cast %add3A_1515 : i32 to index
      %swap3A_1517 = arith.constant 0 : index
      %swap3A_1518 = tpu.vector_load %arg8[%swap3A_1516, %swap3A_1517] {strides = array<i32>} : memref<64x128xf32, #tpu.memory_space<vmem>>, vector<16xf32>,
      tpu.vector_store %arg8[%swap3A_1516, %swap3A_1517], %gather3A_1507 {strides = array<i32>} : memref<64x128xf32, #tpu.memory_space<vmem>>, vector<16xf32>,
      %get3A_1519 = arith.constant 144 : index
      %get3A_1520 = tpu.vector_load %arg5[%get3A_1519] {strides = array<i32>} : memref<256xi32, #tpu.memory_space<vmem>>, vector<16xi32>,
      %gather3A_1521 = tpu.vector_load_idx %arg7[%broadcast_in_dim3A_1392, %get3A_1520] : memref<4x8000xf32, #tpu.memory_space<vmem>>[vector<16xi32>, vector<16xi32>], vector<16xf32>,
      %mul3A_1522 = arith.constant 4 : i32
      %mul3A_1523 = arith.muli %add3A_934, %mul3A_1522 : i32
      %add3A_1524 = arith.constant 2 : i32
      %add3A_1525 = arith.addi %mul3A_1523, %add3A_1524 : i32
      %mul3A_1526 = arith.constant 2 : i32
      %mul3A_1527 = arith.muli %add3A_1525, %mul3A_1526 : i32
      %add3A_1528 = arith.constant 1 : i32
      %add3A_1529 = arith.addi %mul3A_1527, %add3A_1528 : i32
      %swap3A_1530 = arith.index_cast %add3A_1529 : i32 to index
      %swap3A_1531 = arith.constant 16 : index
      %swap3A_1532 = tpu.vector_load %arg8[%swap3A_1530, %swap3A_1531] {strides = array<i32>} : memref<64x128xf32, #tpu.memory_space<vmem>>, vector<16xf32>,
      tpu.vector_store %arg8[%swap3A_1530, %swap3A_1531], %gather3A_1521 {strides = array<i32>} : memref<64x128xf32, #tpu.memory_space<vmem>>, vector<16xf32>,
      %get3A_1533 = arith.constant 160 : index
      %get3A_1534 = tpu.vector_load %arg5[%get3A_1533] {strides = array<i32>} : memref<256xi32, #tpu.memory_space<vmem>>, vector<16xi32>,
      %gather3A_1535 = tpu.vector_load_idx %arg7[%broadcast_in_dim3A_1392, %get3A_1534] : memref<4x8000xf32, #tpu.memory_space<vmem>>[vector<16xi32>, vector<16xi32>], vector<16xf32>,
      %mul3A_1536 = arith.constant 4 : i32
      %mul3A_1537 = arith.muli %add3A_934, %mul3A_1536 : i32
      %add3A_1538 = arith.constant 2 : i32
      %add3A_1539 = arith.addi %mul3A_1537, %add3A_1538 : i32
      %mul3A_1540 = arith.constant 2 : i32
      %mul3A_1541 = arith.muli %add3A_1539, %mul3A_1540 : i32
      %add3A_1542 = arith.constant 1 : i32
      %add3A_1543 = arith.addi %mul3A_1541, %add3A_1542 : i32
      %swap3A_1544 = arith.index_cast %add3A_1543 : i32 to index
      %swap3A_1545 = arith.constant 32 : index
      %swap3A_1546 = tpu.vector_load %arg8[%swap3A_1544, %swap3A_1545] {strides = array<i32>} : memref<64x128xf32, #tpu.memory_space<vmem>>, vector<16xf32>,
      tpu.vector_store %arg8[%swap3A_1544, %swap3A_1545], %gather3A_1535 {strides = array<i32>} : memref<64x128xf32, #tpu.memory_space<vmem>>, vector<16xf32>,
      %get3A_1547 = arith.constant 176 : index
      %get3A_1548 = tpu.vector_load %arg5[%get3A_1547] {strides = array<i32>} : memref<256xi32, #tpu.memory_space<vmem>>, vector<16xi32>,
      %gather3A_1549 = tpu.vector_load_idx %arg7[%broadcast_in_dim3A_1392, %get3A_1548] : memref<4x8000xf32, #tpu.memory_space<vmem>>[vector<16xi32>, vector<16xi32>], vector<16xf32>,
      %mul3A_1550 = arith.constant 4 : i32
      %mul3A_1551 = arith.muli %add3A_934, %mul3A_1550 : i32
      %add3A_1552 = arith.constant 2 : i32
      %add3A_1553 = arith.addi %mul3A_1551, %add3A_1552 : i32
      %mul3A_1554 = arith.constant 2 : i32
      %mul3A_1555 = arith.muli %add3A_1553, %mul3A_1554 : i32
      %add3A_1556 = arith.constant 1 : i32
      %add3A_1557 = arith.addi %mul3A_1555, %add3A_1556 : i32
      %swap3A_1558 = arith.index_cast %add3A_1557 : i32 to index
      %swap3A_1559 = arith.constant 48 : index
      %swap3A_1560 = tpu.vector_load %arg8[%swap3A_1558, %swap3A_1559] {strides = array<i32>} : memref<64x128xf32, #tpu.memory_space<vmem>>, vector<16xf32>,
      tpu.vector_store %arg8[%swap3A_1558, %swap3A_1559], %gather3A_1549 {strides = array<i32>} : memref<64x128xf32, #tpu.memory_space<vmem>>, vector<16xf32>,
      %get3A_1561 = arith.constant 192 : index
      %get3A_1562 = tpu.vector_load %arg5[%get3A_1561] {strides = array<i32>} : memref<256xi32, #tpu.memory_space<vmem>>, vector<16xi32>,
      %gather3A_1563 = tpu.vector_load_idx %arg7[%broadcast_in_dim3A_1392, %get3A_1562] : memref<4x8000xf32, #tpu.memory_space<vmem>>[vector<16xi32>, vector<16xi32>], vector<16xf32>,
      %mul3A_1564 = arith.constant 4 : i32
      %mul3A_1565 = arith.muli %add3A_934, %mul3A_1564 : i32
      %add3A_1566 = arith.constant 2 : i32
      %add3A_1567 = arith.addi %mul3A_1565, %add3A_1566 : i32
      %mul3A_1568 = arith.constant 2 : i32
      %mul3A_1569 = arith.muli %add3A_1567, %mul3A_1568 : i32
      %add3A_1570 = arith.constant 1 : i32
      %add3A_1571 = arith.addi %mul3A_1569, %add3A_1570 : i32
      %swap3A_1572 = arith.index_cast %add3A_1571 : i32 to index
      %swap3A_1573 = arith.constant 64 : index
      %swap3A_1574 = tpu.vector_load %arg8[%swap3A_1572, %swap3A_1573] {strides = array<i32>} : memref<64x128xf32, #tpu.memory_space<vmem>>, vector<16xf32>,
      tpu.vector_store %arg8[%swap3A_1572, %swap3A_1573], %gather3A_1563 {strides = array<i32>} : memref<64x128xf32, #tpu.memory_space<vmem>>, vector<16xf32>,
      %get3A_1575 = arith.constant 208 : index
      %get3A_1576 = tpu.vector_load %arg5[%get3A_1575] {strides = array<i32>} : memref<256xi32, #tpu.memory_space<vmem>>, vector<16xi32>,
      %gather3A_1577 = tpu.vector_load_idx %arg7[%broadcast_in_dim3A_1392, %get3A_1576] : memref<4x8000xf32, #tpu.memory_space<vmem>>[vector<16xi32>, vector<16xi32>], vector<16xf32>,
      %mul3A_1578 = arith.constant 4 : i32
      %mul3A_1579 = arith.muli %add3A_934, %mul3A_1578 : i32
      %add3A_1580 = arith.constant 2 : i32
      %add3A_1581 = arith.addi %mul3A_1579, %add3A_1580 : i32
      %mul3A_1582 = arith.constant 2 : i32
      %mul3A_1583 = arith.muli %add3A_1581, %mul3A_1582 : i32
      %add3A_1584 = arith.constant 1 : i32
      %add3A_1585 = arith.addi %mul3A_1583, %add3A_1584 : i32
      %swap3A_1586 = arith.index_cast %add3A_1585 : i32 to index
      %swap3A_1587 = arith.constant 80 : index
      %swap3A_1588 = tpu.vector_load %arg8[%swap3A_1586, %swap3A_1587] {strides = array<i32>} : memref<64x128xf32, #tpu.memory_space<vmem>>, vector<16xf32>,
      tpu.vector_store %arg8[%swap3A_1586, %swap3A_1587], %gather3A_1577 {strides = array<i32>} : memref<64x128xf32, #tpu.memory_space<vmem>>, vector<16xf32>,
      %get3A_1589 = arith.constant 224 : index
      %get3A_1590 = tpu.vector_load %arg5[%get3A_1589] {strides = array<i32>} : memref<256xi32, #tpu.memory_space<vmem>>, vector<16xi32>,
      %gather3A_1591 = tpu.vector_load_idx %arg7[%broadcast_in_dim3A_1392, %get3A_1590] : memref<4x8000xf32, #tpu.memory_space<vmem>>[vector<16xi32>, vector<16xi32>], vector<16xf32>,
      %mul3A_1592 = arith.constant 4 : i32
      %mul3A_1593 = arith.muli %add3A_934, %mul3A_1592 : i32
      %add3A_1594 = arith.constant 2 : i32
      %add3A_1595 = arith.addi %mul3A_1593, %add3A_1594 : i32
      %mul3A_1596 = arith.constant 2 : i32
      %mul3A_1597 = arith.muli %add3A_1595, %mul3A_1596 : i32
      %add3A_1598 = arith.constant 1 : i32
      %add3A_1599 = arith.addi %mul3A_1597, %add3A_1598 : i32
      %swap3A_1600 = arith.index_cast %add3A_1599 : i32 to index
      %swap3A_1601 = arith.constant 96 : index
      %swap3A_1602 = tpu.vector_load %arg8[%swap3A_1600, %swap3A_1601] {strides = array<i32>} : memref<64x128xf32, #tpu.memory_space<vmem>>, vector<16xf32>,
      tpu.vector_store %arg8[%swap3A_1600, %swap3A_1601], %gather3A_1591 {strides = array<i32>} : memref<64x128xf32, #tpu.memory_space<vmem>>, vector<16xf32>,
      %get3A_1603 = arith.constant 240 : index
      %get3A_1604 = tpu.vector_load %arg5[%get3A_1603] {strides = array<i32>} : memref<256xi32, #tpu.memory_space<vmem>>, vector<16xi32>,
      %gather3A_1605 = tpu.vector_load_idx %arg7[%broadcast_in_dim3A_1392, %get3A_1604] : memref<4x8000xf32, #tpu.memory_space<vmem>>[vector<16xi32>, vector<16xi32>], vector<16xf32>,
      %mul3A_1606 = arith.constant 4 : i32
      %mul3A_1607 = arith.muli %add3A_934, %mul3A_1606 : i32
      %add3A_1608 = arith.constant 2 : i32
      %add3A_1609 = arith.addi %mul3A_1607, %add3A_1608 : i32
      %mul3A_1610 = arith.constant 2 : i32
      %mul3A_1611 = arith.muli %add3A_1609, %mul3A_1610 : i32
      %add3A_1612 = arith.constant 1 : i32
      %add3A_1613 = arith.addi %mul3A_1611, %add3A_1612 : i32
      %swap3A_1614 = arith.index_cast %add3A_1613 : i32 to index
      %swap3A_1615 = arith.constant 112 : index
      %swap3A_1616 = tpu.vector_load %arg8[%swap3A_1614, %swap3A_1615] {strides = array<i32>} : memref<64x128xf32, #tpu.memory_space<vmem>>, vector<16xf32>,
      tpu.vector_store %arg8[%swap3A_1614, %swap3A_1615], %gather3A_1605 {strides = array<i32>} : memref<64x128xf32, #tpu.memory_space<vmem>>, vector<16xf32>,
      %broadcast_in_dim3A_1617 = arith.constant 3 : i32
      %broadcast_in_dim3A_1618 = vector.broadcast %broadcast_in_dim3A_1617 : i32 to vector<16xi32>
      %get3A_1619 = arith.constant 0 : index
      %get3A_1620 = tpu.vector_load %arg5[%get3A_1619] {strides = array<i32>} : memref<256xi32, #tpu.memory_space<vmem>>, vector<16xi32>,
      %gather3A_1621 = tpu.vector_load_idx %arg7[%broadcast_in_dim3A_1618, %get3A_1620] : memref<4x8000xf32, #tpu.memory_space<vmem>>[vector<16xi32>, vector<16xi32>], vector<16xf32>,
      %mul3A_1622 = arith.constant 4 : i32
      %mul3A_1623 = arith.muli %add3A_934, %mul3A_1622 : i32
      %add3A_1624 = arith.constant 3 : i32
      %add3A_1625 = arith.addi %mul3A_1623, %add3A_1624 : i32
      %mul3A_1626 = arith.constant 2 : i32
      %mul3A_1627 = arith.muli %add3A_1625, %mul3A_1626 : i32
      %add3A_1628 = arith.constant 0 : i32
      %add3A_1629 = arith.addi %mul3A_1627, %add3A_1628 : i32
      %swap3A_1630 = arith.index_cast %add3A_1629 : i32 to index
      %swap3A_1631 = arith.constant 0 : index
      %swap3A_1632 = tpu.vector_load %arg8[%swap3A_1630, %swap3A_1631] {strides = array<i32>} : memref<64x128xf32, #tpu.memory_space<vmem>>, vector<16xf32>,
      tpu.vector_store %arg8[%swap3A_1630, %swap3A_1631], %gather3A_1621 {strides = array<i32>} : memref<64x128xf32, #tpu.memory_space<vmem>>, vector<16xf32>,
      %get3A_1633 = arith.constant 16 : index
      %get3A_1634 = tpu.vector_load %arg5[%get3A_1633] {strides = array<i32>} : memref<256xi32, #tpu.memory_space<vmem>>, vector<16xi32>,
      %gather3A_1635 = tpu.vector_load_idx %arg7[%broadcast_in_dim3A_1618, %get3A_1634] : memref<4x8000xf32, #tpu.memory_space<vmem>>[vector<16xi32>, vector<16xi32>], vector<16xf32>,
      %mul3A_1636 = arith.constant 4 : i32
      %mul3A_1637 = arith.muli %add3A_934, %mul3A_1636 : i32
      %add3A_1638 = arith.constant 3 : i32
      %add3A_1639 = arith.addi %mul3A_1637, %add3A_1638 : i32
      %mul3A_1640 = arith.constant 2 : i32
      %mul3A_1641 = arith.muli %add3A_1639, %mul3A_1640 : i32
      %add3A_1642 = arith.constant 0 : i32
      %add3A_1643 = arith.addi %mul3A_1641, %add3A_1642 : i32
      %swap3A_1644 = arith.index_cast %add3A_1643 : i32 to index
      %swap3A_1645 = arith.constant 16 : index
      %swap3A_1646 = tpu.vector_load %arg8[%swap3A_1644, %swap3A_1645] {strides = array<i32>} : memref<64x128xf32, #tpu.memory_space<vmem>>, vector<16xf32>,
      tpu.vector_store %arg8[%swap3A_1644, %swap3A_1645], %gather3A_1635 {strides = array<i32>} : memref<64x128xf32, #tpu.memory_space<vmem>>, vector<16xf32>,
      %get3A_1647 = arith.constant 32 : index
      %get3A_1648 = tpu.vector_load %arg5[%get3A_1647] {strides = array<i32>} : memref<256xi32, #tpu.memory_space<vmem>>, vector<16xi32>,
      %gather3A_1649 = tpu.vector_load_idx %arg7[%broadcast_in_dim3A_1618, %get3A_1648] : memref<4x8000xf32, #tpu.memory_space<vmem>>[vector<16xi32>, vector<16xi32>], vector<16xf32>,
      %mul3A_1650 = arith.constant 4 : i32
      %mul3A_1651 = arith.muli %add3A_934, %mul3A_1650 : i32
      %add3A_1652 = arith.constant 3 : i32
      %add3A_1653 = arith.addi %mul3A_1651, %add3A_1652 : i32
      %mul3A_1654 = arith.constant 2 : i32
      %mul3A_1655 = arith.muli %add3A_1653, %mul3A_1654 : i32
      %add3A_1656 = arith.constant 0 : i32
      %add3A_1657 = arith.addi %mul3A_1655, %add3A_1656 : i32
      %swap3A_1658 = arith.index_cast %add3A_1657 : i32 to index
      %swap3A_1659 = arith.constant 32 : index
      %swap3A_1660 = tpu.vector_load %arg8[%swap3A_1658, %swap3A_1659] {strides = array<i32>} : memref<64x128xf32, #tpu.memory_space<vmem>>, vector<16xf32>,
      tpu.vector_store %arg8[%swap3A_1658, %swap3A_1659], %gather3A_1649 {strides = array<i32>} : memref<64x128xf32, #tpu.memory_space<vmem>>, vector<16xf32>,
      %get3A_1661 = arith.constant 48 : index
      %get3A_1662 = tpu.vector_load %arg5[%get3A_1661] {strides = array<i32>} : memref<256xi32, #tpu.memory_space<vmem>>, vector<16xi32>,
      %gather3A_1663 = tpu.vector_load_idx %arg7[%broadcast_in_dim3A_1618, %get3A_1662] : memref<4x8000xf32, #tpu.memory_space<vmem>>[vector<16xi32>, vector<16xi32>], vector<16xf32>,
      %mul3A_1664 = arith.constant 4 : i32
      %mul3A_1665 = arith.muli %add3A_934, %mul3A_1664 : i32
      %add3A_1666 = arith.constant 3 : i32
      %add3A_1667 = arith.addi %mul3A_1665, %add3A_1666 : i32
      %mul3A_1668 = arith.constant 2 : i32
      %mul3A_1669 = arith.muli %add3A_1667, %mul3A_1668 : i32
      %add3A_1670 = arith.constant 0 : i32
      %add3A_1671 = arith.addi %mul3A_1669, %add3A_1670 : i32
      %swap3A_1672 = arith.index_cast %add3A_1671 : i32 to index
      %swap3A_1673 = arith.constant 48 : index
      %swap3A_1674 = tpu.vector_load %arg8[%swap3A_1672, %swap3A_1673] {strides = array<i32>} : memref<64x128xf32, #tpu.memory_space<vmem>>, vector<16xf32>,
      tpu.vector_store %arg8[%swap3A_1672, %swap3A_1673], %gather3A_1663 {strides = array<i32>} : memref<64x128xf32, #tpu.memory_space<vmem>>, vector<16xf32>,
      %get3A_1675 = arith.constant 64 : index
      %get3A_1676 = tpu.vector_load %arg5[%get3A_1675] {strides = array<i32>} : memref<256xi32, #tpu.memory_space<vmem>>, vector<16xi32>,
      %gather3A_1677 = tpu.vector_load_idx %arg7[%broadcast_in_dim3A_1618, %get3A_1676] : memref<4x8000xf32, #tpu.memory_space<vmem>>[vector<16xi32>, vector<16xi32>], vector<16xf32>,
      %mul3A_1678 = arith.constant 4 : i32
      %mul3A_1679 = arith.muli %add3A_934, %mul3A_1678 : i32
      %add3A_1680 = arith.constant 3 : i32
      %add3A_1681 = arith.addi %mul3A_1679, %add3A_1680 : i32
      %mul3A_1682 = arith.constant 2 : i32
      %mul3A_1683 = arith.muli %add3A_1681, %mul3A_1682 : i32
      %add3A_1684 = arith.constant 0 : i32
      %add3A_1685 = arith.addi %mul3A_1683, %add3A_1684 : i32
      %swap3A_1686 = arith.index_cast %add3A_1685 : i32 to index
      %swap3A_1687 = arith.constant 64 : index
      %swap3A_1688 = tpu.vector_load %arg8[%swap3A_1686, %swap3A_1687] {strides = array<i32>} : memref<64x128xf32, #tpu.memory_space<vmem>>, vector<16xf32>,
      tpu.vector_store %arg8[%swap3A_1686, %swap3A_1687], %gather3A_1677 {strides = array<i32>} : memref<64x128xf32, #tpu.memory_space<vmem>>, vector<16xf32>,
      %get3A_1689 = arith.constant 80 : index
      %get3A_1690 = tpu.vector_load %arg5[%get3A_1689] {strides = array<i32>} : memref<256xi32, #tpu.memory_space<vmem>>, vector<16xi32>,
      %gather3A_1691 = tpu.vector_load_idx %arg7[%broadcast_in_dim3A_1618, %get3A_1690] : memref<4x8000xf32, #tpu.memory_space<vmem>>[vector<16xi32>, vector<16xi32>], vector<16xf32>,
      %mul3A_1692 = arith.constant 4 : i32
      %mul3A_1693 = arith.muli %add3A_934, %mul3A_1692 : i32
      %add3A_1694 = arith.constant 3 : i32
      %add3A_1695 = arith.addi %mul3A_1693, %add3A_1694 : i32
      %mul3A_1696 = arith.constant 2 : i32
      %mul3A_1697 = arith.muli %add3A_1695, %mul3A_1696 : i32
      %add3A_1698 = arith.constant 0 : i32
      %add3A_1699 = arith.addi %mul3A_1697, %add3A_1698 : i32
      %swap3A_1700 = arith.index_cast %add3A_1699 : i32 to index
      %swap3A_1701 = arith.constant 80 : index
      %swap3A_1702 = tpu.vector_load %arg8[%swap3A_1700, %swap3A_1701] {strides = array<i32>} : memref<64x128xf32, #tpu.memory_space<vmem>>, vector<16xf32>,
      tpu.vector_store %arg8[%swap3A_1700, %swap3A_1701], %gather3A_1691 {strides = array<i32>} : memref<64x128xf32, #tpu.memory_space<vmem>>, vector<16xf32>,
      %get3A_1703 = arith.constant 96 : index
      %get3A_1704 = tpu.vector_load %arg5[%get3A_1703] {strides = array<i32>} : memref<256xi32, #tpu.memory_space<vmem>>, vector<16xi32>,
      %gather3A_1705 = tpu.vector_load_idx %arg7[%broadcast_in_dim3A_1618, %get3A_1704] : memref<4x8000xf32, #tpu.memory_space<vmem>>[vector<16xi32>, vector<16xi32>], vector<16xf32>,
      %mul3A_1706 = arith.constant 4 : i32
      %mul3A_1707 = arith.muli %add3A_934, %mul3A_1706 : i32
      %add3A_1708 = arith.constant 3 : i32
      %add3A_1709 = arith.addi %mul3A_1707, %add3A_1708 : i32
      %mul3A_1710 = arith.constant 2 : i32
      %mul3A_1711 = arith.muli %add3A_1709, %mul3A_1710 : i32
      %add3A_1712 = arith.constant 0 : i32
      %add3A_1713 = arith.addi %mul3A_1711, %add3A_1712 : i32
      %swap3A_1714 = arith.index_cast %add3A_1713 : i32 to index
      %swap3A_1715 = arith.constant 96 : index
      %swap3A_1716 = tpu.vector_load %arg8[%swap3A_1714, %swap3A_1715] {strides = array<i32>} : memref<64x128xf32, #tpu.memory_space<vmem>>, vector<16xf32>,
      tpu.vector_store %arg8[%swap3A_1714, %swap3A_1715], %gather3A_1705 {strides = array<i32>} : memref<64x128xf32, #tpu.memory_space<vmem>>, vector<16xf32>,
      %get3A_1717 = arith.constant 112 : index
      %get3A_1718 = tpu.vector_load %arg5[%get3A_1717] {strides = array<i32>} : memref<256xi32, #tpu.memory_space<vmem>>, vector<16xi32>,
      %gather3A_1719 = tpu.vector_load_idx %arg7[%broadcast_in_dim3A_1618, %get3A_1718] : memref<4x8000xf32, #tpu.memory_space<vmem>>[vector<16xi32>, vector<16xi32>], vector<16xf32>,
      %mul3A_1720 = arith.constant 4 : i32
      %mul3A_1721 = arith.muli %add3A_934, %mul3A_1720 : i32
      %add3A_1722 = arith.constant 3 : i32
      %add3A_1723 = arith.addi %mul3A_1721, %add3A_1722 : i32
      %mul3A_1724 = arith.constant 2 : i32
      %mul3A_1725 = arith.muli %add3A_1723, %mul3A_1724 : i32
      %add3A_1726 = arith.constant 0 : i32
      %add3A_1727 = arith.addi %mul3A_1725, %add3A_1726 : i32
      %swap3A_1728 = arith.index_cast %add3A_1727 : i32 to index
      %swap3A_1729 = arith.constant 112 : index
      %swap3A_1730 = tpu.vector_load %arg8[%swap3A_1728, %swap3A_1729] {strides = array<i32>} : memref<64x128xf32, #tpu.memory_space<vmem>>, vector<16xf32>,
      tpu.vector_store %arg8[%swap3A_1728, %swap3A_1729], %gather3A_1719 {strides = array<i32>} : memref<64x128xf32, #tpu.memory_space<vmem>>, vector<16xf32>,
      %get3A_1731 = arith.constant 128 : index
      %get3A_1732 = tpu.vector_load %arg5[%get3A_1731] {strides = array<i32>} : memref<256xi32, #tpu.memory_space<vmem>>, vector<16xi32>,
      %gather3A_1733 = tpu.vector_load_idx %arg7[%broadcast_in_dim3A_1618, %get3A_1732] : memref<4x8000xf32, #tpu.memory_space<vmem>>[vector<16xi32>, vector<16xi32>], vector<16xf32>,
      %mul3A_1734 = arith.constant 4 : i32
      %mul3A_1735 = arith.muli %add3A_934, %mul3A_1734 : i32
      %add3A_1736 = arith.constant 3 : i32
      %add3A_1737 = arith.addi %mul3A_1735, %add3A_1736 : i32
      %mul3A_1738 = arith.constant 2 : i32
      %mul3A_1739 = arith.muli %add3A_1737, %mul3A_1738 : i32
      %add3A_1740 = arith.constant 1 : i32
      %add3A_1741 = arith.addi %mul3A_1739, %add3A_1740 : i32
      %swap3A_1742 = arith.index_cast %add3A_1741 : i32 to index
      %swap3A_1743 = arith.constant 0 : index
      %swap3A_1744 = tpu.vector_load %arg8[%swap3A_1742, %swap3A_1743] {strides = array<i32>} : memref<64x128xf32, #tpu.memory_space<vmem>>, vector<16xf32>,
      tpu.vector_store %arg8[%swap3A_1742, %swap3A_1743], %gather3A_1733 {strides = array<i32>} : memref<64x128xf32, #tpu.memory_space<vmem>>, vector<16xf32>,
      %get3A_1745 = arith.constant 144 : index
      %get3A_1746 = tpu.vector_load %arg5[%get3A_1745] {strides = array<i32>} : memref<256xi32, #tpu.memory_space<vmem>>, vector<16xi32>,
      %gather3A_1747 = tpu.vector_load_idx %arg7[%broadcast_in_dim3A_1618, %get3A_1746] : memref<4x8000xf32, #tpu.memory_space<vmem>>[vector<16xi32>, vector<16xi32>], vector<16xf32>,
      %mul3A_1748 = arith.constant 4 : i32
      %mul3A_1749 = arith.muli %add3A_934, %mul3A_1748 : i32
      %add3A_1750 = arith.constant 3 : i32
      %add3A_1751 = arith.addi %mul3A_1749, %add3A_1750 : i32
      %mul3A_1752 = arith.constant 2 : i32
      %mul3A_1753 = arith.muli %add3A_1751, %mul3A_1752 : i32
      %add3A_1754 = arith.constant 1 : i32
      %add3A_1755 = arith.addi %mul3A_1753, %add3A_1754 : i32
      %swap3A_1756 = arith.index_cast %add3A_1755 : i32 to index
      %swap3A_1757 = arith.constant 16 : index
      %swap3A_1758 = tpu.vector_load %arg8[%swap3A_1756, %swap3A_1757] {strides = array<i32>} : memref<64x128xf32, #tpu.memory_space<vmem>>, vector<16xf32>,
      tpu.vector_store %arg8[%swap3A_1756, %swap3A_1757], %gather3A_1747 {strides = array<i32>} : memref<64x128xf32, #tpu.memory_space<vmem>>, vector<16xf32>,
      %get3A_1759 = arith.constant 160 : index
      %get3A_1760 = tpu.vector_load %arg5[%get3A_1759] {strides = array<i32>} : memref<256xi32, #tpu.memory_space<vmem>>, vector<16xi32>,
      %gather3A_1761 = tpu.vector_load_idx %arg7[%broadcast_in_dim3A_1618, %get3A_1760] : memref<4x8000xf32, #tpu.memory_space<vmem>>[vector<16xi32>, vector<16xi32>], vector<16xf32>,
      %mul3A_1762 = arith.constant 4 : i32
      %mul3A_1763 = arith.muli %add3A_934, %mul3A_1762 : i32
      %add3A_1764 = arith.constant 3 : i32
      %add3A_1765 = arith.addi %mul3A_1763, %add3A_1764 : i32
      %mul3A_1766 = arith.constant 2 : i32
      %mul3A_1767 = arith.muli %add3A_1765, %mul3A_1766 : i32
      %add3A_1768 = arith.constant 1 : i32
      %add3A_1769 = arith.addi %mul3A_1767, %add3A_1768 : i32
      %swap3A_1770 = arith.index_cast %add3A_1769 : i32 to index
      %swap3A_1771 = arith.constant 32 : index
      %swap3A_1772 = tpu.vector_load %arg8[%swap3A_1770, %swap3A_1771] {strides = array<i32>} : memref<64x128xf32, #tpu.memory_space<vmem>>, vector<16xf32>,
      tpu.vector_store %arg8[%swap3A_1770, %swap3A_1771], %gather3A_1761 {strides = array<i32>} : memref<64x128xf32, #tpu.memory_space<vmem>>, vector<16xf32>,
      %get3A_1773 = arith.constant 176 : index
      %get3A_1774 = tpu.vector_load %arg5[%get3A_1773] {strides = array<i32>} : memref<256xi32, #tpu.memory_space<vmem>>, vector<16xi32>,
      %gather3A_1775 = tpu.vector_load_idx %arg7[%broadcast_in_dim3A_1618, %get3A_1774] : memref<4x8000xf32, #tpu.memory_space<vmem>>[vector<16xi32>, vector<16xi32>], vector<16xf32>,
      %mul3A_1776 = arith.constant 4 : i32
      %mul3A_1777 = arith.muli %add3A_934, %mul3A_1776 : i32
      %add3A_1778 = arith.constant 3 : i32
      %add3A_1779 = arith.addi %mul3A_1777, %add3A_1778 : i32
      %mul3A_1780 = arith.constant 2 : i32
      %mul3A_1781 = arith.muli %add3A_1779, %mul3A_1780 : i32
      %add3A_1782 = arith.constant 1 : i32
      %add3A_1783 = arith.addi %mul3A_1781, %add3A_1782 : i32
      %swap3A_1784 = arith.index_cast %add3A_1783 : i32 to index
      %swap3A_1785 = arith.constant 48 : index
      %swap3A_1786 = tpu.vector_load %arg8[%swap3A_1784, %swap3A_1785] {strides = array<i32>} : memref<64x128xf32, #tpu.memory_space<vmem>>, vector<16xf32>,
      tpu.vector_store %arg8[%swap3A_1784, %swap3A_1785], %gather3A_1775 {strides = array<i32>} : memref<64x128xf32, #tpu.memory_space<vmem>>, vector<16xf32>,
      %get3A_1787 = arith.constant 192 : index
      %get3A_1788 = tpu.vector_load %arg5[%get3A_1787] {strides = array<i32>} : memref<256xi32, #tpu.memory_space<vmem>>, vector<16xi32>,
      %gather3A_1789 = tpu.vector_load_idx %arg7[%broadcast_in_dim3A_1618, %get3A_1788] : memref<4x8000xf32, #tpu.memory_space<vmem>>[vector<16xi32>, vector<16xi32>], vector<16xf32>,
      %mul3A_1790 = arith.constant 4 : i32
      %mul3A_1791 = arith.muli %add3A_934, %mul3A_1790 : i32
      %add3A_1792 = arith.constant 3 : i32
      %add3A_1793 = arith.addi %mul3A_1791, %add3A_1792 : i32
      %mul3A_1794 = arith.constant 2 : i32
      %mul3A_1795 = arith.muli %add3A_1793, %mul3A_1794 : i32
      %add3A_1796 = arith.constant 1 : i32
      %add3A_1797 = arith.addi %mul3A_1795, %add3A_1796 : i32
      %swap3A_1798 = arith.index_cast %add3A_1797 : i32 to index
      %swap3A_1799 = arith.constant 64 : index
      %swap3A_1800 = tpu.vector_load %arg8[%swap3A_1798, %swap3A_1799] {strides = array<i32>} : memref<64x128xf32, #tpu.memory_space<vmem>>, vector<16xf32>,
      tpu.vector_store %arg8[%swap3A_1798, %swap3A_1799], %gather3A_1789 {strides = array<i32>} : memref<64x128xf32, #tpu.memory_space<vmem>>, vector<16xf32>,
      %get3A_1801 = arith.constant 208 : index
      %get3A_1802 = tpu.vector_load %arg5[%get3A_1801] {strides = array<i32>} : memref<256xi32, #tpu.memory_space<vmem>>, vector<16xi32>,
      %gather3A_1803 = tpu.vector_load_idx %arg7[%broadcast_in_dim3A_1618, %get3A_1802] : memref<4x8000xf32, #tpu.memory_space<vmem>>[vector<16xi32>, vector<16xi32>], vector<16xf32>,
      %mul3A_1804 = arith.constant 4 : i32
      %mul3A_1805 = arith.muli %add3A_934, %mul3A_1804 : i32
      %add3A_1806 = arith.constant 3 : i32
      %add3A_1807 = arith.addi %mul3A_1805, %add3A_1806 : i32
      %mul3A_1808 = arith.constant 2 : i32
      %mul3A_1809 = arith.muli %add3A_1807, %mul3A_1808 : i32
      %add3A_1810 = arith.constant 1 : i32
      %add3A_1811 = arith.addi %mul3A_1809, %add3A_1810 : i32
      %swap3A_1812 = arith.index_cast %add3A_1811 : i32 to index
      %swap3A_1813 = arith.constant 80 : index
      %swap3A_1814 = tpu.vector_load %arg8[%swap3A_1812, %swap3A_1813] {strides = array<i32>} : memref<64x128xf32, #tpu.memory_space<vmem>>, vector<16xf32>,
      tpu.vector_store %arg8[%swap3A_1812, %swap3A_1813], %gather3A_1803 {strides = array<i32>} : memref<64x128xf32, #tpu.memory_space<vmem>>, vector<16xf32>,
      %get3A_1815 = arith.constant 224 : index
      %get3A_1816 = tpu.vector_load %arg5[%get3A_1815] {strides = array<i32>} : memref<256xi32, #tpu.memory_space<vmem>>, vector<16xi32>,
      %gather3A_1817 = tpu.vector_load_idx %arg7[%broadcast_in_dim3A_1618, %get3A_1816] : memref<4x8000xf32, #tpu.memory_space<vmem>>[vector<16xi32>, vector<16xi32>], vector<16xf32>,
      %mul3A_1818 = arith.constant 4 : i32
      %mul3A_1819 = arith.muli %add3A_934, %mul3A_1818 : i32
      %add3A_1820 = arith.constant 3 : i32
      %add3A_1821 = arith.addi %mul3A_1819, %add3A_1820 : i32
      %mul3A_1822 = arith.constant 2 : i32
      %mul3A_1823 = arith.muli %add3A_1821, %mul3A_1822 : i32
      %add3A_1824 = arith.constant 1 : i32
      %add3A_1825 = arith.addi %mul3A_1823, %add3A_1824 : i32
      %swap3A_1826 = arith.index_cast %add3A_1825 : i32 to index
      %swap3A_1827 = arith.constant 96 : index
      %swap3A_1828 = tpu.vector_load %arg8[%swap3A_1826, %swap3A_1827] {strides = array<i32>} : memref<64x128xf32, #tpu.memory_space<vmem>>, vector<16xf32>,
      tpu.vector_store %arg8[%swap3A_1826, %swap3A_1827], %gather3A_1817 {strides = array<i32>} : memref<64x128xf32, #tpu.memory_space<vmem>>, vector<16xf32>,
      %get3A_1829 = arith.constant 240 : index
      %get3A_1830 = tpu.vector_load %arg5[%get3A_1829] {strides = array<i32>} : memref<256xi32, #tpu.memory_space<vmem>>, vector<16xi32>,
      %gather3A_1831 = tpu.vector_load_idx %arg7[%broadcast_in_dim3A_1618, %get3A_1830] : memref<4x8000xf32, #tpu.memory_space<vmem>>[vector<16xi32>, vector<16xi32>], vector<16xf32>,
      %mul3A_1832 = arith.constant 4 : i32
      %mul3A_1833 = arith.muli %add3A_934, %mul3A_1832 : i32
      %add3A_1834 = arith.constant 3 : i32
      %add3A_1835 = arith.addi %mul3A_1833, %add3A_1834 : i32
      %mul3A_1836 = arith.constant 2 : i32
      %mul3A_1837 = arith.muli %add3A_1835, %mul3A_1836 : i32
      %add3A_1838 = arith.constant 1 : i32
      %add3A_1839 = arith.addi %mul3A_1837, %add3A_1838 : i32
      %swap3A_1840 = arith.index_cast %add3A_1839 : i32 to index
      %swap3A_1841 = arith.constant 112 : index
      %swap3A_1842 = tpu.vector_load %arg8[%swap3A_1840, %swap3A_1841] {strides = array<i32>} : memref<64x128xf32, #tpu.memory_space<vmem>>, vector<16xf32>,
      tpu.vector_store %arg8[%swap3A_1840, %swap3A_1841], %gather3A_1831 {strides = array<i32>} : memref<64x128xf32, #tpu.memory_space<vmem>>, vector<16xf32>,
      %add3A_1843 = arith.constant 2 : i32
      %add3A_1844 = arith.addi %add3A_934, %add3A_1843 : i32
      %lt3A_1845 = arith.constant 8 : i32
      %lt3A_1846 = arith.cmpi slt, %add3A_1844, %lt3A_1845 : i32
      %convert_element_type3A_1847 = arith.extui %lt3A_1846 : i1 to i32
      %cond3A_1848 = arith.constant 0 : i32
      %cond3A_1849 = arith.cmpi ne, %convert_element_type3A_1847, %cond3A_1848 : i32
      scf.if %cond3A_1849 {
        %add3A_1850 = arith.constant 2 : i32
        %add3A_1851 = arith.addi %add3A_934, %add3A_1850 : i32
        %mul3A_1852 = arith.constant 4 : i32
        %mul3A_1853 = arith.muli %add3A_1851, %mul3A_1852 : i32
        %add3A_1854 = arith.addi %mul3A_2, %mul3A_1853 : i32
        %dma_start3A_1855 = arith.constant 0 : i32
        %dma_start3A_1856 = tpu.memref_slice %arg2[%add3A_1854, %dma_start3A_1855] : memref<1024x8000xf32, #tpu.memory_space<hbm>> -> memref<4x8000xf32, #tpu.memory_space<hbm>>
        %dma_start3A_1857 = arith.constant 0 : i32
        %dma_start3A_1858 = tpu.memref_slice %arg2[%add3A_1854, %dma_start3A_1857] : memref<1024x8000xf32, #tpu.memory_space<hbm>> -> memref<4x8000xf32, #tpu.memory_space<hbm>>
        tpu.enqueue_dma source(%dma_start3A_1858 : memref<4x8000xf32, #tpu.memory_space<hbm>>) target(%arg7 : memref<4x8000xf32, #tpu.memory_space<vmem>>) target_semaphore(%arg10 : memref<!tpu.dma_semaphore, #tpu.memory_space<semaphore_mem>>)
      } else {
      }
    }
    %scan3A_16 = arith.constant 4 : i32
    %mul3A_17 = arith.constant 64 : i32
    %mul3A_18 = arith.muli %add3A, %mul3A_17 : i32
    "tpu.region"() ({
      %run_scoped3A = tpu.sem_alloc : memref<!tpu.dma_semaphore, #tpu.memory_space<semaphore_mem>>
      %dma_start3A_19 = arith.constant 0 : i32
      %dma_start3A_20 = tpu.memref_slice %arg4[%mul3A_18, %dma_start3A_19] : memref<2048x128xf32, #tpu.memory_space<hbm>> -> memref<64x128xf32, #tpu.memory_space<hbm>>
      %dma_start3A_21 = arith.constant 0 : i32
      %dma_start3A_22 = tpu.memref_slice %arg4[%mul3A_18, %dma_start3A_21] : memref<2048x128xf32, #tpu.memory_space<hbm>> -> memref<64x128xf32, #tpu.memory_space<hbm>>
      tpu.enqueue_dma source(%arg8 : memref<64x128xf32, #tpu.memory_space<vmem>>) target(%dma_start3A_22 : memref<64x128xf32, #tpu.memory_space<hbm>>) target_semaphore(%run_scoped3A : memref<!tpu.dma_semaphore, #tpu.memory_space<semaphore_mem>>)
      %dma_wait3A = arith.constant 0 : i32
      %dma_wait3A_23 = tpu.memref_slice %arg4[%mul3A_18, %dma_wait3A] : memref<2048x128xf32, #tpu.memory_space<hbm>> -> memref<64x128xf32, #tpu.memory_space<hbm>>
      %dma_wait3A_24 = arith.constant 0 : i32
      %dma_wait3A_25 = tpu.memref_slice %arg4[%mul3A_18, %dma_wait3A_24] : memref<2048x128xf32, #tpu.memory_space<hbm>> -> memref<64x128xf32, #tpu.memory_space<hbm>>
      tpu.wait_dma2 semaphore(%run_scoped3A : memref<!tpu.dma_semaphore, #tpu.memory_space<semaphore_mem>>) src(%arg8 : memref<64x128xf32, #tpu.memory_space<vmem>>) dst(%dma_wait3A_25 : memref<64x128xf32, #tpu.memory_space<hbm>>)
      tpu.yield
    }) : () -> ()
    return
  }
}

module attributes {stable_mosaic.version = 14 : i64} {
  func.func @_lse_body(%arg0: i32, %arg1: memref<128x8000xf32, #tpu.memory_space<vmem>>, %arg2: memref<128x1xf32, #tpu.memory_space<vmem>>, %arg3: memref<128x1xf32, #tpu.memory_space<vmem>>) attributes {dimension_semantics = [#tpu.dimension_semantics<arbitrary>], iteration_bounds = array<i64: 8>, scalar_prefetch = 0 : i64, scratch_operands = 0 : i64, tpu.core_type = #tpu.core_type<tc>, window_params = [{transform_indices = @transform_0, window_bounds = array<i64: 128, 8000>}, {transform_indices = @transform_1, window_bounds = array<i64: 128, 1>}, {transform_indices = @transform_2, window_bounds = array<i64: 128, 1>}]} {
    %get3A = arith.constant 0 : index
    %get3A_0 = arith.constant 0 : index
    %get3A_1 = vector.load %arg1[%get3A, %get3A_0] : memref<128x8000xf32, #tpu.memory_space<vmem>>, vector<128x8000xf32>
    %reduce_max3A = arith.constant dense<0xFF800000> : vector<128xf32>
    %reduce_max3A_2 = vector.multi_reduction <maximumf>, %get3A_1, %reduce_max3A [1] : vector<128x8000xf32> to vector<128xf32>
    %broadcast_in_dim3A = vector.shape_cast %reduce_max3A_2 : vector<128xf32> to vector<128x1xf32>
    %sub3A = vector.broadcast %broadcast_in_dim3A : vector<128x1xf32> to vector<128x8000xf32>
    %sub3A_3 = arith.subf %get3A_1, %sub3A : vector<128x8000xf32>
    %exp3A = math.exp %sub3A_3 : vector<128x8000xf32>
    %reduce_sum3A = arith.constant dense<0.000000e+00> : vector<128xf32>
    %reduce_sum3A_4 = vector.multi_reduction <add>, %exp3A, %reduce_sum3A [1] : vector<128x8000xf32> to vector<128xf32>
    %broadcast_in_dim3A_5 = vector.shape_cast %reduce_sum3A_4 : vector<128xf32> to vector<128x1xf32>
    %log3A = math.log %broadcast_in_dim3A_5 : vector<128x1xf32>
    %add3A = arith.addf %broadcast_in_dim3A, %log3A : vector<128x1xf32>
    %swap3A = arith.constant 0 : index
    %swap3A_6 = arith.constant 0 : index
    %swap3A_7 = vector.load %arg2[%swap3A, %swap3A_6] : memref<128x1xf32, #tpu.memory_space<vmem>>, vector<128x1xf32>
    tpu.vector_store %arg2[%swap3A, %swap3A_6], %add3A {strides = array<i32>} : memref<128x1xf32, #tpu.memory_space<vmem>>, vector<128x1xf32>,
    %slice3A = vector.extract_strided_slice %get3A_1 {offsets = [0, 7999], sizes = [128, 1], strides = [1, 1]} : vector<128x8000xf32> to vector<128x1xf32>
    %swap3A_8 = arith.constant 0 : index
    %swap3A_9 = arith.constant 0 : index
    %swap3A_10 = vector.load %arg3[%swap3A_8, %swap3A_9] : memref<128x1xf32, #tpu.memory_space<vmem>>, vector<128x1xf32>
    tpu.vector_store %arg3[%swap3A_8, %swap3A_9], %slice3A {strides = array<i32>} : memref<128x1xf32, #tpu.memory_space<vmem>>, vector<128x1xf32>,
    return
  }
  func.func @transform_0(%arg0: i32) -> (i32, i32) {
    %c0_i32 = arith.constant 0 : i32
    %c0_i32_0 = arith.constant 0 : i32
    return %arg0, %c0_i32 : i32, i32
  }
  func.func @transform_1(%arg0: i32) -> (i32, i32) {
    %c0_i32 = arith.constant 0 : i32
    %c0_i32_0 = arith.constant 0 : i32
    return %arg0, %c0_i32 : i32, i32
  }
  func.func @transform_2(%arg0: i32) -> (i32, i32) {
    %c0_i32 = arith.constant 0 : i32
    %c0_i32_0 = arith.constant 0 : i32
    return %arg0, %c0_i32 : i32, i32
  }
}

module attributes {stable_mosaic.version = 14 : i64} {
  func.func @_combine_body(%arg0: memref<1024x256xf32, #tpu.memory_space<vmem>>, %arg1: memref<1024x1xf32, #tpu.memory_space<vmem>>, %arg2: memref<1024x1xf32, #tpu.memory_space<vmem>>, %arg3: memref<1x256xi32, #tpu.memory_space<vmem>>, %arg4: memref<1x256xf32, #tpu.memory_space<vmem>>) attributes {dimension_semantics = [], scalar_prefetch = 0 : i64, scratch_operands = 0 : i64, tpu.core_type = #tpu.core_type<tc>} {
    %get3A = arith.constant 0 : index
    %get3A_0 = arith.constant 0 : index
    %get3A_1 = vector.load %arg1[%get3A, %get3A_0] : memref<1024x1xf32, #tpu.memory_space<vmem>>, vector<1024x1xf32>
    %get3A_2 = arith.constant 0 : index
    %get3A_3 = arith.constant 0 : index
    %get3A_4 = vector.load %arg2[%get3A_2, %get3A_3] : memref<1024x1xf32, #tpu.memory_space<vmem>>, vector<1024x1xf32>
    %sub3A = arith.subf %get3A_4, %get3A_1 : vector<1024x1xf32>
    %broadcast_in_dim3A = vector.shape_cast %sub3A : vector<1024x1xf32> to vector<1024x1xf32>
    %broadcast_in_dim3A_5 = vector.broadcast %broadcast_in_dim3A : vector<1024x1xf32> to vector<1024x256xf32>
    %iota3A = tpu.iota {dimensions = array<i32: 0>} : vector<1024x1024xi32>
    %iota3A_6 = tpu.iota {dimensions = array<i32: 1>} : vector<1024x1024xi32>
    %lt3A = arith.cmpi slt, %iota3A_6, %iota3A : vector<1024x1024xi32>
    %jit3A = arith.constant 1.000000e+00 : f32
    %jit3A_7 = arith.constant 0.000000e+00 : f32
    %broadcast_in_dim3A_8 = vector.broadcast %jit3A : f32 to vector<1024x1024xf32>
    %broadcast_in_dim3A_9 = vector.broadcast %jit3A_7 : f32 to vector<1024x1024xf32>
    %select_n3A = arith.select %lt3A, %broadcast_in_dim3A_8, %broadcast_in_dim3A_9 : vector<1024x1024xi1>, vector<1024x1024xf32>
    %dot_general3A = arith.constant dense<0.000000e+00> : vector<1024x256xf32>
    %dot_general3A_10 = tpu.matmul %select_n3A, %broadcast_in_dim3A_5, %dot_general3A {dimension_numbers = #tpu.dot_dimension_numbers<[1], [0], [0], [1], [0, 0, 1, 1], [], []>, transpose_lhs_hint = false} : vector<1024x1024xf32>, vector<1024x256xf32>, vector<1024x256xf32> -> vector<1024x256xf32>
    %max3A = arith.constant -1.000000e+10 : f32
    %max3A_11 = vector.broadcast %max3A : f32 to vector<1024x256xf32>
    %max3A_12 = arith.maximumf %dot_general3A_10, %max3A_11 : vector<1024x256xf32>
    %sub3A_13 = arith.constant -1.000000e+10 : f32
    %sub3A_14 = vector.broadcast %sub3A_13 : f32 to vector<1024x256xf32>
    %sub3A_15 = arith.subf %dot_general3A_10, %sub3A_14 : vector<1024x256xf32>
    %abs3A = math.absf %sub3A_15 : vector<1024x256xf32>
    %neg3A = arith.constant 0.000000e+00 : f32
    %neg3A_16 = vector.broadcast %neg3A : f32 to vector<1024x256xf32>
    %neg3A_17 = arith.subf %neg3A_16, %abs3A : vector<1024x256xf32>
    %exp3A = math.exp %neg3A_17 : vector<1024x256xf32>
    %add3A = arith.constant 1.000000e+00 : f32
    %add3A_18 = vector.broadcast %add3A : f32 to vector<1024x256xf32>
    %add3A_19 = arith.addf %add3A_18, %exp3A : vector<1024x256xf32>
    %log3A = math.log %add3A_19 : vector<1024x256xf32>
    %add3A_20 = arith.addf %max3A_12, %log3A : vector<1024x256xf32>
    %broadcast_in_dim3A_21 = vector.shape_cast %get3A_1 : vector<1024x1xf32> to vector<1024x1xf32>
    %broadcast_in_dim3A_22 = vector.broadcast %broadcast_in_dim3A_21 : vector<1024x1xf32> to vector<1024x256xf32>
    %sub3A_23 = arith.subf %add3A_20, %broadcast_in_dim3A_22 : vector<1024x256xf32>
    %get3A_24 = arith.constant 0 : index
    %get3A_25 = arith.constant 0 : index
    %get3A_26 = vector.load %arg0[%get3A_24, %get3A_25] : memref<1024x256xf32, #tpu.memory_space<vmem>>, vector<1024x256xf32>
    %add3A_27 = arith.addf %sub3A_23, %get3A_26 : vector<1024x256xf32>
    %iota3A_28 = tpu.iota {dimensions = array<i32: 0>} : vector<1024x256xi32>
    %ge3A = arith.constant 9 : i32
    %ge3A_29 = vector.broadcast %ge3A : i32 to vector<1024x256xi32>
    %ge3A_30 = arith.cmpi sge, %iota3A_28, %ge3A_29 : vector<1024x256xi32>
    %jit3A_31 = arith.constant -1.000000e+10 : f32
    %broadcast_in_dim3A_32 = vector.broadcast %jit3A_31 : f32 to vector<1024x256xf32>
    %select_n3A_33 = arith.select %ge3A_30, %add3A_27, %broadcast_in_dim3A_32 : vector<1024x256xi1>, vector<1024x256xf32>
    %reduce_max3A = arith.constant dense<0xFF800000> : vector<256xf32>
    %reduce_max3A_34 = vector.multi_reduction <maximumf>, %select_n3A_33, %reduce_max3A [0] : vector<1024x256xf32> to vector<256xf32>
    %broadcast_in_dim3A_35 = vector.shape_cast %reduce_max3A_34 : vector<256xf32> to vector<1x256xf32>
    %sub3A_36 = vector.broadcast %broadcast_in_dim3A_35 : vector<1x256xf32> to vector<1024x256xf32>
    %sub3A_37 = arith.subf %select_n3A_33, %sub3A_36 : vector<1024x256xf32>
    %exp3A_38 = math.exp %sub3A_37 : vector<1024x256xf32>
    %reduce_sum3A = arith.constant dense<0.000000e+00> : vector<256xf32>
    %reduce_sum3A_39 = vector.multi_reduction <add>, %exp3A_38, %reduce_sum3A [0] : vector<1024x256xf32> to vector<256xf32>
    %broadcast_in_dim3A_40 = vector.shape_cast %reduce_sum3A_39 : vector<256xf32> to vector<1x256xf32>
    %log3A_41 = math.log %broadcast_in_dim3A_40 : vector<1x256xf32>
    %add3A_42 = arith.addf %broadcast_in_dim3A_35, %log3A_41 : vector<1x256xf32>
    %reduce_sum3A_43 = vector.shape_cast %sub3A : vector<1024x1xf32> to vector<1x1024x1xf32>
    %reduce_sum3A_44 = arith.constant dense<0.000000e+00> : vector<1xf32>
    %reduce_sum3A_45 = vector.multi_reduction <add>, %reduce_sum3A_43, %reduce_sum3A_44 [1, 2] : vector<1x1024x1xf32> to vector<1xf32>
    %reduce_sum3A_46 = vector.shape_cast %reduce_sum3A_45 : vector<1xf32> to vector<1x1x1xf32>
    %reduce_sum3A_47 = vector.extract %reduce_sum3A_46[0, 0, 0] : f32 from vector<1x1x1xf32>
    %max3A_48 = arith.constant -1.000000e+10 : f32
    %max3A_49 = arith.maximumf %reduce_sum3A_47, %max3A_48 : f32
    %sub3A_50 = arith.constant -1.000000e+10 : f32
    %sub3A_51 = arith.subf %reduce_sum3A_47, %sub3A_50 : f32
    %abs3A_52 = math.absf %sub3A_51 : f32
    %neg3A_53 = arith.constant 0.000000e+00 : f32
    %neg3A_54 = arith.subf %neg3A_53, %abs3A_52 : f32
    %exp3A_55 = math.exp %neg3A_54 : f32
    %add3A_56 = arith.constant 1.000000e+00 : f32
    %add3A_57 = arith.addf %add3A_56, %exp3A_55 : f32
    %log3A_58 = math.log %add3A_57 : f32
    %add3A_59 = arith.addf %max3A_49, %log3A_58 : f32
    %get3A_60 = arith.constant 0 : index
    %get3A_61 = arith.constant 0 : index
    %get3A_62 = vector.load %arg3[%get3A_60, %get3A_61] : memref<1x256xi32, #tpu.memory_space<vmem>>, vector<1x256xi32>
    %eq3A = arith.constant 1 : i32
    %eq3A_63 = vector.broadcast %eq3A : i32 to vector<1x256xi32>
    %eq3A_64 = arith.cmpi eq, %get3A_62, %eq3A_63 : vector<1x256xi32>
    %broadcast_in_dim3A_65 = vector.broadcast %add3A_59 : f32 to vector<1x256xf32>
    %select_n3A_66 = arith.select %eq3A_64, %broadcast_in_dim3A_65, %add3A_42 : vector<1x256xi1>, vector<1x256xf32>
    %swap3A = arith.constant 0 : index
    %swap3A_67 = arith.constant 0 : index
    %swap3A_68 = vector.load %arg4[%swap3A, %swap3A_67] : memref<1x256xf32, #tpu.memory_space<vmem>>, vector<1x256xf32>
    tpu.vector_store %arg4[%swap3A, %swap3A_67], %select_n3A_66 {strides = array<i32>} : memref<1x256xf32, #tpu.memory_space<vmem>>, vector<1x256xf32>,
    return
  }
}

</mosaic_0001>

<sc_bundles>
// kernel: kernel.5.cloned.1.call-start
scs
__scs_entry_jumppad:
0x0: {  	(pc) =	sbr.rel $0x88, $3  }
0x1: {  	(tag) =	ssettag $0x0;
	lr =	simm.s32 $0x1  }
0x2: {  	[smem:$0x3F9F] =	sst lr;
	_ =	strace $0xD0000000  }
0x3: {  	_ = 	snop  }
0x4: {  	_ = 	snop  }
0x5: {  	_ = 	snop  }
0x6: {  	_ = 	snop  }
0x7: {  	_ = 	snop  }
__scs_overlays_trampoline_lowered:
0x8: {  	[smem:$0x3FAE] =	sst s0  }
0x9: {  	[smem:$0x3FAF] =	sst s1  }
0xa: {  	[smem:$0x3FB0] =	sst s2  }
0xb: {  	[smem:$0x3FB1] =	sst s3  }
0xc: {  	[smem:$0x3FB2] =	sst s4  }
0xd: {  	[smem:$0x3FB3] =	sst s5  }
0xe: {  	[smem:$0x3FB4] =	sst s6  }
0xf: {  	[smem:$0x3FB5] =	sst s7  }
0x10: {  	[smem:$0x3FB6] =	sst s8  }
0x11: {  	[smem:$0x3FB7] =	sst s9;
	s0 =	simm.s32 @!p0 $0x0  }
0x12: {  	s1 =	sld [smem:$0x3F9D];
	s0 =	simm.s32 @p0 $0x1  }
0x13: {  	[smem:$0x3FB8] =	sst s0;
	s0 =	simm.s32 @!p1 $0x0  }
0x14: {  	s2 =	sld [smem:$0x3F9C];
	s0 =	simm.s32 @p1 $0x1  }
0x15: {  	[smem:$0x3FB9] =	sst s0;
	s0 =	simm.s32 @!p2 $0x0  }
0x16: {  	s3 =	sld [smem:$0x3FDB];
	s0 =	simm.s32 @p2 $0x1  }
0x17: {  	s4 =	simm.s32 $0x1BF5;
	[smem:$0x3FBB] =	sst s0  }
0x18: {  	s0 =	sld [smem:$0x3F9E];
	_ =	swait.ge [sflag:s4], $0x0  }
0x19: {  	s7 =	sld [smem:$0x3F9F]  }
0x1a: {  	s8 =	sadd.s32 $0xFFFFE003, lr  }
0x1b: {  	s9 =	sadd.s32 $0xFFFFFEF7, lr;
	s5 =	simm.s32 $0xFFFFFFFF;
	p2 =	slt.u32 s8, $0xFFFFF086  }
0x1c: {  	p1 =	slt.u32 s9, $0xF7A;
	s5 =	simm.s32 @!p2 $0x0  }
0x1d: {  	s5 =	simm.s32 @p1 $0x1;
	p0 =	seq.s32 s7, s2  }
0x1e: {  	s7 =	smul.u32 @!p0 $0xF7A, s2;
	p2 =	seq.s32 @!p0 s5, $0x0  }
0x1f: {  	s9 =	smul.u32 $0xF7A, s1;
	s8 =	simm.s32 @!p0 $0x1BF5;
	p2 =	por !p2, p0  }
0x20: {  	[sflag:s8] =	ssyncset.s32 @!p0 $0xFFFFF086;
	s6 =	sadd.s32 @!p0 s3, s7;
	s7 =	simm.s32 @!p0 $0x108  }
0x21: {  	s3 =	sadd.s32 s3, s9;
	s6 =	sadd.s32 @!p0 $0x88, s6;
	s7 =	simm.s32 @p2 $0x1082  }
0x22: {  	[simem:s7], [sflag:s8] =	dma.local @!p0 [hbm:s6], $0xF7A  }
0x23: {  	s9 =	sor.u32 $0xD0000000, s2;
	s6 =	simm.s32 $0x108;
	_ =	swait.ge @!p0 [sflag:s8], $0x0  }
0x24: {  	s3 =	sadd.s32 $0x88, s3;
	s6 =	simm.s32 @!p1 $0x1082;
	[sflag:s4] =	ssyncset.s32 $0xFFFFF086  }
0x25: {  	[simem:s6], [sflag:s4] =	dma.local [hbm:s3], $0xF7A  }
0x26: {  	[smem:$0x3F9F] =	sst s1;
	(tag) =	ssettag s2;
	_ =	strace s9  }
0x27: {  	s1 =	sld [smem:$0x3FAF]  }
0x28: {  	s2 =	sld [smem:$0x3FB0]  }
0x29: {  	s4 =	sld [smem:$0x3FB2]  }
0x2a: {  	p0 =	seq.s32 s5, $0x0;
	s5 =	sld [smem:$0x3FB3]  }
0x2b: {  	s6 =	sld [smem:$0x3FB4]  }
0x2c: {  	s7 =	sld [smem:$0x3FB5]  }
0x2d: {  	s3 =	simm.s32 $0x108;
	s8 =	sld [smem:$0x3FB6]  }
0x2e: {  	s3 =	simm.s32 @!p0 $0x1082;
	s9 =	sld [smem:$0x3FB7]  }
0x2f: {  	lr =	sadd.s32 s0, s3;
	s0 =	sld [smem:$0x3FAE]  }
0x30: {  	s3 =	sld [smem:$0x3FB1]  }
0x31: {  	[smem:$0x3FBA] =	sst s10  }
0x32: {  	s10 =	sld [smem:$0x3FB8];
	_ =	sdelay $0x3  }
0x33: {  	p0 =	seq.s32 s10, $0x1;
	s10 =	sld [smem:$0x3FBA];
	_ =	sdelay $0x3  }
0x34: {  	[smem:$0x3FBA] =	sst s10  }
0x35: {  	s10 =	sld [smem:$0x3FB9];
	_ =	sdelay $0x3  }
0x36: {  	p1 =	seq.s32 s10, $0x1;
	s10 =	sld [smem:$0x3FBA];
	_ =	sdelay $0x3  }
0x37: {  	[smem:$0x3FBA] =	sst s10  }
0x38: {  	s10 =	sld [smem:$0x3FBB]  }
0x39: {  	_ = 	snop;
	(pc) =	sbr.ind lr, $3  }
0x3a: {  	_ = 	snop  }
0x3b: {  	_ = 	snop  }
0x3c: {  	p2 =	seq.s32 s10, $0x1;
	s10 =	sld [smem:$0x3FBA]  }
0x3d: {  	_ =	shalt  }
0x3e: {  	_ =	shalt  }
0x3f: {  	_ =	shalt  }
0x40: {  	_ =	shalt  }
0x41: {  	_ =	shalt  }
0x42: {  	_ =	shalt  }
0x43: {  	_ =	shalt  }
0x44: {  	_ =	shalt  }
0x45: {  	_ =	shalt  }
0x46: {  	_ =	shalt  }
0x47: {  	_ =	shalt  }
0x48: {  	_ =	shalt  }
0x49: {  	_ =	shalt  }
0x4a: {  	_ =	shalt  }
0x4b: {  	_ =	shalt  }
0x4c: {  	_ =	shalt  }
0x4d: {  	_ =	shalt  }
0x4e: {  	_ =	shalt  }
0x4f: {  	_ =	shalt  }
0x50: {  	_ =	shalt  }
0x51: {  	_ =	shalt  }
0x52: {  	_ =	shalt  }
0x53: {  	_ =	shalt  }
0x54: {  	_ =	shalt  }
0x55: {  	_ =	shalt  }
0x56: {  	_ =	shalt  }
0x57: {  	_ =	shalt  }
0x58: {  	_ =	shalt  }
0x59: {  	_ =	shalt  }
0x5a: {  	_ =	shalt  }
0x5b: {  	_ =	shalt  }
0x5c: {  	_ =	shalt  }
0x5d: {  	_ =	shalt  }
0x5e: {  	_ =	shalt  }
0x5f: {  	_ =	shalt  }
0x60: {  	_ =	shalt  }
0x61: {  	_ =	shalt  }
0x62: {  	_ =	shalt  }
0x63: {  	_ =	shalt  }
0x64: {  	_ =	shalt  }
0x65: {  	_ =	shalt  }
0x66: {  	_ =	shalt  }
0x67: {  	_ =	shalt  }
0x68: {  	_ =	shalt  }
0x69: {  	_ =	shalt  }
0x6a: {  	_ =	shalt  }
0x6b: {  	_ =	shalt  }
0x6c: {  	_ =	shalt  }
0x6d: {  	_ =	shalt  }
0x6e: {  	_ =	shalt  }
0x6f: {  	_ =	shalt  }
0x70: {  	_ =	shalt  }
0x71: {  	_ =	shalt  }
0x72: {  	_ =	shalt  }
0x73: {  	_ =	shalt  }
0x74: {  	_ =	shalt  }
0x75: {  	_ =	shalt  }
0x76: {  	_ =	shalt  }
0x77: {  	_ =	shalt  }
0x78: {  	_ =	shalt  }
0x79: {  	_ =	shalt  }
0x7a: {  	_ =	shalt  }
0x7b: {  	_ =	shalt  }
0x7c: {  	_ =	shalt  }
0x7d: {  	_ =	shalt  }
0x7e: {  	_ =	shalt  }
0x7f: {  	_ =	shalt  }
0x80: {  	_ =	shalt  }
0x81: {  	_ =	shalt  }
0x82: {  	_ =	shalt  }
0x83: {  	_ =	shalt  }
0x84: {  	_ =	shalt  }
0x85: {  	_ =	shalt  }
0x86: {  	_ =	shalt  }
0x87: {  	_ =	shalt  }
.Lfunc_end0:
.L_simem_size_0:
called_computation_lowered:
.L_overlay_start_0:
0x88: {  	s2 =	sld [smem:$0x3FD9]  }
0x89: {  	s3 =	sld [smem:$0x3FFE];
	_ =	sdelay $0x1  }
0x8a: {  	s1 =	srdreg.scid  }
0x8b: {  	s0 =	sand.u32 $0x1, s1  }
0x8c: {  	s17 =	sshll.u32 s0, $0xA;
	s2 =	sadd.s32 s3, s2  }
0x8d: {  	s2 =	sadd.s32 s2, s17  }
0x8e: {  	[smem:$0x3FC6] =	sst s2  }
0x8f: {  	_ = 	snop  }
0x90: {  	s2 =	sld [smem:$0x3FC8];
	(tm) =	ssettm $0x1  }
0x91: {  	s18 =	sld [smem:$0x3FFB];
	_ =	sdelay $0x3  }
0x92: {  	_ =	strace s18  }
0x93: {  	s3 =	sld [smem:$0x3FFC];
	_ =	sdelay $0x3  }
0x94: {  	_ =	strace s3  }
0x95: {  	s3 =	sld [smem:$0x3FFD];
	_ =	sdelay $0x3  }
0x96: {  	_ =	strace s3  }
0x97: {  	_ =	strace $0x8FFFFFFF  }
0x98: {  	s19 =	sld [smem:$0x3FDB];
	_ =	sdelay $0x1  }
0x99: {  	s4 =	simm.s32 $_scs_section_size  }
0x9a: {  	s5 =	simm.s32 $_size__tile_overlayer_lowered;
	s6 =	simm.s32 $_tile_overlayer_lowered  }
0x9b: {  	s22 =	simm.s32 $0x1BFF;
	s21 =	sshll.u32 s6, $0x1;
	s3 =	sadd.s32 s4, s19  }
0x9c: {  	s7 =	simm.s32 $0x0;
	s20 =	sshll.u32 s5, $0x1;
	s5 =	sadd.s32 s21, s3  }
0x9d: {  	[timem:s7], [sflag:s22] =	dma.local [hbm:s5], s20  }
0x9e: {  	_ =	swait.ge [sflag:s22], s20  }
0x9f: {  	s4 =	ssub.s32 $0x0, s20;
	[sflag:s22] =	ssyncset.done $0x0  }
0xa0: {  	[sflag:s22] =	ssyncadd.s32 s4;
	_ =	sdelay $0x1  }
0xa1: {  	s23 =	simm.s32 $0x1B8B  }
0xa2: {  	_ =	swait.ge [sflag:s23], $0x1  }
0xa3: {  	[sflag:s23] =	ssyncset.done $0x0  }
0xa4: {  	s25 =	simm.s32 $0x1B8E;
	s24 =	sld [smem:$0x3FFE];
	[sflag:s23] =	ssyncadd.s32 $0xFFFFFFFF  }
0xa5: {  	s26 =	simm.s32 $execute0_lowered;
	[smem:$0x3FD2] =	sst s25  }
0xa6: {  	s5 =	sshll.u32 s26, $0x1;
	_ =	strace $0x80000046;
	[dreg:$0x1] =	wrdreg $0xFFFFFFFF  }
0xa7: {  	s28 =	simm.s32 $_size_execute0_lowered;
	s3 =	sadd.s32 s3, s5;
	[dreg:$0x0] =	wrdreg $0x0  }
0xa8: {  	s5 =	sshll.u32 s28, $0x1;
	[dreg:$0x2] =	wrdreg s3  }
0xa9: {  	[dreg:$0x3] =	wrdreg s5  }
0xaa: {  	[dreg:$0x4] =	wrdreg $0xC0  }
0xab: {  	_ =	task [dreg:s7], $0x5FFFF  }
0xac: {  	[dreg:$0x1] =	wrdreg $0xFFFFFFFF  }
0xad: {  	[dreg:$0x0] =	wrdreg $0x60  }
0xae: {  	[dreg:$0x2] =	wrdreg s24  }
0xaf: {  	[dreg:$0x3] =	wrdreg s2  }
0xb0: {  	[dreg:$0x4] =	wrdreg $0x9  }
0xb1: {  	_ =	task.clear_ibuf [dreg:s7], $0x5FFFF;
	_ =	strace $0x90000046  }
0xb2: {  	s29 =	simm.s32 $0x9;
	_ =	strace $0x80000048  }
0xb3: {  	_ =	swait.ge [sflag:s29], $0x1  }
0xb4: {  	[sflag:s29] =	ssyncadd.s32 $0xFFFFFFFF  }
0xb5: {  	_ =	strace $0x90000048  }
0xb6: {  	_ =	sfence  }
0xb7: {  	s30 =	sld [smem:$0x0];
	_ =	sdelay $0x2  }
0xb8: {  	s31 =	sshll.u32 s1, $0xD;
	s1 =	sshrl.u32 s1, $0x2  }
0xb9: {  	s3 =	sand.u32 $0x4000, s31;
	s1 =	sadd.s32 s1, s30  }
0xba: {  	s0 =	sor.u32 s3, s0;
	s1 =	sshll.u32 s1, $0x11  }
0xbb: {  	s0 =	sor.u32 s1, s0  }
0xbc: {  	s0 =	sadd.s32 $0x8F2B, s0  }
0xbd: {  	[sflag:s0] =	ssyncadd.remote.s32 $0x1  }
0xbe: {  	_ =	sfence.sel $0xFFFF  }
0xbf: {  	[dreg:$0x0] =	wrdreg $0xFFFFFFFF;
	(pc) =	sbr.abs _section_cstart, $3  }
0xc0: {  	[dreg:$0x1] =	wrdreg $0xFFFFFFFF  }
0xc1: {  	_ =	task.clear_ibuf [dreg:s7], $0x2FFFF;
	_ =	strace $0x9FFFFFFF  }
0xc2: {  	(tm) =	ssettm $0x7FFFFFFF  }
0xc3: {  	_ =	shalt  }
tec
execute0_lowered:
.L_overlay_start_1:
0x0: {  	(tag) =	ssettag $0x1  }
0x1: {  	s4 =	rddreg [dreg:$0x0]  }
0x2: {  	s2 =	rddreg [dreg:$0x1]  }
0x3: {  	s0 =	rddreg [dreg:$0x2]  }
0x4: {  	s3 =	simm.s32 $0x0;
	s5 =	srdreg.scid;
	s1 =	stileid.u32  }
0x5: {  	s13 =	simm.s32 $0x7F00;
	s14 =	simm.s32 $0x1;
	s15 =	simm.s32 $0x2  }
0x6: {  	s16 =	simm.s32 $0xFD00;
	s17 =	simm.s32 $0x0;
	[smem:$0x7FF] =	sst s3  }
0x7: {  	s5 =	sand.u32 $0x1, s5;
	s6 =	sshll.u32 s1, $0x1;
	s10 =	smul.u32 $0xFC00, s1  }
0x8: {  	s7 =	sadd.s32 $0x400, s4;
	s6 =	sor.u32 s5, s6;
	s12 =	smul.u32 $0x7E00, s5  }
0x9: {  	s9 =	ssub.s32 $0x2, s5;
	s8 =	sshll.u32 s6, $0xA;
	s6 =	smul.u32 $0x7E00, s6  }
.Ltmp0:
0xa: {  	_ =	strace $0x80000047;
	s11 =	sshrl.u32 s9, $0x1;
	(pc) =	sbr.rel .LBB2_1-.Ltmp0, $4  }
0xb: {  	s10 =	sadd.s32 s10, s7;
	s8 =	sadd.s32 s8, s4;
	s9 =	ssub.s32 s9, s11  }
0xc: {  	s11 =	simm.s32 $0x400;
	s4 =	sadd.s32 s7, s6;
	s6 =	sadd.s32 $0xFC400, s8  }
0xd: {  	s7 =	smax.u32 s9, $0x1;
	s8 =	sadd.s32 s12, s10;
	s9 =	simm.s32 $0x3  }
0xe: {  	s10 =	simm.s32 $0x200;
	s12 =	simm.s32 $0x100;
	s5 =	sadd.s32 $0x40, s4  }
.LBB2_4:
0xf: {  	s17 =	sadd.s32 $0x1, s17  }
0x10: {  	p0 =	sne.s32 s17, s7  }
.Ltmp1:
0x11: {  	_ = 	snop;
	(pc) =	sbr.rel @!p0 .LBB2_5-.Ltmp1, $4  }
0x12: {  	[hbm4b:s6+s3] =	stream.linear.scatter [tilespmem:s16], [sflag:$0x3], $0x2000, $0x38;
	[tilespmem:$0x11D00] =	vst v63  }
0x13: {  	_ =	swait.ge [sflag:s9], $0x2000  }
0x14: {  	[sflag:s9] =	ssyncset.done $0x0  }
0x15: {  	[sflag:s9] =	ssyncadd.s32 $0xFFFFE000  }
.LBB2_1:
0x16: {  	[tilespmem:s3], [sflag:$0x3] =	stream.linear.gather [hbm4b:s2+s3], $0x100, $0x38;
	[tilespmem:$0x11D00] =	vst v63  }
0x17: {  	_ =	swait.ge [sflag:s9], $0x100  }
0x18: {  	[sflag:s9] =	ssyncset.done $0x0  }
0x19: {  	[sflag:s9] =	ssyncadd.s32 $0xFFFFFF00  }
0x1a: {  	[tilespmem:s12], [sflag:$0x1] =	stream.strided.gather [hbm4b:s4+s10], $0x7E00, s11, s10, $0x38;
	[tilespmem:$0x11D00] =	vst v63  }
0x1b: {  	s18 =	simm.s32 $0xFFFFA180;
	s19 =	simm.s32 $0x10100  }
0x1c: {  	[tilespmem:s13], [sflag:$0x2] =	stream.strided.gather [hbm4b:s5+s10], $0x7E00, s11, s10, $0x38;
	[tilespmem:$0x11D00] =	vst v63  }
.LBB2_2:
0x1d: {  	_ =	swait.ge [sflag:s14], $0x7E00  }
0x1e: {  	[sflag:s14] =	ssyncset.done $0x0  }
0x1f: {  	[sflag:s14] =	ssyncadd.s32 $0xFFFF8200  }
0x20: {  	v0 =	vld [tilespmem:$0x0];
	_ =	sdelay $0x4  }
0x21: {  	v1 =	vshll.u32 v0, $0x2  }
0x22: {  	v0 =	vand.u32 $0x7F, v0;
	v1 =	vand.u32 $0xFFFFFE00, v1  }
0x23: {  	v0 =	vor.u32 v0, v1;
	_ =	sdelay $0x4  }
0x24: {  	v0 =	vld.idx.msk [tilespmem:v0+s12+$0x0], $0xffff;
	_ =	sdelay $0x4  }
0x25: {  	[tilespmem:s19+$0xFFFFFC00] =	vst v0  }
0x26: {  	v0 =	vld [tilespmem:$0x10];
	_ =	sdelay $0x4  }
0x27: {  	v56 =	vshll.u32 v0, $0x2  }
0x28: {  	v0 =	vand.u32 $0x7F, v0;
	v1 =	vand.u32 $0xFFFFFE00, v56  }
0x29: {  	v0 =	vor.u32 v0, v1;
	_ =	sdelay $0x4  }
0x2a: {  	v0 =	vld.idx.msk [tilespmem:v0+s12+$0x0], $0xffff;
	_ =	sdelay $0x4  }
0x2b: {  	[tilespmem:s19+$0xFFFFFC10] =	vst v0  }
0x2c: {  	v0 =	vld [tilespmem:$0x20];
	_ =	sdelay $0x4  }
0x2d: {  	v57 =	vshll.u32 v0, $0x2  }
0x2e: {  	v0 =	vand.u32 $0x7F, v0;
	v1 =	vand.u32 $0xFFFFFE00, v57  }
0x2f: {  	v0 =	vor.u32 v0, v1;
	_ =	sdelay $0x4  }
0x30: {  	v0 =	vld.idx.msk [tilespmem:v0+s12+$0x0], $0xffff;
	_ =	sdelay $0x4  }
0x31: {  	[tilespmem:s19+$0xFFFFFC20] =	vst v0  }
0x32: {  	v0 =	vld [tilespmem:$0x30];
	_ =	sdelay $0x4  }
0x33: {  	v58 =	vshll.u32 v0, $0x2  }
0x34: {  	v0 =	vand.u32 $0x7F, v0;
	v1 =	vand.u32 $0xFFFFFE00, v58  }
0x35: {  	v0 =	vor.u32 v0, v1;
	_ =	sdelay $0x4  }
0x36: {  	v0 =	vld.idx.msk [tilespmem:v0+s12+$0x0], $0xffff;
	_ =	sdelay $0x4  }
0x37: {  	[tilespmem:s19+$0xFFFFFC30] =	vst v0  }
0x38: {  	v0 =	vld [tilespmem:$0x40];
	_ =	sdelay $0x4  }
0x39: {  	v59 =	vshll.u32 v0, $0x2  }
0x3a: {  	v0 =	vand.u32 $0x7F, v0;
	v1 =	vand.u32 $0xFFFFFE00, v59  }
0x3b: {  	v0 =	vor.u32 v0, v1;
	_ =	sdelay $0x4  }
0x3c: {  	v0 =	vld.idx.msk [tilespmem:v0+s12+$0x0], $0xffff;
	_ =	sdelay $0x4  }
0x3d: {  	[tilespmem:s19+$0xFFFFFC40] =	vst v0  }
0x3e: {  	v0 =	vld [tilespmem:$0x50];
	_ =	sdelay $0x4  }
0x3f: {  	v60 =	vshll.u32 v0, $0x2  }
0x40: {  	v0 =	vand.u32 $0x7F, v0;
	v1 =	vand.u32 $0xFFFFFE00, v60  }
0x41: {  	v0 =	vor.u32 v0, v1;
	_ =	sdelay $0x4  }
0x42: {  	v0 =	vld.idx.msk [tilespmem:v0+s12+$0x0], $0xffff;
	_ =	sdelay $0x4  }
0x43: {  	[tilespmem:s19+$0xFFFFFC50] =	vst v0  }
0x44: {  	v0 =	vld [tilespmem:$0x60];
	_ =	sdelay $0x4  }
0x45: {  	v61 =	vshll.u32 v0, $0x2  }
0x46: {  	v0 =	vand.u32 $0x7F, v0;
	v1 =	vand.u32 $0xFFFFFE00, v61  }
0x47: {  	v0 =	vor.u32 v0, v1;
	_ =	sdelay $0x4  }
0x48: {  	v0 =	vld.idx.msk [tilespmem:v0+s12+$0x0], $0xffff;
	_ =	sdelay $0x4  }
0x49: {  	[tilespmem:s19+$0xFFFFFC60] =	vst v0  }
0x4a: {  	v0 =	vld [tilespmem:$0x70];
	_ =	sdelay $0x4  }
0x4b: {  	v62 =	vshll.u32 v0, $0x2  }
0x4c: {  	v0 =	vand.u32 $0x7F, v0;
	v1 =	vand.u32 $0xFFFFFE00, v62  }
0x4d: {  	v0 =	vor.u32 v0, v1;
	_ =	sdelay $0x4  }
0x4e: {  	v0 =	vld.idx.msk [tilespmem:v0+s12+$0x0], $0xffff;
	_ =	sdelay $0x4  }
0x4f: {  	[tilespmem:s19+$0xFFFFFC70] =	vst v0  }
0x50: {  	v0 =	vld [tilespmem:$0x80];
	_ =	sdelay $0x4  }
0x51: {  	v63 =	vshll.u32 v0, $0x2  }
0x52: {  	v0 =	vand.u32 $0x7F, v0;
	v1 =	vand.u32 $0xFFFFFE00, v63  }
0x53: {  	v0 =	vor.u32 v0, v1;
	_ =	sdelay $0x4  }
0x54: {  	v0 =	vld.idx.msk [tilespmem:v0+s12+$0x0], $0xffff;
	_ =	sdelay $0x4  }
0x55: {  	[tilespmem:s19+$0xFFFFFC80] =	vst v0  }
0x56: {  	v0 =	vld [tilespmem:$0x90];
	_ =	sdelay $0x4  }
0x57: {  	v4 =	vshll.u32 v0, $0x2  }
0x58: {  	v0 =	vand.u32 $0x7F, v0;
	v1 =	vand.u32 $0xFFFFFE00, v4  }
0x59: {  	v0 =	vor.u32 v0, v1;
	_ =	sdelay $0x4  }
0x5a: {  	v0 =	vld.idx.msk [tilespmem:v0+s12+$0x0], $0xffff;
	_ =	sdelay $0x4  }
0x5b: {  	[tilespmem:s19+$0xFFFFFC90] =	vst v0  }
0x5c: {  	v0 =	vld [tilespmem:$0xA0];
	_ =	sdelay $0x4  }
0x5d: {  	v5 =	vshll.u32 v0, $0x2  }
0x5e: {  	v0 =	vand.u32 $0x7F, v0;
	v1 =	vand.u32 $0xFFFFFE00, v5  }
0x5f: {  	v0 =	vor.u32 v0, v1;
	_ =	sdelay $0x4  }
0x60: {  	v0 =	vld.idx.msk [tilespmem:v0+s12+$0x0], $0xffff;
	_ =	sdelay $0x4  }
0x61: {  	[tilespmem:s19+$0xFFFFFCA0] =	vst v0  }
0x62: {  	v0 =	vld [tilespmem:$0xB0];
	_ =	sdelay $0x4  }
0x63: {  	v6 =	vshll.u32 v0, $0x2  }
0x64: {  	v0 =	vand.u32 $0x7F, v0;
	v1 =	vand.u32 $0xFFFFFE00, v6  }
0x65: {  	v0 =	vor.u32 v0, v1;
	_ =	sdelay $0x4  }
0x66: {  	v0 =	vld.idx.msk [tilespmem:v0+s12+$0x0], $0xffff;
	_ =	sdelay $0x4  }
0x67: {  	[tilespmem:s19+$0xFFFFFCB0] =	vst v0  }
0x68: {  	v0 =	vld [tilespmem:$0xC0];
	_ =	sdelay $0x4  }
0x69: {  	v7 =	vshll.u32 v0, $0x2  }
0x6a: {  	v0 =	vand.u32 $0x7F, v0;
	v1 =	vand.u32 $0xFFFFFE00, v7  }
0x6b: {  	v0 =	vor.u32 v0, v1;
	_ =	sdelay $0x4  }
0x6c: {  	v0 =	vld.idx.msk [tilespmem:v0+s12+$0x0], $0xffff;
	_ =	sdelay $0x4  }
0x6d: {  	[tilespmem:s19+$0xFFFFFCC0] =	vst v0  }
0x6e: {  	v0 =	vld [tilespmem:$0xD0];
	_ =	sdelay $0x4  }
0x6f: {  	v8 =	vshll.u32 v0, $0x2  }
0x70: {  	v0 =	vand.u32 $0x7F, v0;
	v1 =	vand.u32 $0xFFFFFE00, v8  }
0x71: {  	v0 =	vor.u32 v0, v1;
	_ =	sdelay $0x4  }
0x72: {  	v0 =	vld.idx.msk [tilespmem:v0+s12+$0x0], $0xffff;
	_ =	sdelay $0x4  }
0x73: {  	[tilespmem:s19+$0xFFFFFCD0] =	vst v0  }
0x74: {  	v0 =	vld [tilespmem:$0xE0];
	_ =	sdelay $0x4  }
0x75: {  	v9 =	vshll.u32 v0, $0x2  }
0x76: {  	v0 =	vand.u32 $0x7F, v0;
	v1 =	vand.u32 $0xFFFFFE00, v9  }
0x77: {  	v0 =	vor.u32 v0, v1;
	_ =	sdelay $0x4  }
0x78: {  	v0 =	vld.idx.msk [tilespmem:v0+s12+$0x0], $0xffff;
	_ =	sdelay $0x4  }
0x79: {  	[tilespmem:s19+$0xFFFFFCE0] =	vst v0  }
0x7a: {  	v0 =	vld [tilespmem:$0xF0];
	_ =	sdelay $0x4  }
0x7b: {  	v10 =	vshll.u32 v0, $0x2  }
0x7c: {  	v0 =	vand.u32 $0x7F, v0;
	v1 =	vand.u32 $0xFFFFFE00, v10  }
0x7d: {  	v0 =	vor.u32 v0, v1;
	_ =	sdelay $0x4  }
0x7e: {  	v0 =	vld.idx.msk [tilespmem:v0+s12+$0x0], $0xffff;
	_ =	sdelay $0x4  }
0x7f: {  	[tilespmem:s19+$0xFFFFFCF0] =	vst v0  }
0x80: {  	v0 =	vld [tilespmem:$0x0];
	_ =	sdelay $0x4  }
0x81: {  	v11 =	vshll.u32 v0, $0x2  }
0x82: {  	v0 =	vand.u32 $0x7F, v0;
	v1 =	vand.u32 $0xFFFFFE00, v11  }
0x83: {  	v0 =	vor.u32 v1, v0  }
0x84: {  	v0 =	vor.u32 $0x80, v0;
	_ =	sdelay $0x4  }
0x85: {  	v0 =	vld.idx.msk [tilespmem:v0+s12+$0x0], $0xffff;
	_ =	sdelay $0x4  }
0x86: {  	[tilespmem:s19+$0xFFFFFD00] =	vst v0  }
0x87: {  	v0 =	vld [tilespmem:$0x10];
	_ =	sdelay $0x4  }
0x88: {  	v12 =	vshll.u32 v0, $0x2  }
0x89: {  	v0 =	vand.u32 $0x7F, v0;
	v1 =	vand.u32 $0xFFFFFE00, v12  }
0x8a: {  	v0 =	vor.u32 v1, v0  }
0x8b: {  	v0 =	vor.u32 $0x80, v0;
	_ =	sdelay $0x4  }
0x8c: {  	v0 =	vld.idx.msk [tilespmem:v0+s12+$0x0], $0xffff;
	_ =	sdelay $0x4  }
0x8d: {  	[tilespmem:s19+$0xFFFFFD10] =	vst v0  }
0x8e: {  	v0 =	vld [tilespmem:$0x20];
	_ =	sdelay $0x4  }
0x8f: {  	v13 =	vshll.u32 v0, $0x2  }
0x90: {  	v0 =	vand.u32 $0x7F, v0;
	v1 =	vand.u32 $0xFFFFFE00, v13  }
0x91: {  	v0 =	vor.u32 v1, v0  }
0x92: {  	v0 =	vor.u32 $0x80, v0;
	_ =	sdelay $0x4  }
0x93: {  	v0 =	vld.idx.msk [tilespmem:v0+s12+$0x0], $0xffff;
	_ =	sdelay $0x4  }
0x94: {  	[tilespmem:s19+$0xFFFFFD20] =	vst v0  }
0x95: {  	v0 =	vld [tilespmem:$0x30];
	_ =	sdelay $0x4  }
0x96: {  	v14 =	vshll.u32 v0, $0x2  }
0x97: {  	v0 =	vand.u32 $0x7F, v0;
	v1 =	vand.u32 $0xFFFFFE00, v14  }
0x98: {  	v0 =	vor.u32 v1, v0  }
0x99: {  	v0 =	vor.u32 $0x80, v0;
	_ =	sdelay $0x4  }
0x9a: {  	v0 =	vld.idx.msk [tilespmem:v0+s12+$0x0], $0xffff;
	_ =	sdelay $0x4  }
0x9b: {  	[tilespmem:s19+$0xFFFFFD30] =	vst v0  }
0x9c: {  	v0 =	vld [tilespmem:$0x40];
	_ =	sdelay $0x4  }
0x9d: {  	v15 =	vshll.u32 v0, $0x2  }
0x9e: {  	v0 =	vand.u32 $0x7F, v0;
	v1 =	vand.u32 $0xFFFFFE00, v15  }
0x9f: {  	v0 =	vor.u32 v1, v0  }
0xa0: {  	v0 =	vor.u32 $0x80, v0;
	_ =	sdelay $0x4  }
0xa1: {  	v0 =	vld.idx.msk [tilespmem:v0+s12+$0x0], $0xffff;
	_ =	sdelay $0x4  }
0xa2: {  	[tilespmem:s19+$0xFFFFFD40] =	vst v0  }
0xa3: {  	v0 =	vld [tilespmem:$0x50];
	_ =	sdelay $0x4  }
0xa4: {  	v16 =	vshll.u32 v0, $0x2  }
0xa5: {  	v0 =	vand.u32 $0x7F, v0;
	v1 =	vand.u32 $0xFFFFFE00, v16  }
0xa6: {  	v0 =	vor.u32 v1, v0  }
0xa7: {  	v0 =	vor.u32 $0x80, v0;
	_ =	sdelay $0x4  }
0xa8: {  	v0 =	vld.idx.msk [tilespmem:v0+s12+$0x0], $0xffff;
	_ =	sdelay $0x4  }
0xa9: {  	[tilespmem:s19+$0xFFFFFD50] =	vst v0  }
0xaa: {  	v0 =	vld [tilespmem:$0x60];
	_ =	sdelay $0x4  }
0xab: {  	v17 =	vshll.u32 v0, $0x2  }
0xac: {  	v0 =	vand.u32 $0x7F, v0;
	v1 =	vand.u32 $0xFFFFFE00, v17  }
0xad: {  	v0 =	vor.u32 v1, v0  }
0xae: {  	v0 =	vor.u32 $0x80, v0;
	_ =	sdelay $0x4  }
0xaf: {  	v0 =	vld.idx.msk [tilespmem:v0+s12+$0x0], $0xffff;
	_ =	sdelay $0x4  }
0xb0: {  	[tilespmem:s19+$0xFFFFFD60] =	vst v0  }
0xb1: {  	v0 =	vld [tilespmem:$0x70];
	_ =	sdelay $0x4  }
0xb2: {  	v18 =	vshll.u32 v0, $0x2  }
0xb3: {  	v0 =	vand.u32 $0x7F, v0;
	v1 =	vand.u32 $0xFFFFFE00, v18  }
0xb4: {  	v0 =	vor.u32 v1, v0  }
0xb5: {  	v0 =	vor.u32 $0x80, v0;
	_ =	sdelay $0x4  }
0xb6: {  	v0 =	vld.idx.msk [tilespmem:v0+s12+$0x0], $0xffff;
	_ =	sdelay $0x4  }
0xb7: {  	[tilespmem:s19+$0xFFFFFD70] =	vst v0  }
0xb8: {  	v0 =	vld [tilespmem:$0x80];
	_ =	sdelay $0x4  }
0xb9: {  	v19 =	vshll.u32 v0, $0x2  }
0xba: {  	v0 =	vand.u32 $0x7F, v0;
	v1 =	vand.u32 $0xFFFFFE00, v19  }
0xbb: {  	v0 =	vor.u32 v1, v0  }
0xbc: {  	v0 =	vor.u32 $0x80, v0;
	_ =	sdelay $0x4  }
0xbd: {  	v0 =	vld.idx.msk [tilespmem:v0+s12+$0x0], $0xffff;
	_ =	sdelay $0x4  }
0xbe: {  	[tilespmem:s19+$0xFFFFFD80] =	vst v0  }
0xbf: {  	v0 =	vld [tilespmem:$0x90];
	_ =	sdelay $0x4  }
0xc0: {  	v20 =	vshll.u32 v0, $0x2  }
0xc1: {  	v0 =	vand.u32 $0x7F, v0;
	v1 =	vand.u32 $0xFFFFFE00, v20  }
0xc2: {  	v0 =	vor.u32 v1, v0  }
0xc3: {  	v0 =	vor.u32 $0x80, v0;
	_ =	sdelay $0x4  }
0xc4: {  	v0 =	vld.idx.msk [tilespmem:v0+s12+$0x0], $0xffff;
	_ =	sdelay $0x4  }
0xc5: {  	[tilespmem:s19+$0xFFFFFD90] =	vst v0  }
0xc6: {  	v0 =	vld [tilespmem:$0xA0];
	_ =	sdelay $0x4  }
0xc7: {  	v21 =	vshll.u32 v0, $0x2  }
0xc8: {  	v0 =	vand.u32 $0x7F, v0;
	v1 =	vand.u32 $0xFFFFFE00, v21  }
0xc9: {  	v0 =	vor.u32 v1, v0  }
0xca: {  	v0 =	vor.u32 $0x80, v0;
	_ =	sdelay $0x4  }
0xcb: {  	v0 =	vld.idx.msk [tilespmem:v0+s12+$0x0], $0xffff;
	_ =	sdelay $0x4  }
0xcc: {  	[tilespmem:s19+$0xFFFFFDA0] =	vst v0  }
0xcd: {  	v0 =	vld [tilespmem:$0xB0];
	_ =	sdelay $0x4  }
0xce: {  	v22 =	vshll.u32 v0, $0x2  }
0xcf: {  	v0 =	vand.u32 $0x7F, v0;
	v1 =	vand.u32 $0xFFFFFE00, v22  }
0xd0: {  	v0 =	vor.u32 v1, v0  }
0xd1: {  	v0 =	vor.u32 $0x80, v0;
	_ =	sdelay $0x4  }
0xd2: {  	v0 =	vld.idx.msk [tilespmem:v0+s12+$0x0], $0xffff;
	_ =	sdelay $0x4  }
0xd3: {  	[tilespmem:s19+$0xFFFFFDB0] =	vst v0  }
0xd4: {  	v0 =	vld [tilespmem:$0xC0];
	_ =	sdelay $0x4  }
0xd5: {  	v23 =	vshll.u32 v0, $0x2  }
0xd6: {  	v0 =	vand.u32 $0x7F, v0;
	v1 =	vand.u32 $0xFFFFFE00, v23  }
0xd7: {  	v0 =	vor.u32 v1, v0  }
0xd8: {  	v0 =	vor.u32 $0x80, v0;
	_ =	sdelay $0x4  }
0xd9: {  	v0 =	vld.idx.msk [tilespmem:v0+s12+$0x0], $0xffff;
	_ =	sdelay $0x4  }
0xda: {  	[tilespmem:s19+$0xFFFFFDC0] =	vst v0  }
0xdb: {  	v0 =	vld [tilespmem:$0xD0];
	_ =	sdelay $0x4  }
0xdc: {  	v24 =	vshll.u32 v0, $0x2  }
0xdd: {  	v0 =	vand.u32 $0x7F, v0;
	v1 =	vand.u32 $0xFFFFFE00, v24  }
0xde: {  	v0 =	vor.u32 v1, v0  }
0xdf: {  	v0 =	vor.u32 $0x80, v0;
	_ =	sdelay $0x4  }
0xe0: {  	v0 =	vld.idx.msk [tilespmem:v0+s12+$0x0], $0xffff;
	_ =	sdelay $0x4  }
0xe1: {  	[tilespmem:s19+$0xFFFFFDD0] =	vst v0  }
0xe2: {  	v0 =	vld [tilespmem:$0xE0];
	_ =	sdelay $0x4  }
0xe3: {  	v25 =	vshll.u32 v0, $0x2  }
0xe4: {  	v0 =	vand.u32 $0x7F, v0;
	v1 =	vand.u32 $0xFFFFFE00, v25  }
0xe5: {  	v0 =	vor.u32 v1, v0  }
0xe6: {  	v0 =	vor.u32 $0x80, v0;
	_ =	sdelay $0x4  }
0xe7: {  	v0 =	vld.idx.msk [tilespmem:v0+s12+$0x0], $0xffff;
	_ =	sdelay $0x4  }
0xe8: {  	[tilespmem:s19+$0xFFFFFDE0] =	vst v0  }
0xe9: {  	v0 =	vld [tilespmem:$0xF0];
	_ =	sdelay $0x4  }
0xea: {  	v26 =	vshll.u32 v0, $0x2  }
0xeb: {  	v0 =	vand.u32 $0x7F, v0;
	v1 =	vand.u32 $0xFFFFFE00, v26  }
0xec: {  	v0 =	vor.u32 v1, v0  }
0xed: {  	v0 =	vor.u32 $0x80, v0;
	_ =	sdelay $0x4  }
0xee: {  	v0 =	vld.idx.msk [tilespmem:v0+s12+$0x0], $0xffff;
	_ =	sdelay $0x4  }
0xef: {  	[tilespmem:s19+$0xFFFFFDF0] =	vst v0  }
0xf0: {  	v0 =	vld [tilespmem:$0x0];
	_ =	sdelay $0x4  }
0xf1: {  	v27 =	vshll.u32 v0, $0x2  }
0xf2: {  	v0 =	vand.u32 $0x7F, v0;
	v1 =	vand.u32 $0xFFFFFE00, v27  }
0xf3: {  	v0 =	vor.u32 v1, v0  }
0xf4: {  	v0 =	vor.u32 $0x100, v0;
	_ =	sdelay $0x4  }
0xf5: {  	v0 =	vld.idx.msk [tilespmem:v0+s12+$0x0], $0xffff;
	_ =	sdelay $0x4  }
0xf6: {  	[tilespmem:s19+$0xFFFFFE00] =	vst v0  }
0xf7: {  	v0 =	vld [tilespmem:$0x10];
	_ =	sdelay $0x4  }
0xf8: {  	v28 =	vshll.u32 v0, $0x2  }
0xf9: {  	v0 =	vand.u32 $0x7F, v0;
	v1 =	vand.u32 $0xFFFFFE00, v28  }
0xfa: {  	v0 =	vor.u32 v1, v0  }
0xfb: {  	v0 =	vor.u32 $0x100, v0;
	_ =	sdelay $0x4  }
0xfc: {  	v0 =	vld.idx.msk [tilespmem:v0+s12+$0x0], $0xffff;
	_ =	sdelay $0x4  }
0xfd: {  	[tilespmem:s19+$0xFFFFFE10] =	vst v0  }
0xfe: {  	v0 =	vld [tilespmem:$0x20];
	_ =	sdelay $0x4  }
0xff: {  	v29 =	vshll.u32 v0, $0x2  }
0x100: {  	v0 =	vand.u32 $0x7F, v0;
	v1 =	vand.u32 $0xFFFFFE00, v29  }
0x101: {  	v0 =	vor.u32 v1, v0  }
0x102: {  	v0 =	vor.u32 $0x100, v0;
	_ =	sdelay $0x4  }
0x103: {  	v0 =	vld.idx.msk [tilespmem:v0+s12+$0x0], $0xffff;
	_ =	sdelay $0x4  }
0x104: {  	[tilespmem:s19+$0xFFFFFE20] =	vst v0  }
0x105: {  	v0 =	vld [tilespmem:$0x30];
	_ =	sdelay $0x4  }
0x106: {  	v30 =	vshll.u32 v0, $0x2  }
0x107: {  	v0 =	vand.u32 $0x7F, v0;
	v1 =	vand.u32 $0xFFFFFE00, v30  }
0x108: {  	v0 =	vor.u32 v1, v0  }
0x109: {  	v0 =	vor.u32 $0x100, v0;
	_ =	sdelay $0x4  }
0x10a: {  	v0 =	vld.idx.msk [tilespmem:v0+s12+$0x0], $0xffff;
	_ =	sdelay $0x4  }
0x10b: {  	[tilespmem:s19+$0xFFFFFE30] =	vst v0  }
0x10c: {  	v0 =	vld [tilespmem:$0x40];
	_ =	sdelay $0x4  }
0x10d: {  	v31 =	vshll.u32 v0, $0x2  }
0x10e: {  	v0 =	vand.u32 $0x7F, v0;
	v1 =	vand.u32 $0xFFFFFE00, v31  }
0x10f: {  	v0 =	vor.u32 v1, v0  }
0x110: {  	v0 =	vor.u32 $0x100, v0;
	_ =	sdelay $0x4  }
0x111: {  	v0 =	vld.idx.msk [tilespmem:v0+s12+$0x0], $0xffff;
	_ =	sdelay $0x4  }
0x112: {  	[tilespmem:s19+$0xFFFFFE40] =	vst v0  }
0x113: {  	v0 =	vld [tilespmem:$0x50];
	_ =	sdelay $0x4  }
0x114: {  	v32 =	vshll.u32 v0, $0x2  }
0x115: {  	v0 =	vand.u32 $0x7F, v0;
	v1 =	vand.u32 $0xFFFFFE00, v32  }
0x116: {  	v0 =	vor.u32 v1, v0  }
0x117: {  	v0 =	vor.u32 $0x100, v0;
	_ =	sdelay $0x4  }
0x118: {  	v0 =	vld.idx.msk [tilespmem:v0+s12+$0x0], $0xffff;
	_ =	sdelay $0x4  }
0x119: {  	[tilespmem:s19+$0xFFFFFE50] =	vst v0  }
0x11a: {  	v0 =	vld [tilespmem:$0x60];
	_ =	sdelay $0x4  }
0x11b: {  	v33 =	vshll.u32 v0, $0x2  }
0x11c: {  	v0 =	vand.u32 $0x7F, v0;
	v1 =	vand.u32 $0xFFFFFE00, v33  }
0x11d: {  	v0 =	vor.u32 v1, v0  }
0x11e: {  	v0 =	vor.u32 $0x100, v0;
	_ =	sdelay $0x4  }
0x11f: {  	v0 =	vld.idx.msk [tilespmem:v0+s12+$0x0], $0xffff;
	_ =	sdelay $0x4  }
0x120: {  	[tilespmem:s19+$0xFFFFFE60] =	vst v0  }
0x121: {  	v0 =	vld [tilespmem:$0x70];
	_ =	sdelay $0x4  }
0x122: {  	v34 =	vshll.u32 v0, $0x2  }
0x123: {  	v0 =	vand.u32 $0x7F, v0;
	v1 =	vand.u32 $0xFFFFFE00, v34  }
0x124: {  	v0 =	vor.u32 v1, v0  }
0x125: {  	v0 =	vor.u32 $0x100, v0;
	_ =	sdelay $0x4  }
0x126: {  	v0 =	vld.idx.msk [tilespmem:v0+s12+$0x0], $0xffff;
	_ =	sdelay $0x4  }
0x127: {  	[tilespmem:s19+$0xFFFFFE70] =	vst v0  }
0x128: {  	v0 =	vld [tilespmem:$0x80];
	_ =	sdelay $0x4  }
0x129: {  	v35 =	vshll.u32 v0, $0x2  }
0x12a: {  	v0 =	vand.u32 $0x7F, v0;
	v1 =	vand.u32 $0xFFFFFE00, v35  }
0x12b: {  	v0 =	vor.u32 v1, v0  }
0x12c: {  	v0 =	vor.u32 $0x100, v0;
	_ =	sdelay $0x4  }
0x12d: {  	v0 =	vld.idx.msk [tilespmem:v0+s12+$0x0], $0xffff;
	_ =	sdelay $0x4  }
0x12e: {  	[tilespmem:s19+$0xFFFFFE80] =	vst v0  }
0x12f: {  	v0 =	vld [tilespmem:$0x90];
	_ =	sdelay $0x4  }
0x130: {  	v36 =	vshll.u32 v0, $0x2  }
0x131: {  	v0 =	vand.u32 $0x7F, v0;
	v1 =	vand.u32 $0xFFFFFE00, v36  }
0x132: {  	v0 =	vor.u32 v1, v0  }
0x133: {  	v0 =	vor.u32 $0x100, v0;
	_ =	sdelay $0x4  }
0x134: {  	v0 =	vld.idx.msk [tilespmem:v0+s12+$0x0], $0xffff;
	_ =	sdelay $0x4  }
0x135: {  	[tilespmem:s19+$0xFFFFFE90] =	vst v0  }
0x136: {  	v0 =	vld [tilespmem:$0xA0];
	_ =	sdelay $0x4  }
0x137: {  	v37 =	vshll.u32 v0, $0x2  }
0x138: {  	v0 =	vand.u32 $0x7F, v0;
	v1 =	vand.u32 $0xFFFFFE00, v37  }
0x139: {  	v0 =	vor.u32 v1, v0  }
0x13a: {  	v0 =	vor.u32 $0x100, v0;
	_ =	sdelay $0x4  }
0x13b: {  	v0 =	vld.idx.msk [tilespmem:v0+s12+$0x0], $0xffff;
	_ =	sdelay $0x4  }
0x13c: {  	[tilespmem:s19+$0xFFFFFEA0] =	vst v0  }
0x13d: {  	v0 =	vld [tilespmem:$0xB0];
	_ =	sdelay $0x4  }
0x13e: {  	v38 =	vshll.u32 v0, $0x2  }
0x13f: {  	v0 =	vand.u32 $0x7F, v0;
	v1 =	vand.u32 $0xFFFFFE00, v38  }
0x140: {  	v0 =	vor.u32 v1, v0  }
0x141: {  	v0 =	vor.u32 $0x100, v0;
	_ =	sdelay $0x4  }
0x142: {  	v0 =	vld.idx.msk [tilespmem:v0+s12+$0x0], $0xffff;
	_ =	sdelay $0x4  }
0x143: {  	[tilespmem:s19+$0xFFFFFEB0] =	vst v0  }
0x144: {  	v0 =	vld [tilespmem:$0xC0];
	_ =	sdelay $0x4  }
0x145: {  	v39 =	vshll.u32 v0, $0x2  }
0x146: {  	v0 =	vand.u32 $0x7F, v0;
	v1 =	vand.u32 $0xFFFFFE00, v39  }
0x147: {  	v0 =	vor.u32 v1, v0  }
0x148: {  	v0 =	vor.u32 $0x100, v0;
	_ =	sdelay $0x4  }
0x149: {  	v0 =	vld.idx.msk [tilespmem:v0+s12+$0x0], $0xffff;
	_ =	sdelay $0x4  }
0x14a: {  	[tilespmem:s19+$0xFFFFFEC0] =	vst v0  }
0x14b: {  	v0 =	vld [tilespmem:$0xD0];
	_ =	sdelay $0x4  }
0x14c: {  	v40 =	vshll.u32 v0, $0x2  }
0x14d: {  	v0 =	vand.u32 $0x7F, v0;
	v1 =	vand.u32 $0xFFFFFE00, v40  }
0x14e: {  	v0 =	vor.u32 v1, v0  }
0x14f: {  	v0 =	vor.u32 $0x100, v0;
	_ =	sdelay $0x4  }
0x150: {  	v0 =	vld.idx.msk [tilespmem:v0+s12+$0x0], $0xffff;
	_ =	sdelay $0x4  }
0x151: {  	[tilespmem:s19+$0xFFFFFED0] =	vst v0  }
0x152: {  	v0 =	vld [tilespmem:$0xE0];
	_ =	sdelay $0x4  }
0x153: {  	v41 =	vshll.u32 v0, $0x2  }
0x154: {  	v0 =	vand.u32 $0x7F, v0;
	v1 =	vand.u32 $0xFFFFFE00, v41  }
0x155: {  	v0 =	vor.u32 v1, v0  }
0x156: {  	v0 =	vor.u32 $0x100, v0;
	_ =	sdelay $0x4  }
0x157: {  	v0 =	vld.idx.msk [tilespmem:v0+s12+$0x0], $0xffff;
	_ =	sdelay $0x4  }
0x158: {  	[tilespmem:s19+$0xFFFFFEE0] =	vst v0  }
0x159: {  	v0 =	vld [tilespmem:$0xF0];
	_ =	sdelay $0x4  }
0x15a: {  	v42 =	vshll.u32 v0, $0x2  }
0x15b: {  	v0 =	vand.u32 $0x7F, v0;
	v1 =	vand.u32 $0xFFFFFE00, v42  }
0x15c: {  	v0 =	vor.u32 v1, v0  }
0x15d: {  	v0 =	vor.u32 $0x100, v0;
	_ =	sdelay $0x4  }
0x15e: {  	v0 =	vld.idx.msk [tilespmem:v0+s12+$0x0], $0xffff;
	_ =	sdelay $0x4  }
0x15f: {  	[tilespmem:s19+$0xFFFFFEF0] =	vst v0  }
0x160: {  	v0 =	vld [tilespmem:$0x0];
	_ =	sdelay $0x4  }
0x161: {  	v43 =	vshll.u32 v0, $0x2  }
0x162: {  	v0 =	vand.u32 $0x7F, v0;
	v1 =	vand.u32 $0xFFFFFE00, v43  }
0x163: {  	v0 =	vor.u32 v1, v0  }
0x164: {  	v0 =	vor.u32 $0x180, v0;
	_ =	sdelay $0x4  }
0x165: {  	v0 =	vld.idx.msk [tilespmem:v0+s12+$0x0], $0xffff;
	_ =	sdelay $0x4  }
0x166: {  	[tilespmem:s19+$0xFFFFFF00] =	vst v0  }
0x167: {  	v0 =	vld [tilespmem:$0x10];
	_ =	sdelay $0x4  }
0x168: {  	v44 =	vshll.u32 v0, $0x2  }
0x169: {  	v0 =	vand.u32 $0x7F, v0;
	v1 =	vand.u32 $0xFFFFFE00, v44  }
0x16a: {  	v0 =	vor.u32 v1, v0  }
0x16b: {  	v0 =	vor.u32 $0x180, v0;
	_ =	sdelay $0x4  }
0x16c: {  	v0 =	vld.idx.msk [tilespmem:v0+s12+$0x0], $0xffff;
	_ =	sdelay $0x4  }
0x16d: {  	[tilespmem:s19+$0xFFFFFF10] =	vst v0  }
0x16e: {  	v0 =	vld [tilespmem:$0x20];
	_ =	sdelay $0x4  }
0x16f: {  	v45 =	vshll.u32 v0, $0x2  }
0x170: {  	v0 =	vand.u32 $0x7F, v0;
	v1 =	vand.u32 $0xFFFFFE00, v45  }
0x171: {  	v0 =	vor.u32 v1, v0  }
0x172: {  	v0 =	vor.u32 $0x180, v0;
	_ =	sdelay $0x4  }
0x173: {  	v0 =	vld.idx.msk [tilespmem:v0+s12+$0x0], $0xffff;
	_ =	sdelay $0x4  }
0x174: {  	[tilespmem:s19+$0xFFFFFF20] =	vst v0  }
0x175: {  	v0 =	vld [tilespmem:$0x30];
	_ =	sdelay $0x4  }
0x176: {  	v46 =	vshll.u32 v0, $0x2  }
0x177: {  	v0 =	vand.u32 $0x7F, v0;
	v1 =	vand.u32 $0xFFFFFE00, v46  }
0x178: {  	v0 =	vor.u32 v1, v0  }
0x179: {  	v0 =	vor.u32 $0x180, v0;
	_ =	sdelay $0x4  }
0x17a: {  	v0 =	vld.idx.msk [tilespmem:v0+s12+$0x0], $0xffff;
	_ =	sdelay $0x4  }
0x17b: {  	[tilespmem:s19+$0xFFFFFF30] =	vst v0  }
0x17c: {  	v0 =	vld [tilespmem:$0x40];
	_ =	sdelay $0x4  }
0x17d: {  	v47 =	vshll.u32 v0, $0x2  }
0x17e: {  	v0 =	vand.u32 $0x7F, v0;
	v1 =	vand.u32 $0xFFFFFE00, v47  }
0x17f: {  	v0 =	vor.u32 v1, v0  }
0x180: {  	v0 =	vor.u32 $0x180, v0;
	_ =	sdelay $0x4  }
0x181: {  	v0 =	vld.idx.msk [tilespmem:v0+s12+$0x0], $0xffff;
	_ =	sdelay $0x4  }
0x182: {  	[tilespmem:s19+$0xFFFFFF40] =	vst v0  }
0x183: {  	v0 =	vld [tilespmem:$0x50];
	_ =	sdelay $0x4  }
0x184: {  	v48 =	vshll.u32 v0, $0x2  }
0x185: {  	v0 =	vand.u32 $0x7F, v0;
	v1 =	vand.u32 $0xFFFFFE00, v48  }
0x186: {  	v0 =	vor.u32 v1, v0  }
0x187: {  	v0 =	vor.u32 $0x180, v0;
	_ =	sdelay $0x4  }
0x188: {  	v0 =	vld.idx.msk [tilespmem:v0+s12+$0x0], $0xffff;
	_ =	sdelay $0x4  }
0x189: {  	[tilespmem:s19+$0xFFFFFF50] =	vst v0  }
0x18a: {  	v0 =	vld [tilespmem:$0x60];
	_ =	sdelay $0x4  }
0x18b: {  	v49 =	vshll.u32 v0, $0x2  }
0x18c: {  	v0 =	vand.u32 $0x7F, v0;
	v1 =	vand.u32 $0xFFFFFE00, v49  }
0x18d: {  	v0 =	vor.u32 v1, v0  }
0x18e: {  	v0 =	vor.u32 $0x180, v0;
	_ =	sdelay $0x4  }
0x18f: {  	v0 =	vld.idx.msk [tilespmem:v0+s12+$0x0], $0xffff;
	_ =	sdelay $0x4  }
0x190: {  	[tilespmem:s19+$0xFFFFFF60] =	vst v0  }
0x191: {  	v0 =	vld [tilespmem:$0x70];
	_ =	sdelay $0x4  }
0x192: {  	v50 =	vshll.u32 v0, $0x2  }
0x193: {  	v0 =	vand.u32 $0x7F, v0;
	v1 =	vand.u32 $0xFFFFFE00, v50  }
0x194: {  	v0 =	vor.u32 v1, v0  }
0x195: {  	v0 =	vor.u32 $0x180, v0;
	_ =	sdelay $0x4  }
0x196: {  	v0 =	vld.idx.msk [tilespmem:v0+s12+$0x0], $0xffff;
	_ =	sdelay $0x4  }
0x197: {  	[tilespmem:s19+$0xFFFFFF70] =	vst v0  }
0x198: {  	v0 =	vld [tilespmem:$0x80];
	_ =	sdelay $0x4  }
0x199: {  	v51 =	vshll.u32 v0, $0x2  }
0x19a: {  	v0 =	vand.u32 $0x7F, v0;
	v1 =	vand.u32 $0xFFFFFE00, v51  }
0x19b: {  	v0 =	vor.u32 v1, v0  }
0x19c: {  	v0 =	vor.u32 $0x180, v0;
	_ =	sdelay $0x4  }
0x19d: {  	v0 =	vld.idx.msk [tilespmem:v0+s12+$0x0], $0xffff;
	_ =	sdelay $0x4  }
0x19e: {  	[tilespmem:s19+$0xFFFFFF80] =	vst v0  }
0x19f: {  	v0 =	vld [tilespmem:$0x90];
	_ =	sdelay $0x4  }
0x1a0: {  	v52 =	vshll.u32 v0, $0x2  }
0x1a1: {  	v0 =	vand.u32 $0x7F, v0;
	v1 =	vand.u32 $0xFFFFFE00, v52  }
0x1a2: {  	v0 =	vor.u32 v1, v0  }
0x1a3: {  	v0 =	vor.u32 $0x180, v0;
	_ =	sdelay $0x4  }
0x1a4: {  	v0 =	vld.idx.msk [tilespmem:v0+s12+$0x0], $0xffff;
	_ =	sdelay $0x4  }
0x1a5: {  	[tilespmem:s19+$0xFFFFFF90] =	vst v0  }
0x1a6: {  	v0 =	vld [tilespmem:$0xA0];
	_ =	sdelay $0x4  }
0x1a7: {  	v53 =	vshll.u32 v0, $0x2  }
0x1a8: {  	v0 =	vand.u32 $0x7F, v0;
	v1 =	vand.u32 $0xFFFFFE00, v53  }
0x1a9: {  	v0 =	vor.u32 v1, v0  }
0x1aa: {  	v0 =	vor.u32 $0x180, v0;
	_ =	sdelay $0x4  }
0x1ab: {  	v0 =	vld.idx.msk [tilespmem:v0+s12+$0x0], $0xffff;
	_ =	sdelay $0x4  }
0x1ac: {  	[tilespmem:s19+$0xFFFFFFA0] =	vst v0  }
0x1ad: {  	v0 =	vld [tilespmem:$0xB0];
	_ =	sdelay $0x4  }
0x1ae: {  	v54 =	vshll.u32 v0, $0x2  }
0x1af: {  	v0 =	vand.u32 $0x7F, v0;
	v1 =	vand.u32 $0xFFFFFE00, v54  }
0x1b0: {  	v0 =	vor.u32 v1, v0  }
0x1b1: {  	v0 =	vor.u32 $0x180, v0;
	_ =	sdelay $0x4  }
0x1b2: {  	v0 =	vld.idx.msk [tilespmem:v0+s12+$0x0], $0xffff;
	_ =	sdelay $0x4  }
0x1b3: {  	[tilespmem:s19+$0xFFFFFFB0] =	vst v0  }
0x1b4: {  	v0 =	vld [tilespmem:$0xC0];
	_ =	sdelay $0x4  }
0x1b5: {  	v55 =	vshll.u32 v0, $0x2  }
0x1b6: {  	v0 =	vand.u32 $0x7F, v0;
	v1 =	vand.u32 $0xFFFFFE00, v55  }
0x1b7: {  	v0 =	vor.u32 v1, v0  }
0x1b8: {  	v0 =	vor.u32 $0x180, v0;
	_ =	sdelay $0x4  }
0x1b9: {  	v0 =	vld.idx.msk [tilespmem:v0+s12+$0x0], $0xffff;
	_ =	sdelay $0x4  }
0x1ba: {  	[tilespmem:s19+$0xFFFFFFC0] =	vst v0  }
0x1bb: {  	v0 =	vld [tilespmem:$0xD0];
	_ =	sdelay $0x4  }
0x1bc: {  	v56 =	vshll.u32 v0, $0x2  }
0x1bd: {  	v0 =	vand.u32 $0x7F, v0;
	v1 =	vand.u32 $0xFFFFFE00, v56  }
0x1be: {  	v0 =	vor.u32 v1, v0  }
0x1bf: {  	v0 =	vor.u32 $0x180, v0;
	_ =	sdelay $0x4  }
0x1c0: {  	v0 =	vld.idx.msk [tilespmem:v0+s12+$0x0], $0xffff;
	_ =	sdelay $0x4  }
0x1c1: {  	[tilespmem:s19+$0xFFFFFFD0] =	vst v0  }
0x1c2: {  	v0 =	vld [tilespmem:$0xE0];
	_ =	sdelay $0x4  }
0x1c3: {  	v57 =	vshll.u32 v0, $0x2  }
0x1c4: {  	v0 =	vand.u32 $0x7F, v0;
	v1 =	vand.u32 $0xFFFFFE00, v57  }
0x1c5: {  	v0 =	vor.u32 v1, v0  }
0x1c6: {  	v0 =	vor.u32 $0x180, v0;
	_ =	sdelay $0x4  }
0x1c7: {  	v0 =	vld.idx.msk [tilespmem:v0+s12+$0x0], $0xffff;
	_ =	sdelay $0x4  }
0x1c8: {  	[tilespmem:s19+$0xFFFFFFE0] =	vst v0  }
0x1c9: {  	v0 =	vld [tilespmem:$0xF0];
	_ =	sdelay $0x4  }
0x1ca: {  	v58 =	vshll.u32 v0, $0x2  }
0x1cb: {  	v0 =	vand.u32 $0x7F, v0;
	v1 =	vand.u32 $0xFFFFFE00, v58  }
0x1cc: {  	v0 =	vor.u32 v1, v0  }
0x1cd: {  	v0 =	vor.u32 $0x180, v0;
	_ =	sdelay $0x4  }
0x1ce: {  	v0 =	vld.idx.msk [tilespmem:v0+s12+$0x0], $0xffff;
	_ =	sdelay $0x2  }
0x1cf: {  	p0 =	seq.s32 s18, $0x0  }
0x1d0: {  	s20 =	sadd.s32 @!p0 s18, s8;
	s21 =	simm.s32 @!p0 $0x200  }
0x1d1: {  	s22 =	simm.s32 @!p0 $0x400;
	s23 =	simm.s32 @!p0 $0x100;
	s20 =	sadd.s32 @!p0 $0x7E00, s20;
	[tilespmem:s19+$0xFFFFFFF0] =	vst v0  }
0x1d2: {  	[tilespmem:s23], [sflag:$0x1] =	stream.strided.gather @!p0 [hbm4b:s20+s21], $0x7E00, s22, s21, $0x38;
	[tilespmem:$0x11D00] =	vst v63  }
0x1d3: {  	_ =	swait.ge [sflag:s15], $0x7E00  }
0x1d4: {  	[sflag:s15] =	ssyncset.done $0x0  }
0x1d5: {  	[sflag:s15] =	ssyncadd.s32 $0xFFFF8200  }
0x1d6: {  	v59 =	vld [tilespmem:$0x0];
	_ =	sdelay $0x4  }
0x1d7: {  	v60 =	vshll.u32 v59, $0x2  }
0x1d8: {  	v0 =	vand.u32 $0x7F, v59;
	v1 =	vand.u32 $0xFFFFFE00, v60  }
0x1d9: {  	v0 =	vor.u32 v0, v1;
	_ =	sdelay $0x4  }
0x1da: {  	v0 =	vld.idx.msk [tilespmem:v0+s13+$0x0], $0xffff;
	_ =	sdelay $0x4  }
0x1db: {  	[tilespmem:s19+$0x0] =	vst v0  }
0x1dc: {  	v0 =	vld [tilespmem:$0x10];
	_ =	sdelay $0x4  }
0x1dd: {  	v61 =	vshll.u32 v0, $0x2  }
0x1de: {  	v0 =	vand.u32 $0x7F, v0;
	v1 =	vand.u32 $0xFFFFFE00, v61  }
0x1df: {  	v0 =	vor.u32 v0, v1;
	_ =	sdelay $0x4  }
0x1e0: {  	v0 =	vld.idx.msk [tilespmem:v0+s13+$0x0], $0xffff;
	_ =	sdelay $0x4  }
0x1e1: {  	[tilespmem:s19+$0x10] =	vst v0  }
0x1e2: {  	v0 =	vld [tilespmem:$0x20];
	_ =	sdelay $0x4  }
0x1e3: {  	v62 =	vshll.u32 v0, $0x2  }
0x1e4: {  	v0 =	vand.u32 $0x7F, v0;
	v1 =	vand.u32 $0xFFFFFE00, v62  }
0x1e5: {  	v0 =	vor.u32 v0, v1;
	_ =	sdelay $0x4  }
0x1e6: {  	v0 =	vld.idx.msk [tilespmem:v0+s13+$0x0], $0xffff;
	_ =	sdelay $0x4  }
0x1e7: {  	[tilespmem:s19+$0x20] =	vst v0  }
0x1e8: {  	v0 =	vld [tilespmem:$0x30];
	_ =	sdelay $0x4  }
0x1e9: {  	v63 =	vshll.u32 v0, $0x2  }
0x1ea: {  	v0 =	vand.u32 $0x7F, v0;
	v1 =	vand.u32 $0xFFFFFE00, v63  }
0x1eb: {  	v0 =	vor.u32 v0, v1;
	_ =	sdelay $0x4  }
0x1ec: {  	v0 =	vld.idx.msk [tilespmem:v0+s13+$0x0], $0xffff;
	_ =	sdelay $0x4  }
0x1ed: {  	[tilespmem:s19+$0x30] =	vst v0  }
0x1ee: {  	v0 =	vld [tilespmem:$0x40];
	_ =	sdelay $0x4  }
0x1ef: {  	v4 =	vshll.u32 v0, $0x2  }
0x1f0: {  	v0 =	vand.u32 $0x7F, v0;
	v1 =	vand.u32 $0xFFFFFE00, v4  }
0x1f1: {  	v0 =	vor.u32 v0, v1;
	_ =	sdelay $0x4  }
0x1f2: {  	v0 =	vld.idx.msk [tilespmem:v0+s13+$0x0], $0xffff;
	_ =	sdelay $0x4  }
0x1f3: {  	[tilespmem:s19+$0x40] =	vst v0  }
0x1f4: {  	v0 =	vld [tilespmem:$0x50];
	_ =	sdelay $0x4  }
0x1f5: {  	v5 =	vshll.u32 v0, $0x2  }
0x1f6: {  	v0 =	vand.u32 $0x7F, v0;
	v1 =	vand.u32 $0xFFFFFE00, v5  }
0x1f7: {  	v0 =	vor.u32 v0, v1;
	_ =	sdelay $0x4  }
0x1f8: {  	v0 =	vld.idx.msk [tilespmem:v0+s13+$0x0], $0xffff;
	_ =	sdelay $0x4  }
0x1f9: {  	[tilespmem:s19+$0x50] =	vst v0  }
0x1fa: {  	v0 =	vld [tilespmem:$0x60];
	_ =	sdelay $0x4  }
0x1fb: {  	v6 =	vshll.u32 v0, $0x2  }
0x1fc: {  	v0 =	vand.u32 $0x7F, v0;
	v1 =	vand.u32 $0xFFFFFE00, v6  }
0x1fd: {  	v0 =	vor.u32 v0, v1;
	_ =	sdelay $0x4  }
0x1fe: {  	v0 =	vld.idx.msk [tilespmem:v0+s13+$0x0], $0xffff;
	_ =	sdelay $0x4  }
0x1ff: {  	[tilespmem:s19+$0x60] =	vst v0  }
0x200: {  	v0 =	vld [tilespmem:$0x70];
	_ =	sdelay $0x4  }
0x201: {  	v7 =	vshll.u32 v0, $0x2  }
0x202: {  	v0 =	vand.u32 $0x7F, v0;
	v1 =	vand.u32 $0xFFFFFE00, v7  }
0x203: {  	v0 =	vor.u32 v0, v1;
	_ =	sdelay $0x4  }
0x204: {  	v0 =	vld.idx.msk [tilespmem:v0+s13+$0x0], $0xffff;
	_ =	sdelay $0x4  }
0x205: {  	[tilespmem:s19+$0x70] =	vst v0  }
0x206: {  	v0 =	vld [tilespmem:$0x80];
	_ =	sdelay $0x4  }
0x207: {  	v8 =	vshll.u32 v0, $0x2  }
0x208: {  	v0 =	vand.u32 $0x7F, v0;
	v1 =	vand.u32 $0xFFFFFE00, v8  }
0x209: {  	v0 =	vor.u32 v0, v1;
	_ =	sdelay $0x4  }
0x20a: {  	v0 =	vld.idx.msk [tilespmem:v0+s13+$0x0], $0xffff;
	_ =	sdelay $0x4  }
0x20b: {  	[tilespmem:s19+$0x80] =	vst v0  }
0x20c: {  	v0 =	vld [tilespmem:$0x90];
	_ =	sdelay $0x4  }
0x20d: {  	v9 =	vshll.u32 v0, $0x2  }
0x20e: {  	v0 =	vand.u32 $0x7F, v0;
	v1 =	vand.u32 $0xFFFFFE00, v9  }
0x20f: {  	v0 =	vor.u32 v0, v1;
	_ =	sdelay $0x4  }
0x210: {  	v0 =	vld.idx.msk [tilespmem:v0+s13+$0x0], $0xffff;
	_ =	sdelay $0x4  }
0x211: {  	[tilespmem:s19+$0x90] =	vst v0  }
0x212: {  	v0 =	vld [tilespmem:$0xA0];
	_ =	sdelay $0x4  }
0x213: {  	v10 =	vshll.u32 v0, $0x2  }
0x214: {  	v0 =	vand.u32 $0x7F, v0;
	v1 =	vand.u32 $0xFFFFFE00, v10  }
0x215: {  	v0 =	vor.u32 v0, v1;
	_ =	sdelay $0x4  }
0x216: {  	v0 =	vld.idx.msk [tilespmem:v0+s13+$0x0], $0xffff;
	_ =	sdelay $0x4  }
0x217: {  	[tilespmem:s19+$0xA0] =	vst v0  }
0x218: {  	v0 =	vld [tilespmem:$0xB0];
	_ =	sdelay $0x4  }
0x219: {  	v11 =	vshll.u32 v0, $0x2  }
0x21a: {  	v0 =	vand.u32 $0x7F, v0;
	v1 =	vand.u32 $0xFFFFFE00, v11  }
0x21b: {  	v0 =	vor.u32 v0, v1;
	_ =	sdelay $0x4  }
0x21c: {  	v0 =	vld.idx.msk [tilespmem:v0+s13+$0x0], $0xffff;
	_ =	sdelay $0x4  }
0x21d: {  	[tilespmem:s19+$0xB0] =	vst v0  }
0x21e: {  	v0 =	vld [tilespmem:$0xC0];
	_ =	sdelay $0x4  }
0x21f: {  	v12 =	vshll.u32 v0, $0x2  }
0x220: {  	v0 =	vand.u32 $0x7F, v0;
	v1 =	vand.u32 $0xFFFFFE00, v12  }
0x221: {  	v0 =	vor.u32 v0, v1;
	_ =	sdelay $0x4  }
0x222: {  	v0 =	vld.idx.msk [tilespmem:v0+s13+$0x0], $0xffff;
	_ =	sdelay $0x4  }
0x223: {  	[tilespmem:s19+$0xC0] =	vst v0  }
0x224: {  	v0 =	vld [tilespmem:$0xD0];
	_ =	sdelay $0x4  }
0x225: {  	v13 =	vshll.u32 v0, $0x2  }
0x226: {  	v0 =	vand.u32 $0x7F, v0;
	v1 =	vand.u32 $0xFFFFFE00, v13  }
0x227: {  	v0 =	vor.u32 v0, v1;
	_ =	sdelay $0x4  }
0x228: {  	v0 =	vld.idx.msk [tilespmem:v0+s13+$0x0], $0xffff;
	_ =	sdelay $0x4  }
0x229: {  	[tilespmem:s19+$0xD0] =	vst v0  }
0x22a: {  	v0 =	vld [tilespmem:$0xE0];
	_ =	sdelay $0x4  }
0x22b: {  	v14 =	vshll.u32 v0, $0x2  }
0x22c: {  	v0 =	vand.u32 $0x7F, v0;
	v1 =	vand.u32 $0xFFFFFE00, v14  }
0x22d: {  	v0 =	vor.u32 v0, v1;
	_ =	sdelay $0x4  }
0x22e: {  	v0 =	vld.idx.msk [tilespmem:v0+s13+$0x0], $0xffff;
	_ =	sdelay $0x4  }
0x22f: {  	[tilespmem:s19+$0xE0] =	vst v0  }
0x230: {  	v0 =	vld [tilespmem:$0xF0];
	_ =	sdelay $0x4  }
0x231: {  	v15 =	vshll.u32 v0, $0x2  }
0x232: {  	v0 =	vand.u32 $0x7F, v0;
	v1 =	vand.u32 $0xFFFFFE00, v15  }
0x233: {  	v0 =	vor.u32 v0, v1;
	_ =	sdelay $0x4  }
0x234: {  	v0 =	vld.idx.msk [tilespmem:v0+s13+$0x0], $0xffff;
	_ =	sdelay $0x4  }
0x235: {  	[tilespmem:s19+$0xF0] =	vst v0  }
0x236: {  	v0 =	vld [tilespmem:$0x0];
	_ =	sdelay $0x4  }
0x237: {  	v16 =	vshll.u32 v0, $0x2  }
0x238: {  	v0 =	vand.u32 $0x7F, v0;
	v1 =	vand.u32 $0xFFFFFE00, v16  }
0x239: {  	v0 =	vor.u32 v1, v0  }
0x23a: {  	v0 =	vor.u32 $0x80, v0;
	_ =	sdelay $0x4  }
0x23b: {  	v0 =	vld.idx.msk [tilespmem:v0+s13+$0x0], $0xffff;
	_ =	sdelay $0x4  }
0x23c: {  	[tilespmem:s19+$0x100] =	vst v0  }
0x23d: {  	v0 =	vld [tilespmem:$0x10];
	_ =	sdelay $0x4  }
0x23e: {  	v17 =	vshll.u32 v0, $0x2  }
0x23f: {  	v0 =	vand.u32 $0x7F, v0;
	v1 =	vand.u32 $0xFFFFFE00, v17  }
0x240: {  	v0 =	vor.u32 v1, v0  }
0x241: {  	v0 =	vor.u32 $0x80, v0;
	_ =	sdelay $0x4  }
0x242: {  	v0 =	vld.idx.msk [tilespmem:v0+s13+$0x0], $0xffff;
	_ =	sdelay $0x4  }
0x243: {  	[tilespmem:s19+$0x110] =	vst v0  }
0x244: {  	v0 =	vld [tilespmem:$0x20];
	_ =	sdelay $0x4  }
0x245: {  	v18 =	vshll.u32 v0, $0x2  }
0x246: {  	v0 =	vand.u32 $0x7F, v0;
	v1 =	vand.u32 $0xFFFFFE00, v18  }
0x247: {  	v0 =	vor.u32 v1, v0  }
0x248: {  	v0 =	vor.u32 $0x80, v0;
	_ =	sdelay $0x4  }
0x249: {  	v0 =	vld.idx.msk [tilespmem:v0+s13+$0x0], $0xffff;
	_ =	sdelay $0x4  }
0x24a: {  	[tilespmem:s19+$0x120] =	vst v0  }
0x24b: {  	v0 =	vld [tilespmem:$0x30];
	_ =	sdelay $0x4  }
0x24c: {  	v19 =	vshll.u32 v0, $0x2  }
0x24d: {  	v0 =	vand.u32 $0x7F, v0;
	v1 =	vand.u32 $0xFFFFFE00, v19  }
0x24e: {  	v0 =	vor.u32 v1, v0  }
0x24f: {  	v0 =	vor.u32 $0x80, v0;
	_ =	sdelay $0x4  }
0x250: {  	v0 =	vld.idx.msk [tilespmem:v0+s13+$0x0], $0xffff;
	_ =	sdelay $0x4  }
0x251: {  	[tilespmem:s19+$0x130] =	vst v0  }
0x252: {  	v0 =	vld [tilespmem:$0x40];
	_ =	sdelay $0x4  }
0x253: {  	v20 =	vshll.u32 v0, $0x2  }
0x254: {  	v0 =	vand.u32 $0x7F, v0;
	v1 =	vand.u32 $0xFFFFFE00, v20  }
0x255: {  	v0 =	vor.u32 v1, v0  }
0x256: {  	v0 =	vor.u32 $0x80, v0;
	_ =	sdelay $0x4  }
0x257: {  	v0 =	vld.idx.msk [tilespmem:v0+s13+$0x0], $0xffff;
	_ =	sdelay $0x4  }
0x258: {  	[tilespmem:s19+$0x140] =	vst v0  }
0x259: {  	v0 =	vld [tilespmem:$0x50];
	_ =	sdelay $0x4  }
0x25a: {  	v21 =	vshll.u32 v0, $0x2  }
0x25b: {  	v0 =	vand.u32 $0x7F, v0;
	v1 =	vand.u32 $0xFFFFFE00, v21  }
0x25c: {  	v0 =	vor.u32 v1, v0  }
0x25d: {  	v0 =	vor.u32 $0x80, v0;
	_ =	sdelay $0x4  }
0x25e: {  	v0 =	vld.idx.msk [tilespmem:v0+s13+$0x0], $0xffff;
	_ =	sdelay $0x4  }
0x25f: {  	[tilespmem:s19+$0x150] =	vst v0  }
0x260: {  	v0 =	vld [tilespmem:$0x60];
	_ =	sdelay $0x4  }
0x261: {  	v22 =	vshll.u32 v0, $0x2  }
0x262: {  	v0 =	vand.u32 $0x7F, v0;
	v1 =	vand.u32 $0xFFFFFE00, v22  }
0x263: {  	v0 =	vor.u32 v1, v0  }
0x264: {  	v0 =	vor.u32 $0x80, v0;
	_ =	sdelay $0x4  }
0x265: {  	v0 =	vld.idx.msk [tilespmem:v0+s13+$0x0], $0xffff;
	_ =	sdelay $0x4  }
0x266: {  	[tilespmem:s19+$0x160] =	vst v0  }
0x267: {  	v0 =	vld [tilespmem:$0x70];
	_ =	sdelay $0x4  }
0x268: {  	v23 =	vshll.u32 v0, $0x2  }
0x269: {  	v0 =	vand.u32 $0x7F, v0;
	v1 =	vand.u32 $0xFFFFFE00, v23  }
0x26a: {  	v0 =	vor.u32 v1, v0  }
0x26b: {  	v0 =	vor.u32 $0x80, v0;
	_ =	sdelay $0x4  }
0x26c: {  	v0 =	vld.idx.msk [tilespmem:v0+s13+$0x0], $0xffff;
	_ =	sdelay $0x4  }
0x26d: {  	[tilespmem:s19+$0x170] =	vst v0  }
0x26e: {  	v0 =	vld [tilespmem:$0x80];
	_ =	sdelay $0x4  }
0x26f: {  	v24 =	vshll.u32 v0, $0x2  }
0x270: {  	v0 =	vand.u32 $0x7F, v0;
	v1 =	vand.u32 $0xFFFFFE00, v24  }
0x271: {  	v0 =	vor.u32 v1, v0  }
0x272: {  	v0 =	vor.u32 $0x80, v0;
	_ =	sdelay $0x4  }
0x273: {  	v0 =	vld.idx.msk [tilespmem:v0+s13+$0x0], $0xffff;
	_ =	sdelay $0x4  }
0x274: {  	[tilespmem:s19+$0x180] =	vst v0  }
0x275: {  	v0 =	vld [tilespmem:$0x90];
	_ =	sdelay $0x4  }
0x276: {  	v25 =	vshll.u32 v0, $0x2  }
0x277: {  	v0 =	vand.u32 $0x7F, v0;
	v1 =	vand.u32 $0xFFFFFE00, v25  }
0x278: {  	v0 =	vor.u32 v1, v0  }
0x279: {  	v0 =	vor.u32 $0x80, v0;
	_ =	sdelay $0x4  }
0x27a: {  	v0 =	vld.idx.msk [tilespmem:v0+s13+$0x0], $0xffff;
	_ =	sdelay $0x4  }
0x27b: {  	[tilespmem:s19+$0x190] =	vst v0  }
0x27c: {  	v0 =	vld [tilespmem:$0xA0];
	_ =	sdelay $0x4  }
0x27d: {  	v26 =	vshll.u32 v0, $0x2  }
0x27e: {  	v0 =	vand.u32 $0x7F, v0;
	v1 =	vand.u32 $0xFFFFFE00, v26  }
0x27f: {  	v0 =	vor.u32 v1, v0  }
0x280: {  	v0 =	vor.u32 $0x80, v0;
	_ =	sdelay $0x4  }
0x281: {  	v0 =	vld.idx.msk [tilespmem:v0+s13+$0x0], $0xffff;
	_ =	sdelay $0x4  }
0x282: {  	[tilespmem:s19+$0x1A0] =	vst v0  }
0x283: {  	v0 =	vld [tilespmem:$0xB0];
	_ =	sdelay $0x4  }
0x284: {  	v27 =	vshll.u32 v0, $0x2  }
0x285: {  	v0 =	vand.u32 $0x7F, v0;
	v1 =	vand.u32 $0xFFFFFE00, v27  }
0x286: {  	v0 =	vor.u32 v1, v0  }
0x287: {  	v0 =	vor.u32 $0x80, v0;
	_ =	sdelay $0x4  }
0x288: {  	v0 =	vld.idx.msk [tilespmem:v0+s13+$0x0], $0xffff;
	_ =	sdelay $0x4  }
0x289: {  	[tilespmem:s19+$0x1B0] =	vst v0  }
0x28a: {  	v0 =	vld [tilespmem:$0xC0];
	_ =	sdelay $0x4  }
0x28b: {  	v28 =	vshll.u32 v0, $0x2  }
0x28c: {  	v0 =	vand.u32 $0x7F, v0;
	v1 =	vand.u32 $0xFFFFFE00, v28  }
0x28d: {  	v0 =	vor.u32 v1, v0  }
0x28e: {  	v0 =	vor.u32 $0x80, v0;
	_ =	sdelay $0x4  }
0x28f: {  	v0 =	vld.idx.msk [tilespmem:v0+s13+$0x0], $0xffff;
	_ =	sdelay $0x4  }
0x290: {  	[tilespmem:s19+$0x1C0] =	vst v0  }
0x291: {  	v0 =	vld [tilespmem:$0xD0];
	_ =	sdelay $0x4  }
0x292: {  	v29 =	vshll.u32 v0, $0x2  }
0x293: {  	v0 =	vand.u32 $0x7F, v0;
	v1 =	vand.u32 $0xFFFFFE00, v29  }
0x294: {  	v0 =	vor.u32 v1, v0  }
0x295: {  	v0 =	vor.u32 $0x80, v0;
	_ =	sdelay $0x4  }
0x296: {  	v0 =	vld.idx.msk [tilespmem:v0+s13+$0x0], $0xffff;
	_ =	sdelay $0x4  }
0x297: {  	[tilespmem:s19+$0x1D0] =	vst v0  }
0x298: {  	v0 =	vld [tilespmem:$0xE0];
	_ =	sdelay $0x4  }
0x299: {  	v30 =	vshll.u32 v0, $0x2  }
0x29a: {  	v0 =	vand.u32 $0x7F, v0;
	v1 =	vand.u32 $0xFFFFFE00, v30  }
0x29b: {  	v0 =	vor.u32 v1, v0  }
0x29c: {  	v0 =	vor.u32 $0x80, v0;
	_ =	sdelay $0x4  }
0x29d: {  	v0 =	vld.idx.msk [tilespmem:v0+s13+$0x0], $0xffff;
	_ =	sdelay $0x4  }
0x29e: {  	[tilespmem:s19+$0x1E0] =	vst v0  }
0x29f: {  	v0 =	vld [tilespmem:$0xF0];
	_ =	sdelay $0x4  }
0x2a0: {  	v31 =	vshll.u32 v0, $0x2  }
0x2a1: {  	v0 =	vand.u32 $0x7F, v0;
	v1 =	vand.u32 $0xFFFFFE00, v31  }
0x2a2: {  	v0 =	vor.u32 v1, v0  }
0x2a3: {  	v0 =	vor.u32 $0x80, v0;
	_ =	sdelay $0x4  }
0x2a4: {  	v0 =	vld.idx.msk [tilespmem:v0+s13+$0x0], $0xffff;
	_ =	sdelay $0x4  }
0x2a5: {  	[tilespmem:s19+$0x1F0] =	vst v0  }
0x2a6: {  	v0 =	vld [tilespmem:$0x0];
	_ =	sdelay $0x4  }
0x2a7: {  	v32 =	vshll.u32 v0, $0x2  }
0x2a8: {  	v0 =	vand.u32 $0x7F, v0;
	v1 =	vand.u32 $0xFFFFFE00, v32  }
0x2a9: {  	v0 =	vor.u32 v1, v0  }
0x2aa: {  	v0 =	vor.u32 $0x100, v0;
	_ =	sdelay $0x4  }
0x2ab: {  	v0 =	vld.idx.msk [tilespmem:v0+s13+$0x0], $0xffff;
	_ =	sdelay $0x4  }
0x2ac: {  	[tilespmem:s19+$0x200] =	vst v0  }
0x2ad: {  	v0 =	vld [tilespmem:$0x10];
	_ =	sdelay $0x4  }
0x2ae: {  	v33 =	vshll.u32 v0, $0x2  }
0x2af: {  	v0 =	vand.u32 $0x7F, v0;
	v1 =	vand.u32 $0xFFFFFE00, v33  }
0x2b0: {  	v0 =	vor.u32 v1, v0  }
0x2b1: {  	v0 =	vor.u32 $0x100, v0;
	_ =	sdelay $0x4  }
0x2b2: {  	v0 =	vld.idx.msk [tilespmem:v0+s13+$0x0], $0xffff;
	_ =	sdelay $0x4  }
0x2b3: {  	[tilespmem:s19+$0x210] =	vst v0  }
0x2b4: {  	v0 =	vld [tilespmem:$0x20];
	_ =	sdelay $0x4  }
0x2b5: {  	v34 =	vshll.u32 v0, $0x2  }
0x2b6: {  	v0 =	vand.u32 $0x7F, v0;
	v1 =	vand.u32 $0xFFFFFE00, v34  }
0x2b7: {  	v0 =	vor.u32 v1, v0  }
0x2b8: {  	v0 =	vor.u32 $0x100, v0;
	_ =	sdelay $0x4  }
0x2b9: {  	v0 =	vld.idx.msk [tilespmem:v0+s13+$0x0], $0xffff;
	_ =	sdelay $0x4  }
0x2ba: {  	[tilespmem:s19+$0x220] =	vst v0  }
0x2bb: {  	v0 =	vld [tilespmem:$0x30];
	_ =	sdelay $0x4  }
0x2bc: {  	v35 =	vshll.u32 v0, $0x2  }
0x2bd: {  	v0 =	vand.u32 $0x7F, v0;
	v1 =	vand.u32 $0xFFFFFE00, v35  }
0x2be: {  	v0 =	vor.u32 v1, v0  }
0x2bf: {  	v0 =	vor.u32 $0x100, v0;
	_ =	sdelay $0x4  }
0x2c0: {  	v0 =	vld.idx.msk [tilespmem:v0+s13+$0x0], $0xffff;
	_ =	sdelay $0x4  }
0x2c1: {  	[tilespmem:s19+$0x230] =	vst v0  }
0x2c2: {  	v0 =	vld [tilespmem:$0x40];
	_ =	sdelay $0x4  }
0x2c3: {  	v36 =	vshll.u32 v0, $0x2  }
0x2c4: {  	v0 =	vand.u32 $0x7F, v0;
	v1 =	vand.u32 $0xFFFFFE00, v36  }
0x2c5: {  	v0 =	vor.u32 v1, v0  }
0x2c6: {  	v0 =	vor.u32 $0x100, v0;
	_ =	sdelay $0x4  }
0x2c7: {  	v0 =	vld.idx.msk [tilespmem:v0+s13+$0x0], $0xffff;
	_ =	sdelay $0x4  }
0x2c8: {  	[tilespmem:s19+$0x240] =	vst v0  }
0x2c9: {  	v0 =	vld [tilespmem:$0x50];
	_ =	sdelay $0x4  }
0x2ca: {  	v37 =	vshll.u32 v0, $0x2  }
0x2cb: {  	v0 =	vand.u32 $0x7F, v0;
	v1 =	vand.u32 $0xFFFFFE00, v37  }
0x2cc: {  	v0 =	vor.u32 v1, v0  }
0x2cd: {  	v0 =	vor.u32 $0x100, v0;
	_ =	sdelay $0x4  }
0x2ce: {  	v0 =	vld.idx.msk [tilespmem:v0+s13+$0x0], $0xffff;
	_ =	sdelay $0x4  }
0x2cf: {  	[tilespmem:s19+$0x250] =	vst v0  }
0x2d0: {  	v0 =	vld [tilespmem:$0x60];
	_ =	sdelay $0x4  }
0x2d1: {  	v38 =	vshll.u32 v0, $0x2  }
0x2d2: {  	v0 =	vand.u32 $0x7F, v0;
	v1 =	vand.u32 $0xFFFFFE00, v38  }
0x2d3: {  	v0 =	vor.u32 v1, v0  }
0x2d4: {  	v0 =	vor.u32 $0x100, v0;
	_ =	sdelay $0x4  }
0x2d5: {  	v0 =	vld.idx.msk [tilespmem:v0+s13+$0x0], $0xffff;
	_ =	sdelay $0x4  }
0x2d6: {  	[tilespmem:s19+$0x260] =	vst v0  }
0x2d7: {  	v0 =	vld [tilespmem:$0x70];
	_ =	sdelay $0x4  }
0x2d8: {  	v39 =	vshll.u32 v0, $0x2  }
0x2d9: {  	v0 =	vand.u32 $0x7F, v0;
	v1 =	vand.u32 $0xFFFFFE00, v39  }
0x2da: {  	v0 =	vor.u32 v1, v0  }
0x2db: {  	v0 =	vor.u32 $0x100, v0;
	_ =	sdelay $0x4  }
0x2dc: {  	v0 =	vld.idx.msk [tilespmem:v0+s13+$0x0], $0xffff;
	_ =	sdelay $0x4  }
0x2dd: {  	[tilespmem:s19+$0x270] =	vst v0  }
0x2de: {  	v0 =	vld [tilespmem:$0x80];
	_ =	sdelay $0x4  }
0x2df: {  	v40 =	vshll.u32 v0, $0x2  }
0x2e0: {  	v0 =	vand.u32 $0x7F, v0;
	v1 =	vand.u32 $0xFFFFFE00, v40  }
0x2e1: {  	v0 =	vor.u32 v1, v0  }
0x2e2: {  	v0 =	vor.u32 $0x100, v0;
	_ =	sdelay $0x4  }
0x2e3: {  	v0 =	vld.idx.msk [tilespmem:v0+s13+$0x0], $0xffff;
	_ =	sdelay $0x4  }
0x2e4: {  	[tilespmem:s19+$0x280] =	vst v0  }
0x2e5: {  	v0 =	vld [tilespmem:$0x90];
	_ =	sdelay $0x4  }
0x2e6: {  	v41 =	vshll.u32 v0, $0x2  }
0x2e7: {  	v0 =	vand.u32 $0x7F, v0;
	v1 =	vand.u32 $0xFFFFFE00, v41  }
0x2e8: {  	v0 =	vor.u32 v1, v0  }
0x2e9: {  	v0 =	vor.u32 $0x100, v0;
	_ =	sdelay $0x4  }
0x2ea: {  	v0 =	vld.idx.msk [tilespmem:v0+s13+$0x0], $0xffff;
	_ =	sdelay $0x4  }
0x2eb: {  	[tilespmem:s19+$0x290] =	vst v0  }
0x2ec: {  	v0 =	vld [tilespmem:$0xA0];
	_ =	sdelay $0x4  }
0x2ed: {  	v42 =	vshll.u32 v0, $0x2  }
0x2ee: {  	v0 =	vand.u32 $0x7F, v0;
	v1 =	vand.u32 $0xFFFFFE00, v42  }
0x2ef: {  	v0 =	vor.u32 v1, v0  }
0x2f0: {  	v0 =	vor.u32 $0x100, v0;
	_ =	sdelay $0x4  }
0x2f1: {  	v0 =	vld.idx.msk [tilespmem:v0+s13+$0x0], $0xffff;
	_ =	sdelay $0x4  }
0x2f2: {  	[tilespmem:s19+$0x2A0] =	vst v0  }
0x2f3: {  	v0 =	vld [tilespmem:$0xB0];
	_ =	sdelay $0x4  }
0x2f4: {  	v43 =	vshll.u32 v0, $0x2  }
0x2f5: {  	v0 =	vand.u32 $0x7F, v0;
	v1 =	vand.u32 $0xFFFFFE00, v43  }
0x2f6: {  	v0 =	vor.u32 v1, v0  }
0x2f7: {  	v0 =	vor.u32 $0x100, v0;
	_ =	sdelay $0x4  }
0x2f8: {  	v0 =	vld.idx.msk [tilespmem:v0+s13+$0x0], $0xffff;
	_ =	sdelay $0x4  }
0x2f9: {  	[tilespmem:s19+$0x2B0] =	vst v0  }
0x2fa: {  	v0 =	vld [tilespmem:$0xC0];
	_ =	sdelay $0x4  }
0x2fb: {  	v44 =	vshll.u32 v0, $0x2  }
0x2fc: {  	v0 =	vand.u32 $0x7F, v0;
	v1 =	vand.u32 $0xFFFFFE00, v44  }
0x2fd: {  	v0 =	vor.u32 v1, v0  }
0x2fe: {  	v0 =	vor.u32 $0x100, v0;
	_ =	sdelay $0x4  }
0x2ff: {  	v0 =	vld.idx.msk [tilespmem:v0+s13+$0x0], $0xffff;
	_ =	sdelay $0x4  }
0x300: {  	[tilespmem:s19+$0x2C0] =	vst v0  }
0x301: {  	v0 =	vld [tilespmem:$0xD0];
	_ =	sdelay $0x4  }
0x302: {  	v45 =	vshll.u32 v0, $0x2  }
0x303: {  	v0 =	vand.u32 $0x7F, v0;
	v1 =	vand.u32 $0xFFFFFE00, v45  }
0x304: {  	v0 =	vor.u32 v1, v0  }
0x305: {  	v0 =	vor.u32 $0x100, v0;
	_ =	sdelay $0x4  }
0x306: {  	v0 =	vld.idx.msk [tilespmem:v0+s13+$0x0], $0xffff;
	_ =	sdelay $0x4  }
0x307: {  	[tilespmem:s19+$0x2D0] =	vst v0  }
0x308: {  	v0 =	vld [tilespmem:$0xE0];
	_ =	sdelay $0x4  }
0x309: {  	v46 =	vshll.u32 v0, $0x2  }
0x30a: {  	v0 =	vand.u32 $0x7F, v0;
	v1 =	vand.u32 $0xFFFFFE00, v46  }
0x30b: {  	v0 =	vor.u32 v1, v0  }
0x30c: {  	v0 =	vor.u32 $0x100, v0;
	_ =	sdelay $0x4  }
0x30d: {  	v0 =	vld.idx.msk [tilespmem:v0+s13+$0x0], $0xffff;
	_ =	sdelay $0x4  }
0x30e: {  	[tilespmem:s19+$0x2E0] =	vst v0  }
0x30f: {  	v0 =	vld [tilespmem:$0xF0];
	_ =	sdelay $0x4  }
0x310: {  	v47 =	vshll.u32 v0, $0x2  }
0x311: {  	v0 =	vand.u32 $0x7F, v0;
	v1 =	vand.u32 $0xFFFFFE00, v47  }
0x312: {  	v0 =	vor.u32 v1, v0  }
0x313: {  	v0 =	vor.u32 $0x100, v0;
	_ =	sdelay $0x4  }
0x314: {  	v0 =	vld.idx.msk [tilespmem:v0+s13+$0x0], $0xffff;
	_ =	sdelay $0x4  }
0x315: {  	[tilespmem:s19+$0x2F0] =	vst v0  }
0x316: {  	v0 =	vld [tilespmem:$0x0];
	_ =	sdelay $0x4  }
0x317: {  	v48 =	vshll.u32 v0, $0x2  }
0x318: {  	v0 =	vand.u32 $0x7F, v0;
	v1 =	vand.u32 $0xFFFFFE00, v48  }
0x319: {  	v0 =	vor.u32 v1, v0  }
0x31a: {  	v0 =	vor.u32 $0x180, v0;
	_ =	sdelay $0x4  }
0x31b: {  	v0 =	vld.idx.msk [tilespmem:v0+s13+$0x0], $0xffff;
	_ =	sdelay $0x4  }
0x31c: {  	[tilespmem:s19+$0x300] =	vst v0  }
0x31d: {  	v0 =	vld [tilespmem:$0x10];
	_ =	sdelay $0x4  }
0x31e: {  	v49 =	vshll.u32 v0, $0x2  }
0x31f: {  	v0 =	vand.u32 $0x7F, v0;
	v1 =	vand.u32 $0xFFFFFE00, v49  }
0x320: {  	v0 =	vor.u32 v1, v0  }
0x321: {  	v0 =	vor.u32 $0x180, v0;
	_ =	sdelay $0x4  }
0x322: {  	v0 =	vld.idx.msk [tilespmem:v0+s13+$0x0], $0xffff;
	_ =	sdelay $0x4  }
0x323: {  	[tilespmem:s19+$0x310] =	vst v0  }
0x324: {  	v0 =	vld [tilespmem:$0x20];
	_ =	sdelay $0x4  }
0x325: {  	v50 =	vshll.u32 v0, $0x2  }
0x326: {  	v0 =	vand.u32 $0x7F, v0;
	v1 =	vand.u32 $0xFFFFFE00, v50  }
0x327: {  	v0 =	vor.u32 v1, v0  }
0x328: {  	v0 =	vor.u32 $0x180, v0;
	_ =	sdelay $0x4  }
0x329: {  	v0 =	vld.idx.msk [tilespmem:v0+s13+$0x0], $0xffff;
	_ =	sdelay $0x4  }
0x32a: {  	[tilespmem:s19+$0x320] =	vst v0  }
0x32b: {  	v0 =	vld [tilespmem:$0x30];
	_ =	sdelay $0x4  }
0x32c: {  	v51 =	vshll.u32 v0, $0x2  }
0x32d: {  	v0 =	vand.u32 $0x7F, v0;
	v1 =	vand.u32 $0xFFFFFE00, v51  }
0x32e: {  	v0 =	vor.u32 v1, v0  }
0x32f: {  	v0 =	vor.u32 $0x180, v0;
	_ =	sdelay $0x4  }
0x330: {  	v0 =	vld.idx.msk [tilespmem:v0+s13+$0x0], $0xffff;
	_ =	sdelay $0x4  }
0x331: {  	[tilespmem:s19+$0x330] =	vst v0  }
0x332: {  	v0 =	vld [tilespmem:$0x40];
	_ =	sdelay $0x4  }
0x333: {  	v52 =	vshll.u32 v0, $0x2  }
0x334: {  	v0 =	vand.u32 $0x7F, v0;
	v1 =	vand.u32 $0xFFFFFE00, v52  }
0x335: {  	v0 =	vor.u32 v1, v0  }
0x336: {  	v0 =	vor.u32 $0x180, v0;
	_ =	sdelay $0x4  }
0x337: {  	v0 =	vld.idx.msk [tilespmem:v0+s13+$0x0], $0xffff;
	_ =	sdelay $0x4  }
0x338: {  	[tilespmem:s19+$0x340] =	vst v0  }
0x339: {  	v0 =	vld [tilespmem:$0x50];
	_ =	sdelay $0x4  }
0x33a: {  	v53 =	vshll.u32 v0, $0x2  }
0x33b: {  	v0 =	vand.u32 $0x7F, v0;
	v1 =	vand.u32 $0xFFFFFE00, v53  }
0x33c: {  	v0 =	vor.u32 v1, v0  }
0x33d: {  	v0 =	vor.u32 $0x180, v0;
	_ =	sdelay $0x4  }
0x33e: {  	v0 =	vld.idx.msk [tilespmem:v0+s13+$0x0], $0xffff;
	_ =	sdelay $0x4  }
0x33f: {  	[tilespmem:s19+$0x350] =	vst v0  }
0x340: {  	v0 =	vld [tilespmem:$0x60];
	_ =	sdelay $0x4  }
0x341: {  	v54 =	vshll.u32 v0, $0x2  }
0x342: {  	v0 =	vand.u32 $0x7F, v0;
	v1 =	vand.u32 $0xFFFFFE00, v54  }
0x343: {  	v0 =	vor.u32 v1, v0  }
0x344: {  	v0 =	vor.u32 $0x180, v0;
	_ =	sdelay $0x4  }
0x345: {  	v0 =	vld.idx.msk [tilespmem:v0+s13+$0x0], $0xffff;
	_ =	sdelay $0x4  }
0x346: {  	[tilespmem:s19+$0x360] =	vst v0  }
0x347: {  	v0 =	vld [tilespmem:$0x70];
	_ =	sdelay $0x4  }
0x348: {  	v55 =	vshll.u32 v0, $0x2  }
0x349: {  	v0 =	vand.u32 $0x7F, v0;
	v1 =	vand.u32 $0xFFFFFE00, v55  }
0x34a: {  	v0 =	vor.u32 v1, v0  }
0x34b: {  	v0 =	vor.u32 $0x180, v0;
	_ =	sdelay $0x4  }
0x34c: {  	v0 =	vld.idx.msk [tilespmem:v0+s13+$0x0], $0xffff;
	_ =	sdelay $0x4  }
0x34d: {  	[tilespmem:s19+$0x370] =	vst v0  }
0x34e: {  	v0 =	vld [tilespmem:$0x80];
	_ =	sdelay $0x4  }
0x34f: {  	v56 =	vshll.u32 v0, $0x2  }
0x350: {  	v0 =	vand.u32 $0x7F, v0;
	v1 =	vand.u32 $0xFFFFFE00, v56  }
0x351: {  	v0 =	vor.u32 v1, v0  }
0x352: {  	v0 =	vor.u32 $0x180, v0;
	_ =	sdelay $0x4  }
0x353: {  	v0 =	vld.idx.msk [tilespmem:v0+s13+$0x0], $0xffff;
	_ =	sdelay $0x4  }
0x354: {  	[tilespmem:s19+$0x380] =	vst v0  }
0x355: {  	v0 =	vld [tilespmem:$0x90];
	_ =	sdelay $0x4  }
0x356: {  	v57 =	vshll.u32 v0, $0x2  }
0x357: {  	v0 =	vand.u32 $0x7F, v0;
	v1 =	vand.u32 $0xFFFFFE00, v57  }
0x358: {  	v0 =	vor.u32 v1, v0  }
0x359: {  	v0 =	vor.u32 $0x180, v0;
	_ =	sdelay $0x4  }
0x35a: {  	v0 =	vld.idx.msk [tilespmem:v0+s13+$0x0], $0xffff;
	_ =	sdelay $0x4  }
0x35b: {  	[tilespmem:s19+$0x390] =	vst v0  }
0x35c: {  	v0 =	vld [tilespmem:$0xA0];
	_ =	sdelay $0x4  }
0x35d: {  	v58 =	vshll.u32 v0, $0x2  }
0x35e: {  	v0 =	vand.u32 $0x7F, v0;
	v1 =	vand.u32 $0xFFFFFE00, v58  }
0x35f: {  	v0 =	vor.u32 v1, v0  }
0x360: {  	v0 =	vor.u32 $0x180, v0;
	_ =	sdelay $0x4  }
0x361: {  	v0 =	vld.idx.msk [tilespmem:v0+s13+$0x0], $0xffff;
	_ =	sdelay $0x4  }
0x362: {  	[tilespmem:s19+$0x3A0] =	vst v0  }
0x363: {  	v0 =	vld [tilespmem:$0xB0];
	_ =	sdelay $0x4  }
0x364: {  	v59 =	vshll.u32 v0, $0x2  }
0x365: {  	v0 =	vand.u32 $0x7F, v0;
	v1 =	vand.u32 $0xFFFFFE00, v59  }
0x366: {  	v0 =	vor.u32 v1, v0  }
0x367: {  	v0 =	vor.u32 $0x180, v0;
	_ =	sdelay $0x4  }
0x368: {  	v0 =	vld.idx.msk [tilespmem:v0+s13+$0x0], $0xffff;
	_ =	sdelay $0x4  }
0x369: {  	[tilespmem:s19+$0x3B0] =	vst v0  }
0x36a: {  	v0 =	vld [tilespmem:$0xC0];
	_ =	sdelay $0x4  }
0x36b: {  	v60 =	vshll.u32 v0, $0x2  }
0x36c: {  	v0 =	vand.u32 $0x7F, v0;
	v1 =	vand.u32 $0xFFFFFE00, v60  }
0x36d: {  	v0 =	vor.u32 v1, v0  }
0x36e: {  	v0 =	vor.u32 $0x180, v0;
	_ =	sdelay $0x4  }
0x36f: {  	v0 =	vld.idx.msk [tilespmem:v0+s13+$0x0], $0xffff;
	_ =	sdelay $0x4  }
0x370: {  	[tilespmem:s19+$0x3C0] =	vst v0  }
0x371: {  	v0 =	vld [tilespmem:$0xD0];
	_ =	sdelay $0x4  }
0x372: {  	v61 =	vshll.u32 v0, $0x2  }
0x373: {  	v0 =	vand.u32 $0x7F, v0;
	v1 =	vand.u32 $0xFFFFFE00, v61  }
0x374: {  	v0 =	vor.u32 v1, v0  }
0x375: {  	v0 =	vor.u32 $0x180, v0;
	_ =	sdelay $0x4  }
0x376: {  	v0 =	vld.idx.msk [tilespmem:v0+s13+$0x0], $0xffff;
	_ =	sdelay $0x4  }
0x377: {  	[tilespmem:s19+$0x3D0] =	vst v0  }
0x378: {  	v0 =	vld [tilespmem:$0xE0];
	_ =	sdelay $0x4  }
0x379: {  	v62 =	vshll.u32 v0, $0x2  }
0x37a: {  	v0 =	vand.u32 $0x7F, v0;
	v1 =	vand.u32 $0xFFFFFE00, v62  }
0x37b: {  	v0 =	vor.u32 v1, v0  }
0x37c: {  	v0 =	vor.u32 $0x180, v0;
	_ =	sdelay $0x4  }
0x37d: {  	v0 =	vld.idx.msk [tilespmem:v0+s13+$0x0], $0xffff;
	_ =	sdelay $0x4  }
0x37e: {  	[tilespmem:s19+$0x3E0] =	vst v0  }
0x37f: {  	v0 =	vld [tilespmem:$0xF0];
	_ =	sdelay $0x4  }
0x380: {  	v63 =	vshll.u32 v0, $0x2  }
0x381: {  	v0 =	vand.u32 $0x7F, v0;
	v1 =	vand.u32 $0xFFFFFE00, v63  }
0x382: {  	v0 =	vor.u32 v1, v0  }
0x383: {  	v0 =	vor.u32 $0x180, v0;
	_ =	sdelay $0x4  }
0x384: {  	v0 =	vld.idx.msk [tilespmem:v0+s13+$0x0], $0xffff  }
.Ltmp2:
0x385: {  	_ = 	snop;
	(pc) =	sbr.rel @p0 .LBB2_4-.Ltmp2, $2  }
0x386: {  	_ =	sdelay $0x2  }
0x387: {  	[tilespmem:s19+$0x3F0] =	vst v0  }
.Ltmp3:
0x388: {  	(pc) =	sbr.rel .LBB2_2-.Ltmp3, $4  }
0x389: {  	_ = 	snop  }
0x38a: {  	s20 =	sadd.s32 s18, s8  }
0x38b: {  	s18 =	sadd.s32 $0x1F80, s18;
	s19 =	sadd.s32 $0x800, s19;
	s20 =	sadd.s32 $0x7E40, s20  }
0x38c: {  	[tilespmem:s13], [sflag:$0x2] =	stream.strided.gather [hbm4b:s20+s10], $0x7E00, s11, s10, $0x38;
	[tilespmem:$0x11D00] =	vst v63  }
.LBB2_5:
0x38d: {  	_ =	sfence.sel $0x180000  }
0x38e: {  	[bflag:$0x0] =	sbarrier.arrive $0xFFFF  }
0x38f: {  	p0 =	sne.s32 s1, $0x0;
	_ =	strace $0x90000047  }
0x390: {  	s0 =	sadd.s32 @!p0 $0x100000, s0;
	[bflag:$0x2] =	sbarrier.arrive $0xFFFF  }
0x391: {  	[sflag:s0] =	ssyncadd.tile.s32 @!p0 $0x1;
	_ =	shalt  }
.Lfunc_end2:
_tile_overlayer_lowered:
.L_overlay_start_2:
0x392: {  	(tag) =	ssettag $0x2  }
0x393: {  	s0 =	rddreg [dreg:$0x0];
	s2 =	stileid.u32  }
0x394: {  	s1 =	rddreg [dreg:$0x1];
	p0 =	sne.s32 s2, $0x0  }
0x395: {  	s3 =	rddreg [dreg:$0x2];
	[bflag:$0x3] =	sbarrier.arrive $0xFFFF;
	s2 =	simm.s32 @!p0 $0x1C03  }
0x396: {  	[timem:s3], [sflag:s2] =	dma.local @!p0 [hbm:s0], s1  }
0x397: {  	s0 =	simm.s32 @!p0 $0x3  }
0x398: {  	_ =	swait.ge @!p0 [sflag:s0], s1  }
0x399: {  	s1 =	ssub.s32 @!p0 $0x0, s1;
	[sflag:s0] =	ssyncset.done @!p0 $0x0  }
0x39a: {  	[sflag:s0] =	ssyncadd.s32 @!p0 s1  }
0x39b: {  	[bflag:$0x3] =	sbarrier.arrive $0xFFFF  }
0x39c: {  	_ =	shalt  }

</sc_bundles>
